<compile_context>
chip_gen: v7x
topology: tpu7x:2x2x1
jax: 0.10.2.dev20260603
libtpu: 0.0.44.dev20260713+nightly
codegen_flags: <defaults>
</compile_context>

<pallas_src>
import jax
import jax.numpy as jnp
from jax import lax
from jax.experimental import pallas as pl
from jax.experimental.pallas import tpu as pltpu
from jax.experimental.pallas import tpu_sc as plsc

B, C, H, W = 8, 80, 128, 128
HW = H * W
K_OUT = 300
K_PAD = 304
CAP = 512
CBLK = 40
INTMAX = 0x7FFFFFFF
ONE_BITS = 0x3F800000
NBUCKET = 512
NCLS_PER_SUB = C // 4
NG = 4 * CAP // 16
NROW = C * H
NROW_SUB = NROW // 4
RCAP = 496
NRING = 4


def _nms_kernel(x_ref, rmax_ref):
    x = x_ref[0]
    neg_row = jnp.full((CBLK, 1, W), -1.0, jnp.float32)
    up = jnp.concatenate([x[:, 1:], neg_row], axis=1)
    dn = jnp.concatenate([neg_row, x[:, :-1]], axis=1)
    rmax = jnp.maximum(jnp.maximum(x, up), dn)
    neg_col = jnp.full((CBLK, H, 1), -1.0, jnp.float32)
    lf = jnp.concatenate([rmax[:, :, 1:], neg_col], axis=2)
    rt = jnp.concatenate([neg_col, rmax[:, :, :-1]], axis=2)
    hmax = jnp.maximum(jnp.maximum(rmax, lf), rt)
    m = jnp.where(hmax == x, x, 0.0)
    rmax_ref[0, 0] = jnp.max(m, axis=2)


def _tc_stage(scores):
    return pl.pallas_call(
        _nms_kernel,
        grid=(B, C // CBLK),
        in_specs=[pl.BlockSpec((1, CBLK, H, W), lambda b, c: (b, c, 0, 0))],
        out_specs=[
            pl.BlockSpec((1, 1, CBLK, H), lambda b, c: (b, c, 0, 0)),
        ],
        out_shape=[
            jax.ShapeDtypeStruct((B, C // CBLK, CBLK, H), jnp.float32),
        ],
    )(scores)


def _sc_body(xflat, rmaxf, whf, offf, out,
             rmax_v, hist_v, rlist, rbuf, rowm, sbuf, ibuf,
             ms, mi, l1s, l1i, whv, offv, outv,
             ss_sh, ii_sh, dsem):
    cid = lax.axis_index("c")
    sid = lax.axis_index("s")
    b = cid * 4 + (sid >> 2)
    p = sid & 3
    iota16 = lax.iota(jnp.int32, 16)
    k1 = jnp.int32(ONE_BITS)

    pltpu.sync_copy(rmaxf.at[pl.ds(b * NROW, NROW)], rmax_v)

    def zb(i, _):
        hist_v[pl.ds(i * 16, 16)] = jnp.zeros((16,), jnp.int32)
        return 0

    lax.fori_loop(0, NBUCKET // 16, zb, 0)

    ones16 = jnp.full((16,), 1, jnp.int32)

    def hb(i, _):
        v = rmax_v[pl.ds(i * 16, 16)]
        f = (k1 - plsc.bitcast(v, jnp.int32)).astype(jnp.float32)
        bucket = jnp.clip(
            lax.shift_right_logical(plsc.bitcast(f, jnp.int32), 19) - 2032,
            0, NBUCKET - 1)
        plsc.addupdate_scatter(hist_v, [bucket], ones16, mask=v > 0.0)
        return 0

    lax.fori_loop(0, NROW // 16, hb, 0)

    def cb(i, carry):
        cum, bstar = carry
        hv = hist_v[pl.ds(i * 16, 16)]
        cs = plsc.cumsum(hv) + cum
        crossed = cs >= K_OUT
        anyc = lax.reduce_max(plsc.all_reduce_population_count(crossed), (0,))
        lane = lax.reduce_max(plsc.all_reduce_ffs(crossed), (0,))
        newb = jnp.where((bstar < 0) & (anyc > 0), i * 16 + lane, bstar)
        return lax.reduce_max(cs, (0,)), newb

    _, bstar = lax.fori_loop(0, NBUCKET // 16, cb,
                             (jnp.int32(0), jnp.int32(-1)))
    bstar = jnp.where(bstar < 0, NBUCKET - 1, bstar)
    fvec = plsc.bitcast(jnp.zeros((16,), jnp.int32) + ((bstar + 2033) << 19),
                        jnp.float32)

    def rl(i, rptr):
        v = rmax_v[pl.ds(p * NROW_SUB + i * 16, 16)]
        f = (k1 - plsc.bitcast(v, jnp.int32)).astype(jnp.float32)
        pm = (f < fvec) & (v > 0.0)
        relv = p * NROW_SUB + i * 16 + iota16
        plsc.store_compressed(rlist.at[pl.ds(rptr, 16)], relv, mask=pm)
        cnt = lax.reduce_max(plsc.all_reduce_population_count(pm), (0,))
        return jnp.minimum(rptr + cnt, RCAP)

    rcnt = lax.fori_loop(0, NROW_SUB // 16, rl, jnp.int32(0))

    def fillb(j, _):
        sbuf[pl.ds(j * 16, 16)] = jnp.full((16,), -1.0, jnp.float32)
        ibuf[pl.ds(j * 16, 16)] = jnp.full((16,), INTMAX, jnp.int32)
        return 0

    lax.fori_loop(0, (CAP + 16) // 16, fillb, 0)

    def row_of(c):
        rlv = rlist[pl.ds((c // 16) * 16, 16)]
        return lax.reduce_max(jnp.where(iota16 == (c % 16), rlv, 0), (0,))

    def dma_of(c, rel):
        absrow = b * C * H + rel
        srow = jnp.clip(absrow - 1, 0, B * C * H - 3)
        return pltpu.make_async_copy(
            xflat.at[pl.ds(srow * W, 3 * W)],
            rbuf.at[pl.ds((c % NRING) * 3 * W, 3 * W)],
            dsem.at[c % NRING])

    def prol(c, _):
        @pl.when(c < rcnt)
        def _():
            dma_of(c, row_of(c)).start()
        return 0

    lax.fori_loop(0, NRING, prol, 0)

    def row_body(c, ptr):
        rel = row_of(c)
        y = rel & (H - 1)
        slot = c % NRING
        dma_of(c, rel).wait()
        absrow = b * C * H + rel
        co = (absrow - jnp.clip(absrow - 1, 0, B * C * H - 3)) * W
        upoff = jnp.where(y == 0, co, co - W)
        dnoff = jnp.where(y == H - 1, co, co + W)
        sb = slot * 3 * W

        negv = jnp.full((16,), -1.0, jnp.float32)
        rowm[pl.ds(0, 16)] = negv
        rowm[pl.ds(16 + W, 16)] = negv

        def vj(j, _):
            mid = rbuf[pl.ds(sb + co + j * 16, 16)]
            upv = jnp.where(y == 0, -1.0, rbuf[pl.ds(sb + upoff + j * 16, 16)])
            dnv = jnp.where(y == H - 1, -1.0,
                            rbuf[pl.ds(sb + dnoff + j * 16, 16)])
            rowm[pl.ds(16 + j * 16, 16)] = jnp.maximum(jnp.maximum(mid, upv),
                                                       dnv)
            return 0

        lax.fori_loop(0, W // 16, vj, 0)

        def jbody(j, ptr):
            mid = rbuf[pl.ds(sb + co + j * 16, 16)]
            lfv = rowm[pl.ds(15 + j * 16, 16)]
            cv = rowm[pl.ds(16 + j * 16, 16)]
            rtv = rowm[pl.ds(17 + j * 16, 16)]
            hm = jnp.maximum(jnp.maximum(lfv, cv), rtv)
            mval = jnp.where(hm == mid, mid, 0.0)
            f = (k1 - plsc.bitcast(mval, jnp.int32)).astype(jnp.float32)
            msk = (f < fvec) & (mval > 0.0)
            plsc.store_compressed(sbuf.at[pl.ds(ptr, 16)], mval, mask=msk)
            idxv = rel * W + j * 16 + iota16
            plsc.store_compressed(ibuf.at[pl.ds(ptr, 16)], idxv, mask=msk)
            cnt = lax.reduce_max(plsc.all_reduce_population_count(msk), (0,))
            return jnp.minimum(ptr + cnt, CAP)

        ptr = lax.fori_loop(0, W // 16, jbody, ptr)

        @pl.when(c + NRING < rcnt)
        def _():
            dma_of(c + NRING, row_of(c + NRING)).start()

        return ptr

    lax.fori_loop(0, rcnt, row_body, jnp.int32(0))

    pltpu.sync_copy(sbuf.at[pl.ds(0, CAP)], ss_sh.at[sid])
    pltpu.sync_copy(ibuf.at[pl.ds(0, CAP)], ii_sh.at[sid])
    plsc.subcore_barrier()

    @pl.when(sid < 4)
    def _merge():
        mb = cid * 4 + sid
        for q in range(4):
            pltpu.sync_copy(ss_sh.at[4 * sid + q], ms.at[pl.ds(q * CAP, CAP)])
            pltpu.sync_copy(ii_sh.at[4 * sid + q], mi.at[pl.ds(q * CAP, CAP)])
        pltpu.sync_copy(whf.at[pl.ds(mb * 2 * HW, 2 * HW)], whv)
        pltpu.sync_copy(offf.at[pl.ds(mb * 2 * HW, 2 * HW)], offv)

        NV = NG // 16

        def g_outer(t, _):
            def g_inner(k, carry):
                accs, acci = carry
                g = t * 16 + k
                sv = ms[pl.ds(g * 16, 16)]
                iv = mi[pl.ds(g * 16, 16)]
                smax = lax.reduce_max(sv, (0,))
                imin = lax.reduce_min(jnp.where(sv == smax, iv, INTMAX), (0,))
                return (jnp.where(iota16 == k, smax, accs),
                        jnp.where(iota16 == k, imin, acci))

            accs, acci = lax.fori_loop(
                0, 16, g_inner,
                (jnp.full((16,), -3.0, jnp.float32),
                 jnp.full((16,), INTMAX, jnp.int32)))
            l1s[pl.ds(t * 16, 16)] = accs
            l1i[pl.ds(t * 16, 16)] = acci
            return 0

        lax.fori_loop(0, NV, g_outer, 0)
        l1sv = tuple(l1s[pl.ds(t * 16, 16)] for t in range(NV))
        l1iv = tuple(l1i[pl.ds(t * 16, 16)] for t in range(NV))

        mbf = mb.astype(jnp.float32)

        def rank_outer(gg, carry):
            *l1regs, poscnt = carry
            l1sv = tuple(l1regs[:NV])
            l1iv = tuple(l1regs[NV:])

            def rank_inner(k, carry2):
                l1sv, l1iv, poscnt, idxacc = carry2
                r = gg * 16 + k
                smax_v = l1sv[0]
                for t in range(1, NV):
                    smax_v = jnp.maximum(smax_v, l1sv[t])
                sstar = lax.reduce_max(smax_v, (0,))
                imin_v = jnp.where(l1sv[0] == sstar, l1iv[0], INTMAX)
                for t in range(1, NV):
                    imin_v = jnp.minimum(
                        imin_v, jnp.where(l1sv[t] == sstar, l1iv[t], INTMAX))
                istar = lax.reduce_min(imin_v, (0,))
                g_v = jnp.full((16,), NG, jnp.int32)
                for t in range(NV):
                    g_v = jnp.where((l1sv[t] == sstar) & (l1iv[t] == istar),
                                    iota16 + t * 16, g_v)
                g = lax.reduce_min(g_v, (0,))
                sv = ms[pl.ds(g * 16, 16)]
                iv = mi[pl.ds(g * 16, 16)]
                lane = lax.reduce_min(
                    jnp.where((sv == sstar) & (iv == istar), iota16, 16), (0,))
                valid = sstar > 0.0
                emit = jnp.where(valid, istar, r - poscnt)
                poscnt = poscnt + jnp.where(valid, 1, 0)
                idxacc = jnp.where(iota16 == k, emit, idxacc)
                sv2 = jnp.where(iota16 == lane, -2.0, sv)
                ms[pl.ds(g * 16, 16)] = sv2
                ns = lax.reduce_max(sv2, (0,))
                ni = lax.reduce_min(jnp.where(sv2 == ns, iv, INTMAX), (0,))
                gq = g >> 4
                gl = g & 15
                l1sv = tuple(
                    jnp.where((gq == t) & (iota16 == gl), ns, l1sv[t])
                    for t in range(NV))
                l1iv = tuple(
                    jnp.where((gq == t) & (iota16 == gl), ni, l1iv[t])
                    for t in range(NV))
                return l1sv, l1iv, poscnt, idxacc

            (l1sv, l1iv, poscnt, idxacc) = lax.fori_loop(
                0, 16, rank_inner,
                (l1sv, l1iv, poscnt, jnp.zeros((16,), jnp.int32)))

            sp = idxacc & (HW - 1)
            reg0 = plsc.load_gather(offv, [sp])
            reg1 = plsc.load_gather(offv, [sp + HW])
            w0 = plsc.load_gather(whv, [sp])
            h0 = plsc.load_gather(whv, [sp + HW])
            xs = (sp & (W - 1)).astype(jnp.float32) + reg0
            ys = (sp >> 7).astype(jnp.float32) + reg1
            outv[pl.ds(0 * K_PAD + gg * 16, 16)] = jnp.zeros((16,), jnp.float32) + mbf
            outv[pl.ds(1 * K_PAD + gg * 16, 16)] = (xs - w0 * 0.5) * 4.0
            outv[pl.ds(2 * K_PAD + gg * 16, 16)] = (ys - h0 * 0.5) * 4.0
            outv[pl.ds(3 * K_PAD + gg * 16, 16)] = (xs + w0 * 0.5) * 4.0
            outv[pl.ds(4 * K_PAD + gg * 16, 16)] = (ys + h0 * 0.5) * 4.0
            return (*l1sv, *l1iv, poscnt)

        lax.fori_loop(0, K_PAD // 16, rank_outer,
                      (*l1sv, *l1iv, jnp.int32(0)))
        pltpu.sync_copy(outv, out.at[pl.ds(mb * 5 * K_PAD, 5 * K_PAD)])


def _sc_stage(xflat, rmaxflat, whflat, offflat):
    mesh = plsc.VectorSubcoreMesh(core_axis_name="c", subcore_axis_name="s")
    f32, i32 = jnp.float32, jnp.int32
    fn = pl.kernel(
        _sc_body,
        out_type=jax.ShapeDtypeStruct((B * 5 * K_PAD,), f32),
        mesh=mesh,
        compiler_params=pltpu.CompilerParams(needs_layout_passes=False),
        scratch_types=[
            pltpu.VMEM((NROW,), f32),
            pltpu.VMEM((NBUCKET,), i32),
            pltpu.VMEM((RCAP + 16,), i32),
            pltpu.VMEM((NRING * 3 * W,), f32),
            pltpu.VMEM((2 * 16 + W,), f32),
            pltpu.VMEM((CAP + 16,), f32),
            pltpu.VMEM((CAP + 16,), i32),
            pltpu.VMEM((4 * CAP,), f32),
            pltpu.VMEM((4 * CAP,), i32),
            pltpu.VMEM((NG,), f32),
            pltpu.VMEM((NG,), i32),
            pltpu.VMEM((2 * HW,), f32),
            pltpu.VMEM((2 * HW,), f32),
            pltpu.VMEM((5 * K_PAD,), f32),
            pltpu.VMEM_SHARED((16, CAP), f32),
            pltpu.VMEM_SHARED((16, CAP), i32),
            pltpu.SemaphoreType.DMA((NRING,)),
        ],
    )
    return fn(xflat, rmaxflat, whflat, offflat)


def kernel(scores, wh_deltas, offset_deltas, im_info):
    rmax, = _tc_stage(scores)
    sc_out = _sc_stage(scores.reshape(-1), rmax.reshape(-1),
                       wh_deltas.reshape(-1), offset_deltas.reshape(-1))
    return jnp.transpose(sc_out.reshape(B, 5, K_PAD), (0, 2, 1))[:, :K_OUT, :]

# --- scband reference (transcript-rebuilt; emitter-appended) ---
"""Pipeline reference for scband-proposal-layer-103079215569 (READ-ONLY COPY).

The authoritative reference and input builder live on the scoring server;
editing this copy changes nothing except your own understanding.
"""

import jax, jax.numpy as jnp
import numpy as np

FEAT_STRIDE = 4
POST_NMS_TOP_N = 300


def _pseudo_nms(heat):
    # torch: max_pool2d(heat, 3, stride=1, padding=1); keep = (hmax == heat)
    hmax = jax.lax.reduce_window(heat, -jnp.inf, jax.lax.max, (1, 1, 3, 3), (1, 1, 1, 1), 'SAME')
    keep = (hmax == heat).astype(heat.dtype)
    return heat * keep


def _gather_feat(feat, ind):
    # feat: [B, N, D], ind: [B, K] -> [B, K, D]
    return jnp.take_along_axis(feat, ind[:, :, None], axis=1)


def _transpose_and_gather_feat(feat, ind):
    b, d = feat.shape[0], feat.shape[1]
    feat = jnp.transpose(feat, (0, 2, 3, 1)).reshape(b, -1, d)
    return _gather_feat(feat, ind)


def _topk(scores, K):
    b, c, h, w = scores.shape
    topk_scores, topk_inds = jax.lax.top_k(scores.reshape(b, c, h * w), K)
    topk_inds = topk_inds % (h * w)
    topk_ys = (topk_inds // w).astype(jnp.float32)
    topk_xs = (topk_inds % w).astype(jnp.float32)
    topk_score, topk_ind = jax.lax.top_k(topk_scores.reshape(b, c * K), K)
    topk_clses = (topk_ind // K).astype(jnp.float32)
    topk_inds = jnp.take_along_axis(topk_inds.reshape(b, c * K), topk_ind, axis=1)
    topk_ys = jnp.take_along_axis(topk_ys.reshape(b, c * K), topk_ind, axis=1)
    topk_xs = jnp.take_along_axis(topk_xs.reshape(b, c * K), topk_ind, axis=1)
    return topk_score, topk_inds, topk_clses, topk_ys, topk_xs


def ctdet_decode(heat, wh, reg, K):
    heat = _pseudo_nms(heat)
    scores, inds, clses, ys, xs = _topk(heat, K)
    reg = _transpose_and_gather_feat(reg, inds)
    xs = xs[:, :, None] + reg[:, :, 0:1]
    ys = ys[:, :, None] + reg[:, :, 1:2]
    wh = _transpose_and_gather_feat(wh, inds)
    bboxes = jnp.concatenate([
        xs - wh[..., 0:1] / 2.0,
        ys - wh[..., 1:2] / 2.0,
        xs + wh[..., 0:1] / 2.0,
        ys + wh[..., 1:2] / 2.0,
    ], axis=2)
    detections = jnp.concatenate([bboxes, scores[:, :, None], clses[:, :, None]], axis=2)
    return detections


def setup_inputs(seed: int = 0):
    key = jax.random.key(seed)
    k1, k2, k3 = jax.random.split(key, 3)
    B, C, H, W = 8, 80, 128, 128
    scores = jax.random.uniform(k1, (B, C, H, W), dtype=jnp.float32)
    wh_deltas = jax.random.uniform(k2, (B, 2, H, W), dtype=jnp.float32) * 8.0
    offset_deltas = jax.random.uniform(k3, (B, 2, H, W), dtype=jnp.float32)
    im_info = jnp.ones((B, 3), dtype=jnp.float32)
    return {"scores": scores, "wh_deltas": wh_deltas, "offset_deltas": offset_deltas, "im_info": im_info}


def reference(scores, wh_deltas, offset_deltas, im_info):
    K = POST_NMS_TOP_N
    detections = ctdet_decode(scores, wh_deltas, offset_deltas, K)
    detections = detections.at[:, :, :4].multiply(float(FEAT_STRIDE))
    b = scores.shape[0]
    batch_col = jnp.broadcast_to(jnp.arange(b, dtype=jnp.float32)[:, None, None], (b, K, 1))
    output = jnp.concatenate([batch_col, detections[:, :, :4]], axis=2)
    return output

if __name__ == "__main__":
    import jax
    _d = setup_inputs()
    print(jax.jit(kernel)(*tuple(_d.values())))

</pallas_src>

<mosaic_0001>
#map = affine_map<(d0, d1) -> (0)>
module attributes {stable_mosaic.version = 14 : i64} {
  func.func @_sc_body(%arg0: i32, %arg1: i32, %arg2: memref<10485760xf32, #tpu.memory_space<hbm>>, %arg3: memref<81920xf32, #tpu.memory_space<hbm>>, %arg4: memref<262144xf32, #tpu.memory_space<hbm>>, %arg5: memref<262144xf32, #tpu.memory_space<hbm>>, %arg6: memref<12160xf32, #tpu.memory_space<hbm>>, %arg7: memref<10240xf32, #tpu.memory_space<vmem>>, %arg8: memref<512xi32, #tpu.memory_space<vmem>>, %arg9: memref<512xi32, #tpu.memory_space<vmem>>, %arg10: memref<1536xf32, #tpu.memory_space<vmem>>, %arg11: memref<160xf32, #tpu.memory_space<vmem>>, %arg12: memref<528xf32, #tpu.memory_space<vmem>>, %arg13: memref<528xi32, #tpu.memory_space<vmem>>, %arg14: memref<2048xf32, #tpu.memory_space<vmem>>, %arg15: memref<2048xi32, #tpu.memory_space<vmem>>, %arg16: memref<128xf32, #tpu.memory_space<vmem>>, %arg17: memref<128xi32, #tpu.memory_space<vmem>>, %arg18: memref<32768xf32, #tpu.memory_space<vmem>>, %arg19: memref<32768xf32, #tpu.memory_space<vmem>>, %arg20: memref<1520xf32, #tpu.memory_space<vmem>>, %arg21: memref<16x512xf32, #tpu.memory_space<vmem_shared>>, %arg22: memref<16x512xi32, #tpu.memory_space<vmem_shared>>, %arg23: memref<4x!tpu.dma_semaphore, #tpu.memory_space<semaphore_mem>>) attributes {dimension_semantics = [#tpu.dimension_semantics<core_parallel>, #tpu.dimension_semantics<subcore_parallel>], iteration_bounds = array<i64: 2, 16>, scalar_prefetch = 0 : i64, scratch_operands = 17 : i64, tpu.core_type = #tpu.core_type<sc_vector_subcore>, window_params = [{transform_indices = #map}, {transform_indices = #map}, {transform_indices = #map}, {transform_indices = #map}, {transform_indices = #map}]} {
    %mul3A = arith.constant 4 : i32
    %mul3A_0 = arith.muli %arg0, %mul3A : i32
    %shift_right_arithmetic3A = arith.constant 2 : i32
    %shift_right_arithmetic3A_1 = arith.shrsi %arg1, %shift_right_arithmetic3A : i32
    %add3A = arith.addi %mul3A_0, %shift_right_arithmetic3A_1 : i32
    %and3A = arith.constant 3 : i32
    %and3A_2 = arith.andi %arg1, %and3A : i32
    %iota3A = tpu.iota {dimensions = array<i32: 0>} : vector<16xi32>
    %mul3A_3 = arith.constant 10240 : i32
    %mul3A_4 = arith.muli %add3A, %mul3A_3 : i32
    "tpu.region"() ({
      %run_scoped3A = tpu.sem_alloc : memref<!tpu.dma_semaphore, #tpu.memory_space<semaphore_mem>>
      %dma_start3A = tpu.memref_slice %arg3[%mul3A_4] : memref<81920xf32, #tpu.memory_space<hbm>> -> memref<10240xf32, #tpu.memory_space<hbm>>
      %dma_start3A_73 = tpu.memref_slice %arg3[%mul3A_4] : memref<81920xf32, #tpu.memory_space<hbm>> -> memref<10240xf32, #tpu.memory_space<hbm>>
      tpu.enqueue_dma source(%dma_start3A_73 : memref<10240xf32, #tpu.memory_space<hbm>>) target(%arg7 : memref<10240xf32, #tpu.memory_space<vmem>>) target_semaphore(%run_scoped3A : memref<!tpu.dma_semaphore, #tpu.memory_space<semaphore_mem>>)
      %dma_wait3A = tpu.memref_slice %arg3[%mul3A_4] : memref<81920xf32, #tpu.memory_space<hbm>> -> memref<10240xf32, #tpu.memory_space<hbm>>
      %dma_wait3A_74 = tpu.memref_slice %arg3[%mul3A_4] : memref<81920xf32, #tpu.memory_space<hbm>> -> memref<10240xf32, #tpu.memory_space<hbm>>
      tpu.wait_dma2 semaphore(%run_scoped3A : memref<!tpu.dma_semaphore, #tpu.memory_space<semaphore_mem>>) src(%dma_wait3A_74 : memref<10240xf32, #tpu.memory_space<hbm>>) dst(%arg7 : memref<10240xf32, #tpu.memory_space<vmem>>)
      tpu.yield
    }) : () -> ()
    %scan3A = arith.constant 0 : i32
    %scan3A_5 = arith.constant 0 : i32
    %scan3A_6 = arith.constant 32 : i32
    %scan3A_7 = arith.addi %scan3A_5, %scan3A_6 : i32
    %scan3A_8 = arith.constant 1 : i32
    %scan3A_9 = scf.for %scan3A_73 = %scan3A_5 to %scan3A_7 step %scan3A_8 iter_args(%scan3A_74 = %scan3A) -> (i32)  : i32 {
      %broadcast_in_dim3A_75 = arith.constant 0 : i32
      %broadcast_in_dim3A_76 = vector.broadcast %broadcast_in_dim3A_75 : i32 to vector<16xi32>
      %mul3A_77 = arith.constant 16 : i32
      %mul3A_78 = arith.muli %scan3A_73, %mul3A_77 : i32
      %swap3A = arith.index_cast %mul3A_78 : i32 to index
      %swap3A_79 = tpu.vector_load %arg8[%swap3A] {strides = array<i32>} : memref<512xi32, #tpu.memory_space<vmem>>, vector<16xi32>,
      tpu.vector_store %arg8[%swap3A], %broadcast_in_dim3A_76 {strides = array<i32>} : memref<512xi32, #tpu.memory_space<vmem>>, vector<16xi32>,
      %scan3A_80 = arith.constant 0 : i32
      scf.yield %scan3A_80 : i32
    }
    %scan3A_10 = arith.constant 32 : i32
    %broadcast_in_dim3A = arith.constant 1 : i32
    %broadcast_in_dim3A_11 = vector.broadcast %broadcast_in_dim3A : i32 to vector<16xi32>
    %scan3A_12 = arith.constant 1065353216 : i32
    %scan3A_13 = arith.constant 0 : i32
    %scan3A_14 = arith.constant 0 : i32
    %scan3A_15 = arith.constant 640 : i32
    %scan3A_16 = arith.addi %scan3A_14, %scan3A_15 : i32
    %scan3A_17 = arith.constant 1 : i32
    %scan3A_18 = scf.for %scan3A_73 = %scan3A_14 to %scan3A_16 step %scan3A_17 iter_args(%scan3A_74 = %scan3A_13) -> (i32)  : i32 {
      %mul3A_75 = arith.constant 16 : i32
      %mul3A_76 = arith.muli %scan3A_73, %mul3A_75 : i32
      %get3A = arith.index_cast %mul3A_76 : i32 to index
      %get3A_77 = tpu.vector_load %arg7[%get3A] {strides = array<i32>} : memref<10240xf32, #tpu.memory_space<vmem>>, vector<16xf32>,
      %bitcast3A_78 = vector.bitcast %get3A_77 : vector<16xf32> to vector<16xi32>
      %sub3A = vector.broadcast %scan3A_12 : i32 to vector<16xi32>
      %sub3A_79 = arith.subi %sub3A, %bitcast3A_78 : vector<16xi32>
      %convert_element_type3A_80 = arith.sitofp %sub3A_79 : vector<16xi32> to vector<16xf32>
      %bitcast3A_81 = vector.bitcast %convert_element_type3A_80 : vector<16xf32> to vector<16xi32>
      %shift_right_logical3A = arith.constant 19 : i32
      %shift_right_logical3A_82 = vector.broadcast %shift_right_logical3A : i32 to vector<16xi32>
      %shift_right_logical3A_83 = arith.shrui %bitcast3A_81, %shift_right_logical3A_82 : vector<16xi32>
      %sub3A_84 = arith.constant 2032 : i32
      %sub3A_85 = vector.broadcast %sub3A_84 : i32 to vector<16xi32>
      %sub3A_86 = arith.subi %shift_right_logical3A_83, %sub3A_85 : vector<16xi32>
      %jit3A_87 = arith.constant 0 : i32
      %jit3A_88 = arith.constant 511 : i32
      %max3A = vector.broadcast %jit3A_87 : i32 to vector<16xi32>
      %max3A_89 = arith.maxsi %max3A, %sub3A_86 : vector<16xi32>
      %min3A = vector.broadcast %jit3A_88 : i32 to vector<16xi32>
      %min3A_90 = arith.minsi %min3A, %max3A_89 : vector<16xi32>
      %gt3A = arith.constant 0.000000e+00 : f32
      %gt3A_91 = vector.broadcast %gt3A : f32 to vector<16xf32>
      %gt3A_92 = arith.cmpf ogt, %get3A_77, %gt3A_91 : vector<16xf32>
      tpu.vector_store_idx %arg8[%min3A_90], %broadcast_in_dim3A_11 masked %gt3A_92 {add = true} : memref<512xi32, #tpu.memory_space<vmem>>[vector<16xi32>], vector<16xi32>, vector<16xi1>
      %scan3A_93 = arith.constant 0 : i32
      scf.yield %scan3A_93 : i32
    }
    %scan3A_19 = arith.constant 640 : i32
    %scan3A_20 = arith.constant 0 : i32
    %scan3A_21 = arith.constant -1 : i32
    %scan3A_22 = arith.constant 0 : i32
    %scan3A_23 = arith.constant 32 : i32
    %scan3A_24 = arith.addi %scan3A_22, %scan3A_23 : i32
    %scan3A_25 = arith.constant 1 : i32
    %scan3A_26:2 = scf.for %scan3A_73 = %scan3A_22 to %scan3A_24 step %scan3A_25 iter_args(%scan3A_74 = %scan3A_20, %scan3A_75 = %scan3A_21) -> (i32, i32)  : i32 {
      %mul3A_76 = arith.constant 16 : i32
      %mul3A_77 = arith.muli %scan3A_73, %mul3A_76 : i32
      %get3A = arith.index_cast %mul3A_77 : i32 to index
      %get3A_78 = tpu.vector_load %arg8[%get3A] {strides = array<i32>} : memref<512xi32, #tpu.memory_space<vmem>>, vector<16xi32>,
      %broadcast_in_dim3A_79 = arith.constant true
      %broadcast_in_dim3A_80 = vector.broadcast %broadcast_in_dim3A_79 : i1 to vector<16xi1>
      %masked_cumsum3A = tpu.scan <sum>, %get3A_78 masked %broadcast_in_dim3A_80 : vector<16xi32>, vector<16xi1> -> vector<16xi32>
      %add3A_81 = vector.broadcast %scan3A_74 : i32 to vector<16xi32>
      %add3A_82 = arith.addi %masked_cumsum3A, %add3A_81 : vector<16xi32>
      %ge3A = arith.constant 300 : i32
      %ge3A_83 = vector.broadcast %ge3A : i32 to vector<16xi32>
      %ge3A_84 = arith.cmpi sge, %add3A_82, %ge3A_83 : vector<16xi32>
      %all_reduce_population_count3A = tpu.all_reduce %ge3A_84 {dim = 0 : i64, kind = #tpu.reduction_kind<sum>} : vector<16xi1> -> vector<16xi32>
      %reduce_max3A = arith.constant true
      %reduce_max3A_85 = vector.broadcast %reduce_max3A : i1 to vector<16xi1>
      %reduce_max3A_86 = arith.constant -2147483648 : i32
      %reduce_max3A_87 = vector.broadcast %reduce_max3A_86 : i32 to vector<16xi32>
      %reduce_max3A_88 = arith.xori %all_reduce_population_count3A, %reduce_max3A_87 : vector<16xi32>
      %reduce_max3A_89 = tpu.scan <max>, %reduce_max3A_88 masked %reduce_max3A_85 : vector<16xi32>, vector<16xi1> -> vector<16xi32>
      %reduce_max3A_90 = arith.xori %reduce_max3A_89, %reduce_max3A_87 : vector<16xi32>
      %reduce_max3A_91 = vector.extract %reduce_max3A_90[15] : i32 from vector<16xi32>
      %all_reduce_ffs3A = tpu.all_reduce %ge3A_84 {dim = 0 : i64, kind = #tpu.reduction_kind<find_first_set>} : vector<16xi1> -> vector<16xi32>
      %reduce_max3A_92 = arith.constant true
      %reduce_max3A_93 = vector.broadcast %reduce_max3A_92 : i1 to vector<16xi1>
      %reduce_max3A_94 = arith.constant -2147483648 : i32
      %reduce_max3A_95 = vector.broadcast %reduce_max3A_94 : i32 to vector<16xi32>
      %reduce_max3A_96 = arith.xori %all_reduce_ffs3A, %reduce_max3A_95 : vector<16xi32>
      %reduce_max3A_97 = tpu.scan <max>, %reduce_max3A_96 masked %reduce_max3A_93 : vector<16xi32>, vector<16xi1> -> vector<16xi32>
      %reduce_max3A_98 = arith.xori %reduce_max3A_97, %reduce_max3A_95 : vector<16xi32>
      %reduce_max3A_99 = vector.extract %reduce_max3A_98[15] : i32 from vector<16xi32>
      %lt3A_100 = arith.constant 0 : i32
      %lt3A_101 = arith.cmpi slt, %scan3A_75, %lt3A_100 : i32
      %gt3A = arith.constant 0 : i32
      %gt3A_102 = arith.cmpi sgt, %reduce_max3A_91, %gt3A : i32
      %and3A_103 = arith.andi %lt3A_101, %gt3A_102 : i1
      %mul3A_104 = arith.constant 16 : i32
      %mul3A_105 = arith.muli %scan3A_73, %mul3A_104 : i32
      %add3A_106 = arith.addi %mul3A_105, %reduce_max3A_99 : i32
      %select_n3A_107 = arith.select %and3A_103, %add3A_106, %scan3A_75 : i32
      %reduce_max3A_108 = arith.constant true
      %reduce_max3A_109 = vector.broadcast %reduce_max3A_108 : i1 to vector<16xi1>
      %reduce_max3A_110 = arith.constant -2147483648 : i32
      %reduce_max3A_111 = vector.broadcast %reduce_max3A_110 : i32 to vector<16xi32>
      %reduce_max3A_112 = arith.xori %add3A_82, %reduce_max3A_111 : vector<16xi32>
      %reduce_max3A_113 = tpu.scan <max>, %reduce_max3A_112 masked %reduce_max3A_109 : vector<16xi32>, vector<16xi1> -> vector<16xi32>
      %reduce_max3A_114 = arith.xori %reduce_max3A_113, %reduce_max3A_111 : vector<16xi32>
      %reduce_max3A_115 = vector.extract %reduce_max3A_114[15] : i32 from vector<16xi32>
      scf.yield %reduce_max3A_115, %select_n3A_107 : i32, i32
    }
    %scan3A_27 = arith.constant 32 : i32
    %lt3A = arith.constant 0 : i32
    %lt3A_28 = arith.cmpi slt, %scan3A_26#1, %lt3A : i32
    %jit3A = arith.constant 511 : i32
    %select_n3A = arith.select %lt3A_28, %jit3A, %scan3A_26#1 : i32
    %broadcast_in_dim3A_29 = arith.constant 0 : i32
    %broadcast_in_dim3A_30 = vector.broadcast %broadcast_in_dim3A_29 : i32 to vector<16xi32>
    %add3A_31 = arith.constant 2033 : i32
    %add3A_32 = arith.addi %select_n3A, %add3A_31 : i32
    %shift_left3A = arith.constant 19 : i32
    %shift_left3A_33 = arith.shli %add3A_32, %shift_left3A : i32
    %add3A_34 = vector.broadcast %shift_left3A_33 : i32 to vector<16xi32>
    %add3A_35 = arith.addi %broadcast_in_dim3A_30, %add3A_34 : vector<16xi32>
    %bitcast3A = vector.bitcast %add3A_35 : vector<16xi32> to vector<16xf32>
    %scan3A_36 = arith.constant 1065353216 : i32
    %scan3A_37 = arith.constant 0 : i32
    %scan3A_38 = arith.constant 0 : i32
    %scan3A_39 = arith.constant 160 : i32
    %scan3A_40 = arith.addi %scan3A_38, %scan3A_39 : i32
    %scan3A_41 = arith.constant 1 : i32
    %scan3A_42 = scf.for %scan3A_73 = %scan3A_38 to %scan3A_40 step %scan3A_41 iter_args(%scan3A_74 = %scan3A_37) -> (i32)  : i32 {
      %mul3A_75 = arith.constant 2560 : i32
      %mul3A_76 = arith.muli %and3A_2, %mul3A_75 : i32
      %mul3A_77 = arith.constant 16 : i32
      %mul3A_78 = arith.muli %scan3A_73, %mul3A_77 : i32
      %add3A_79 = arith.addi %mul3A_76, %mul3A_78 : i32
      %get3A = arith.index_cast %add3A_79 : i32 to index
      %get3A_80 = tpu.vector_load %arg7[%get3A] {strides = array<i32>} : memref<10240xf32, #tpu.memory_space<vmem>>, vector<16xf32>,
      %bitcast3A_81 = vector.bitcast %get3A_80 : vector<16xf32> to vector<16xi32>
      %sub3A = vector.broadcast %scan3A_36 : i32 to vector<16xi32>
      %sub3A_82 = arith.subi %sub3A, %bitcast3A_81 : vector<16xi32>
      %convert_element_type3A_83 = arith.sitofp %sub3A_82 : vector<16xi32> to vector<16xf32>
      %lt3A_84 = arith.cmpf olt, %convert_element_type3A_83, %bitcast3A : vector<16xf32>
      %gt3A = arith.constant 0.000000e+00 : f32
      %gt3A_85 = vector.broadcast %gt3A : f32 to vector<16xf32>
      %gt3A_86 = arith.cmpf ogt, %get3A_80, %gt3A_85 : vector<16xf32>
      %and3A_87 = arith.andi %lt3A_84, %gt3A_86 : vector<16xi1>
      %mul3A_88 = arith.constant 2560 : i32
      %mul3A_89 = arith.muli %and3A_2, %mul3A_88 : i32
      %mul3A_90 = arith.constant 16 : i32
      %mul3A_91 = arith.muli %scan3A_73, %mul3A_90 : i32
      %add3A_92 = arith.addi %mul3A_89, %mul3A_91 : i32
      %add3A_93 = vector.broadcast %add3A_92 : i32 to vector<16xi32>
      %add3A_94 = arith.addi %add3A_93, %iota3A : vector<16xi32>
      %swap3A = arith.index_cast %scan3A_74 : i32 to index
      %swap3A_95 = tpu.vector_load %arg9[%swap3A] masked %and3A_87 {strides = array<i32>} : memref<512xi32, #tpu.memory_space<vmem>>, vector<16xi32>, vector<16xi1>
      tpu.vector_store %arg9[%swap3A], %add3A_94 masked %and3A_87 {strides = array<i32>} : memref<512xi32, #tpu.memory_space<vmem>>, vector<16xi32>, vector<16xi1>
      %all_reduce_population_count3A = tpu.all_reduce %and3A_87 {dim = 0 : i64, kind = #tpu.reduction_kind<sum>} : vector<16xi1> -> vector<16xi32>
      %reduce_max3A = arith.constant true
      %reduce_max3A_96 = vector.broadcast %reduce_max3A : i1 to vector<16xi1>
      %reduce_max3A_97 = arith.constant -2147483648 : i32
      %reduce_max3A_98 = vector.broadcast %reduce_max3A_97 : i32 to vector<16xi32>
      %reduce_max3A_99 = arith.xori %all_reduce_population_count3A, %reduce_max3A_98 : vector<16xi32>
      %reduce_max3A_100 = tpu.scan <max>, %reduce_max3A_99 masked %reduce_max3A_96 : vector<16xi32>, vector<16xi1> -> vector<16xi32>
      %reduce_max3A_101 = arith.xori %reduce_max3A_100, %reduce_max3A_98 : vector<16xi32>
      %reduce_max3A_102 = vector.extract %reduce_max3A_101[15] : i32 from vector<16xi32>
      %add3A_103 = arith.addi %scan3A_74, %reduce_max3A_102 : i32
      %min3A = arith.constant 496 : i32
      %min3A_104 = arith.minsi %add3A_103, %min3A : i32
      scf.yield %min3A_104 : i32
    }
    %scan3A_43 = arith.constant 160 : i32
    %scan3A_44 = arith.constant 0 : i32
    %scan3A_45 = arith.constant 0 : i32
    %scan3A_46 = arith.constant 33 : i32
    %scan3A_47 = arith.addi %scan3A_45, %scan3A_46 : i32
    %scan3A_48 = arith.constant 1 : i32
    %scan3A_49 = scf.for %scan3A_73 = %scan3A_45 to %scan3A_47 step %scan3A_48 iter_args(%scan3A_74 = %scan3A_44) -> (i32)  : i32 {
      %broadcast_in_dim3A_75 = arith.constant -1.000000e+00 : f32
      %broadcast_in_dim3A_76 = vector.broadcast %broadcast_in_dim3A_75 : f32 to vector<16xf32>
      %mul3A_77 = arith.constant 16 : i32
      %mul3A_78 = arith.muli %scan3A_73, %mul3A_77 : i32
      %swap3A = arith.index_cast %mul3A_78 : i32 to index
      %swap3A_79 = tpu.vector_load %arg12[%swap3A] {strides = array<i32>} : memref<528xf32, #tpu.memory_space<vmem>>, vector<16xf32>,
      tpu.vector_store %arg12[%swap3A], %broadcast_in_dim3A_76 {strides = array<i32>} : memref<528xf32, #tpu.memory_space<vmem>>, vector<16xf32>,
      %broadcast_in_dim3A_80 = arith.constant 2147483647 : i32
      %broadcast_in_dim3A_81 = vector.broadcast %broadcast_in_dim3A_80 : i32 to vector<16xi32>
      %mul3A_82 = arith.constant 16 : i32
      %mul3A_83 = arith.muli %scan3A_73, %mul3A_82 : i32
      %swap3A_84 = arith.index_cast %mul3A_83 : i32 to index
      %swap3A_85 = tpu.vector_load %arg13[%swap3A_84] {strides = array<i32>} : memref<528xi32, #tpu.memory_space<vmem>>, vector<16xi32>,
      tpu.vector_store %arg13[%swap3A_84], %broadcast_in_dim3A_81 {strides = array<i32>} : memref<528xi32, #tpu.memory_space<vmem>>, vector<16xi32>,
      %scan3A_86 = arith.constant 0 : i32
      scf.yield %scan3A_86 : i32
    }
    %scan3A_50 = arith.constant 33 : i32
    %scan3A_51 = arith.constant 0 : i32
    %scan3A_52 = arith.constant 0 : i32
    %scan3A_53 = arith.constant 4 : i32
    %scan3A_54 = arith.addi %scan3A_52, %scan3A_53 : i32
    %scan3A_55 = arith.constant 1 : i32
    %scan3A_56 = scf.for %scan3A_73 = %scan3A_52 to %scan3A_54 step %scan3A_55 iter_args(%scan3A_74 = %scan3A_51) -> (i32)  : i32 {
      %lt3A_75 = arith.cmpi slt, %scan3A_73, %scan3A_42 : i32
      %convert_element_type3A_76 = arith.extui %lt3A_75 : i1 to i32
      %cond3A_77 = arith.constant 0 : i32
      %cond3A_78 = arith.cmpi ne, %convert_element_type3A_76, %cond3A_77 : i32
      scf.if %cond3A_78 {
        %jit3A_80 = arith.constant 16 : i32
        %div3A = arith.divsi %scan3A_73, %jit3A_80 : i32
        %sign3A = arith.constant 0 : i32
        %sign3A_81 = arith.cmpi sgt, %scan3A_73, %sign3A : i32
        %sign3A_82 = arith.extui %sign3A_81 : i1 to i32
        %sign3A_83 = arith.constant 0 : i32
        %sign3A_84 = arith.cmpi slt, %scan3A_73, %sign3A_83 : i32
        %sign3A_85 = arith.extui %sign3A_84 : i1 to i32
        %sign3A_86 = arith.subi %sign3A_82, %sign3A_85 : i32
        %sign3A_87 = arith.constant 0 : i32
        %sign3A_88 = arith.cmpi sgt, %jit3A_80, %sign3A_87 : i32
        %sign3A_89 = arith.extui %sign3A_88 : i1 to i32
        %sign3A_90 = arith.constant 0 : i32
        %sign3A_91 = arith.cmpi slt, %jit3A_80, %sign3A_90 : i32
        %sign3A_92 = arith.extui %sign3A_91 : i1 to i32
        %sign3A_93 = arith.subi %sign3A_89, %sign3A_92 : i32
        %ne3A = arith.cmpi ne, %sign3A_86, %sign3A_93 : i32
        %rem3A = arith.remsi %scan3A_73, %jit3A_80 : i32
        %ne3A_94 = arith.constant 0 : i32
        %ne3A_95 = arith.cmpi ne, %rem3A, %ne3A_94 : i32
        %and3A_96 = arith.andi %ne3A, %ne3A_95 : i1
        %sub3A = arith.constant 1 : i32
        %sub3A_97 = arith.subi %div3A, %sub3A : i32
        %select_n3A_98 = arith.select %and3A_96, %sub3A_97, %div3A : i32
        %mul3A_99 = arith.constant 16 : i32
        %mul3A_100 = arith.muli %select_n3A_98, %mul3A_99 : i32
        %get3A = arith.index_cast %mul3A_100 : i32 to index
        %get3A_101 = tpu.vector_load %arg9[%get3A] {strides = array<i32>} : memref<512xi32, #tpu.memory_space<vmem>>, vector<16xi32>,
        %jit3A_102 = arith.constant 16 : i32
        %eq3A = arith.constant 0 : i32
        %eq3A_103 = arith.cmpi eq, %jit3A_102, %eq3A : i32
        %jit3A_104 = arith.constant 1 : i32
        %select_n3A_105 = arith.select %eq3A_103, %jit3A_104, %jit3A_102 : i32
        %rem3A_106 = arith.remsi %scan3A_73, %select_n3A_105 : i32
        %ne3A_107 = arith.constant 0 : i32
        %ne3A_108 = arith.cmpi ne, %rem3A_106, %ne3A_107 : i32
        %lt3A_109 = arith.constant 0 : i32
        %lt3A_110 = arith.cmpi slt, %rem3A_106, %lt3A_109 : i32
        %lt3A_111 = arith.constant 0 : i32
        %lt3A_112 = arith.cmpi slt, %select_n3A_105, %lt3A_111 : i32
        %ne3A_113 = arith.xori %lt3A_110, %lt3A_112 : i1
        %and3A_114 = arith.andi %ne3A_113, %ne3A_108 : i1
        %add3A_115 = arith.addi %rem3A_106, %select_n3A_105 : i32
        %select_n3A_116 = arith.select %and3A_114, %add3A_115, %rem3A_106 : i32
        %eq3A_117 = vector.broadcast %select_n3A_116 : i32 to vector<16xi32>
        %eq3A_118 = arith.cmpi eq, %iota3A, %eq3A_117 : vector<16xi32>
        %jit3A_119 = arith.constant 0 : i32
        %broadcast_in_dim3A_120 = vector.broadcast %jit3A_119 : i32 to vector<16xi32>
        %select_n3A_121 = arith.select %eq3A_118, %get3A_101, %broadcast_in_dim3A_120 : vector<16xi1>, vector<16xi32>
        %reduce_max3A = arith.constant true
        %reduce_max3A_122 = vector.broadcast %reduce_max3A : i1 to vector<16xi1>
        %reduce_max3A_123 = arith.constant -2147483648 : i32
        %reduce_max3A_124 = vector.broadcast %reduce_max3A_123 : i32 to vector<16xi32>
        %reduce_max3A_125 = arith.xori %select_n3A_121, %reduce_max3A_124 : vector<16xi32>
        %reduce_max3A_126 = tpu.scan <max>, %reduce_max3A_125 masked %reduce_max3A_122 : vector<16xi32>, vector<16xi1> -> vector<16xi32>
        %reduce_max3A_127 = arith.xori %reduce_max3A_126, %reduce_max3A_124 : vector<16xi32>
        %reduce_max3A_128 = vector.extract %reduce_max3A_127[15] : i32 from vector<16xi32>
        %mul3A_129 = arith.constant 80 : i32
        %mul3A_130 = arith.muli %add3A, %mul3A_129 : i32
        %mul3A_131 = arith.constant 128 : i32
        %mul3A_132 = arith.muli %mul3A_130, %mul3A_131 : i32
        %add3A_133 = arith.addi %mul3A_132, %reduce_max3A_128 : i32
        %sub3A_134 = arith.constant 1 : i32
        %sub3A_135 = arith.subi %add3A_133, %sub3A_134 : i32
        %jit3A_136 = arith.constant 0 : i32
        %jit3A_137 = arith.constant 81917 : i32
        %max3A = arith.maxsi %jit3A_136, %sub3A_135 : i32
        %min3A = arith.minsi %jit3A_137, %max3A : i32
        %mul3A_138 = arith.constant 128 : i32
        %mul3A_139 = arith.muli %min3A, %mul3A_138 : i32
        %jit3A_140 = arith.constant 4 : i32
        %eq3A_141 = arith.constant 0 : i32
        %eq3A_142 = arith.cmpi eq, %jit3A_140, %eq3A_141 : i32
        %jit3A_143 = arith.constant 1 : i32
        %select_n3A_144 = arith.select %eq3A_142, %jit3A_143, %jit3A_140 : i32
        %rem3A_145 = arith.remsi %scan3A_73, %select_n3A_144 : i32
        %ne3A_146 = arith.constant 0 : i32
        %ne3A_147 = arith.cmpi ne, %rem3A_145, %ne3A_146 : i32
        %lt3A_148 = arith.constant 0 : i32
        %lt3A_149 = arith.cmpi slt, %rem3A_145, %lt3A_148 : i32
        %lt3A_150 = arith.constant 0 : i32
        %lt3A_151 = arith.cmpi slt, %select_n3A_144, %lt3A_150 : i32
        %ne3A_152 = arith.xori %lt3A_149, %lt3A_151 : i1
        %and3A_153 = arith.andi %ne3A_152, %ne3A_147 : i1
        %add3A_154 = arith.addi %rem3A_145, %select_n3A_144 : i32
        %select_n3A_155 = arith.select %and3A_153, %add3A_154, %rem3A_145 : i32
        %mul3A_156 = arith.constant 3 : i32
        %mul3A_157 = arith.muli %select_n3A_155, %mul3A_156 : i32
        %mul3A_158 = arith.constant 128 : i32
        %mul3A_159 = arith.muli %mul3A_157, %mul3A_158 : i32
        %jit3A_160 = arith.constant 4 : i32
        %eq3A_161 = arith.constant 0 : i32
        %eq3A_162 = arith.cmpi eq, %jit3A_160, %eq3A_161 : i32
        %jit3A_163 = arith.constant 1 : i32
        %select_n3A_164 = arith.select %eq3A_162, %jit3A_163, %jit3A_160 : i32
        %rem3A_165 = arith.remsi %scan3A_73, %select_n3A_164 : i32
        %ne3A_166 = arith.constant 0 : i32
        %ne3A_167 = arith.cmpi ne, %rem3A_165, %ne3A_166 : i32
        %lt3A_168 = arith.constant 0 : i32
        %lt3A_169 = arith.cmpi slt, %rem3A_165, %lt3A_168 : i32
        %lt3A_170 = arith.constant 0 : i32
        %lt3A_171 = arith.cmpi slt, %select_n3A_164, %lt3A_170 : i32
        %ne3A_172 = arith.xori %lt3A_169, %lt3A_171 : i1
        %and3A_173 = arith.andi %ne3A_172, %ne3A_167 : i1
        %add3A_174 = arith.addi %rem3A_165, %select_n3A_164 : i32
        %select_n3A_175 = arith.select %and3A_173, %add3A_174, %rem3A_165 : i32
        %dma_start3A = tpu.memref_slice %arg10[%mul3A_159] : memref<1536xf32, #tpu.memory_space<vmem>> -> memref<384xf32, #tpu.memory_space<vmem>>
        %dma_start3A_176 = tpu.memref_slice %arg2[%mul3A_139] : memref<10485760xf32, #tpu.memory_space<hbm>> -> memref<384xf32, #tpu.memory_space<hbm>>
        %dma_start3A_177 = tpu.memref_slice %arg23[%select_n3A_175] : memref<4x!tpu.dma_semaphore, #tpu.memory_space<semaphore_mem>> -> memref<1x!tpu.dma_semaphore, #tpu.memory_space<semaphore_mem>>
        %dma_start3A_178 = tpu.memref_squeeze %dma_start3A_177 : memref<1x!tpu.dma_semaphore, #tpu.memory_space<semaphore_mem>> -> memref<!tpu.dma_semaphore, #tpu.memory_space<semaphore_mem>>
        %dma_start3A_179 = tpu.memref_slice %arg10[%mul3A_159] : memref<1536xf32, #tpu.memory_space<vmem>> -> memref<384xf32, #tpu.memory_space<vmem>>
        %dma_start3A_180 = tpu.memref_slice %arg2[%mul3A_139] : memref<10485760xf32, #tpu.memory_space<hbm>> -> memref<384xf32, #tpu.memory_space<hbm>>
        tpu.enqueue_dma source(%dma_start3A_180 : memref<384xf32, #tpu.memory_space<hbm>>) target(%dma_start3A_179 : memref<384xf32, #tpu.memory_space<vmem>>) target_semaphore(%dma_start3A_178 : memref<!tpu.dma_semaphore, #tpu.memory_space<semaphore_mem>>)
      } else {
      }
      %scan3A_79 = arith.constant 0 : i32
      scf.yield %scan3A_79 : i32
    }
    %scan3A_57 = arith.constant 4 : i32
    %while3A = arith.constant 1065353216 : i32
    %while3A_58 = arith.constant 0 : i32
    %while3A_59 = arith.constant 0 : i32
    %while3A_60 = arith.subi %scan3A_42, %while3A_58 : i32
    %while3A_61 = arith.addi %while3A_58, %while3A_60 : i32
    %while3A_62 = arith.constant 1 : i32
    %while3A_63 = arith.divsi %while3A_60, %while3A_62 : i32
    %while3A_64 = arith.muli %while3A_63, %while3A_62 : i32
    %while3A_65 = arith.addi %while3A_58, %while3A_64 : i32
    %while3A_66 = arith.constant 1 : i32
    %while3A_67 = scf.for %while3A_73 = %while3A_58 to %while3A_65 step %while3A_66 iter_args(%while3A_74 = %while3A_59) -> (i32)  : i32 {
      %jit3A_75 = arith.constant 16 : i32
      %div3A = arith.divsi %while3A_73, %jit3A_75 : i32
      %sign3A = arith.constant 0 : i32
      %sign3A_76 = arith.cmpi sgt, %while3A_73, %sign3A : i32
      %sign3A_77 = arith.extui %sign3A_76 : i1 to i32
      %sign3A_78 = arith.constant 0 : i32
      %sign3A_79 = arith.cmpi slt, %while3A_73, %sign3A_78 : i32
      %sign3A_80 = arith.extui %sign3A_79 : i1 to i32
      %sign3A_81 = arith.subi %sign3A_77, %sign3A_80 : i32
      %sign3A_82 = arith.constant 0 : i32
      %sign3A_83 = arith.cmpi sgt, %jit3A_75, %sign3A_82 : i32
      %sign3A_84 = arith.extui %sign3A_83 : i1 to i32
      %sign3A_85 = arith.constant 0 : i32
      %sign3A_86 = arith.cmpi slt, %jit3A_75, %sign3A_85 : i32
      %sign3A_87 = arith.extui %sign3A_86 : i1 to i32
      %sign3A_88 = arith.subi %sign3A_84, %sign3A_87 : i32
      %ne3A = arith.cmpi ne, %sign3A_81, %sign3A_88 : i32
      %rem3A = arith.remsi %while3A_73, %jit3A_75 : i32
      %ne3A_89 = arith.constant 0 : i32
      %ne3A_90 = arith.cmpi ne, %rem3A, %ne3A_89 : i32
      %and3A_91 = arith.andi %ne3A, %ne3A_90 : i1
      %sub3A = arith.constant 1 : i32
      %sub3A_92 = arith.subi %div3A, %sub3A : i32
      %select_n3A_93 = arith.select %and3A_91, %sub3A_92, %div3A : i32
      %mul3A_94 = arith.constant 16 : i32
      %mul3A_95 = arith.muli %select_n3A_93, %mul3A_94 : i32
      %get3A = arith.index_cast %mul3A_95 : i32 to index
      %get3A_96 = tpu.vector_load %arg9[%get3A] {strides = array<i32>} : memref<512xi32, #tpu.memory_space<vmem>>, vector<16xi32>,
      %jit3A_97 = arith.constant 16 : i32
      %eq3A = arith.constant 0 : i32
      %eq3A_98 = arith.cmpi eq, %jit3A_97, %eq3A : i32
      %jit3A_99 = arith.constant 1 : i32
      %select_n3A_100 = arith.select %eq3A_98, %jit3A_99, %jit3A_97 : i32
      %rem3A_101 = arith.remsi %while3A_73, %select_n3A_100 : i32
      %ne3A_102 = arith.constant 0 : i32
      %ne3A_103 = arith.cmpi ne, %rem3A_101, %ne3A_102 : i32
      %lt3A_104 = arith.constant 0 : i32
      %lt3A_105 = arith.cmpi slt, %rem3A_101, %lt3A_104 : i32
      %lt3A_106 = arith.constant 0 : i32
      %lt3A_107 = arith.cmpi slt, %select_n3A_100, %lt3A_106 : i32
      %ne3A_108 = arith.xori %lt3A_105, %lt3A_107 : i1
      %and3A_109 = arith.andi %ne3A_108, %ne3A_103 : i1
      %add3A_110 = arith.addi %rem3A_101, %select_n3A_100 : i32
      %select_n3A_111 = arith.select %and3A_109, %add3A_110, %rem3A_101 : i32
      %eq3A_112 = vector.broadcast %select_n3A_111 : i32 to vector<16xi32>
      %eq3A_113 = arith.cmpi eq, %iota3A, %eq3A_112 : vector<16xi32>
      %jit3A_114 = arith.constant 0 : i32
      %broadcast_in_dim3A_115 = vector.broadcast %jit3A_114 : i32 to vector<16xi32>
      %select_n3A_116 = arith.select %eq3A_113, %get3A_96, %broadcast_in_dim3A_115 : vector<16xi1>, vector<16xi32>
      %reduce_max3A = arith.constant true
      %reduce_max3A_117 = vector.broadcast %reduce_max3A : i1 to vector<16xi1>
      %reduce_max3A_118 = arith.constant -2147483648 : i32
      %reduce_max3A_119 = vector.broadcast %reduce_max3A_118 : i32 to vector<16xi32>
      %reduce_max3A_120 = arith.xori %select_n3A_116, %reduce_max3A_119 : vector<16xi32>
      %reduce_max3A_121 = tpu.scan <max>, %reduce_max3A_120 masked %reduce_max3A_117 : vector<16xi32>, vector<16xi1> -> vector<16xi32>
      %reduce_max3A_122 = arith.xori %reduce_max3A_121, %reduce_max3A_119 : vector<16xi32>
      %reduce_max3A_123 = vector.extract %reduce_max3A_122[15] : i32 from vector<16xi32>
      %and3A_124 = arith.constant 127 : i32
      %and3A_125 = arith.andi %reduce_max3A_123, %and3A_124 : i32
      %jit3A_126 = arith.constant 4 : i32
      %eq3A_127 = arith.constant 0 : i32
      %eq3A_128 = arith.cmpi eq, %jit3A_126, %eq3A_127 : i32
      %jit3A_129 = arith.constant 1 : i32
      %select_n3A_130 = arith.select %eq3A_128, %jit3A_129, %jit3A_126 : i32
      %rem3A_131 = arith.remsi %while3A_73, %select_n3A_130 : i32
      %ne3A_132 = arith.constant 0 : i32
      %ne3A_133 = arith.cmpi ne, %rem3A_131, %ne3A_132 : i32
      %lt3A_134 = arith.constant 0 : i32
      %lt3A_135 = arith.cmpi slt, %rem3A_131, %lt3A_134 : i32
      %lt3A_136 = arith.constant 0 : i32
      %lt3A_137 = arith.cmpi slt, %select_n3A_130, %lt3A_136 : i32
      %ne3A_138 = arith.xori %lt3A_135, %lt3A_137 : i1
      %and3A_139 = arith.andi %ne3A_138, %ne3A_133 : i1
      %add3A_140 = arith.addi %rem3A_131, %select_n3A_130 : i32
      %select_n3A_141 = arith.select %and3A_139, %add3A_140, %rem3A_131 : i32
      %mul3A_142 = arith.constant 80 : i32
      %mul3A_143 = arith.muli %add3A, %mul3A_142 : i32
      %mul3A_144 = arith.constant 128 : i32
      %mul3A_145 = arith.muli %mul3A_143, %mul3A_144 : i32
      %add3A_146 = arith.addi %mul3A_145, %reduce_max3A_123 : i32
      %sub3A_147 = arith.constant 1 : i32
      %sub3A_148 = arith.subi %add3A_146, %sub3A_147 : i32
      %jit3A_149 = arith.constant 0 : i32
      %jit3A_150 = arith.constant 81917 : i32
      %max3A = arith.maxsi %jit3A_149, %sub3A_148 : i32
      %min3A = arith.minsi %jit3A_150, %max3A : i32
      %mul3A_151 = arith.constant 128 : i32
      %mul3A_152 = arith.muli %min3A, %mul3A_151 : i32
      %jit3A_153 = arith.constant 4 : i32
      %eq3A_154 = arith.constant 0 : i32
      %eq3A_155 = arith.cmpi eq, %jit3A_153, %eq3A_154 : i32
      %jit3A_156 = arith.constant 1 : i32
      %select_n3A_157 = arith.select %eq3A_155, %jit3A_156, %jit3A_153 : i32
      %rem3A_158 = arith.remsi %while3A_73, %select_n3A_157 : i32
      %ne3A_159 = arith.constant 0 : i32
      %ne3A_160 = arith.cmpi ne, %rem3A_158, %ne3A_159 : i32
      %lt3A_161 = arith.constant 0 : i32
      %lt3A_162 = arith.cmpi slt, %rem3A_158, %lt3A_161 : i32
      %lt3A_163 = arith.constant 0 : i32
      %lt3A_164 = arith.cmpi slt, %select_n3A_157, %lt3A_163 : i32
      %ne3A_165 = arith.xori %lt3A_162, %lt3A_164 : i1
      %and3A_166 = arith.andi %ne3A_165, %ne3A_160 : i1
      %add3A_167 = arith.addi %rem3A_158, %select_n3A_157 : i32
      %select_n3A_168 = arith.select %and3A_166, %add3A_167, %rem3A_158 : i32
      %mul3A_169 = arith.constant 3 : i32
      %mul3A_170 = arith.muli %select_n3A_168, %mul3A_169 : i32
      %mul3A_171 = arith.constant 128 : i32
      %mul3A_172 = arith.muli %mul3A_170, %mul3A_171 : i32
      %jit3A_173 = arith.constant 4 : i32
      %eq3A_174 = arith.constant 0 : i32
      %eq3A_175 = arith.cmpi eq, %jit3A_173, %eq3A_174 : i32
      %jit3A_176 = arith.constant 1 : i32
      %select_n3A_177 = arith.select %eq3A_175, %jit3A_176, %jit3A_173 : i32
      %rem3A_178 = arith.remsi %while3A_73, %select_n3A_177 : i32
      %ne3A_179 = arith.constant 0 : i32
      %ne3A_180 = arith.cmpi ne, %rem3A_178, %ne3A_179 : i32
      %lt3A_181 = arith.constant 0 : i32
      %lt3A_182 = arith.cmpi slt, %rem3A_178, %lt3A_181 : i32
      %lt3A_183 = arith.constant 0 : i32
      %lt3A_184 = arith.cmpi slt, %select_n3A_177, %lt3A_183 : i32
      %ne3A_185 = arith.xori %lt3A_182, %lt3A_184 : i1
      %and3A_186 = arith.andi %ne3A_185, %ne3A_180 : i1
      %add3A_187 = arith.addi %rem3A_178, %select_n3A_177 : i32
      %select_n3A_188 = arith.select %and3A_186, %add3A_187, %rem3A_178 : i32
      %dma_wait3A = tpu.memref_slice %arg10[%mul3A_172] : memref<1536xf32, #tpu.memory_space<vmem>> -> memref<384xf32, #tpu.memory_space<vmem>>
      %dma_wait3A_189 = tpu.memref_slice %arg2[%mul3A_152] : memref<10485760xf32, #tpu.memory_space<hbm>> -> memref<384xf32, #tpu.memory_space<hbm>>
      %dma_wait3A_190 = tpu.memref_slice %arg23[%select_n3A_188] : memref<4x!tpu.dma_semaphore, #tpu.memory_space<semaphore_mem>> -> memref<1x!tpu.dma_semaphore, #tpu.memory_space<semaphore_mem>>
      %dma_wait3A_191 = tpu.memref_squeeze %dma_wait3A_190 : memref<1x!tpu.dma_semaphore, #tpu.memory_space<semaphore_mem>> -> memref<!tpu.dma_semaphore, #tpu.memory_space<semaphore_mem>>
      %dma_wait3A_192 = tpu.memref_slice %arg10[%mul3A_172] : memref<1536xf32, #tpu.memory_space<vmem>> -> memref<384xf32, #tpu.memory_space<vmem>>
      %dma_wait3A_193 = tpu.memref_slice %arg2[%mul3A_152] : memref<10485760xf32, #tpu.memory_space<hbm>> -> memref<384xf32, #tpu.memory_space<hbm>>
      tpu.wait_dma2 semaphore(%dma_wait3A_191 : memref<!tpu.dma_semaphore, #tpu.memory_space<semaphore_mem>>) src(%dma_wait3A_193 : memref<384xf32, #tpu.memory_space<hbm>>) dst(%dma_wait3A_192 : memref<384xf32, #tpu.memory_space<vmem>>)
      %mul3A_194 = arith.constant 80 : i32
      %mul3A_195 = arith.muli %add3A, %mul3A_194 : i32
      %mul3A_196 = arith.constant 128 : i32
      %mul3A_197 = arith.muli %mul3A_195, %mul3A_196 : i32
      %add3A_198 = arith.addi %mul3A_197, %reduce_max3A_123 : i32
      %sub3A_199 = arith.constant 1 : i32
      %sub3A_200 = arith.subi %add3A_198, %sub3A_199 : i32
      %jit3A_201 = arith.constant 0 : i32
      %jit3A_202 = arith.constant 81917 : i32
      %max3A_203 = arith.maxsi %jit3A_201, %sub3A_200 : i32
      %min3A_204 = arith.minsi %jit3A_202, %max3A_203 : i32
      %sub3A_205 = arith.subi %add3A_198, %min3A_204 : i32
      %mul3A_206 = arith.constant 128 : i32
      %mul3A_207 = arith.muli %sub3A_205, %mul3A_206 : i32
      %eq3A_208 = arith.constant 0 : i32
      %eq3A_209 = arith.cmpi eq, %and3A_125, %eq3A_208 : i32
      %sub3A_210 = arith.constant 128 : i32
      %sub3A_211 = arith.subi %mul3A_207, %sub3A_210 : i32
      %select_n3A_212 = arith.select %eq3A_209, %mul3A_207, %sub3A_211 : i32
      %eq3A_213 = arith.constant 127 : i32
      %eq3A_214 = arith.cmpi eq, %and3A_125, %eq3A_213 : i32
      %add3A_215 = arith.constant 128 : i32
      %add3A_216 = arith.addi %mul3A_207, %add3A_215 : i32
      %select_n3A_217 = arith.select %eq3A_214, %mul3A_207, %add3A_216 : i32
      %mul3A_218 = arith.constant 3 : i32
      %mul3A_219 = arith.muli %select_n3A_141, %mul3A_218 : i32
      %mul3A_220 = arith.constant 128 : i32
      %mul3A_221 = arith.muli %mul3A_219, %mul3A_220 : i32
      %broadcast_in_dim3A_222 = arith.constant -1.000000e+00 : f32
      %broadcast_in_dim3A_223 = vector.broadcast %broadcast_in_dim3A_222 : f32 to vector<16xf32>
      %swap3A = arith.constant 0 : index
      %swap3A_224 = tpu.vector_load %arg11[%swap3A] {strides = array<i32>} : memref<160xf32, #tpu.memory_space<vmem>>, vector<16xf32>,
      tpu.vector_store %arg11[%swap3A], %broadcast_in_dim3A_223 {strides = array<i32>} : memref<160xf32, #tpu.memory_space<vmem>>, vector<16xf32>,
      %swap3A_225 = arith.constant 144 : index
      %swap3A_226 = tpu.vector_load %arg11[%swap3A_225] {strides = array<i32>} : memref<160xf32, #tpu.memory_space<vmem>>, vector<16xf32>,
      tpu.vector_store %arg11[%swap3A_225], %broadcast_in_dim3A_223 {strides = array<i32>} : memref<160xf32, #tpu.memory_space<vmem>>, vector<16xf32>,
      %scan3A_227 = arith.constant 0 : i32
      %scan3A_228 = arith.constant 0 : i32
      %scan3A_229 = arith.constant 8 : i32
      %scan3A_230 = arith.addi %scan3A_228, %scan3A_229 : i32
      %scan3A_231 = arith.constant 1 : i32
      %scan3A_232 = scf.for %scan3A_246 = %scan3A_228 to %scan3A_230 step %scan3A_231 iter_args(%scan3A_247 = %scan3A_227) -> (i32)  : i32 {
        %add3A_248 = arith.addi %mul3A_221, %mul3A_207 : i32
        %mul3A_249 = arith.constant 16 : i32
        %mul3A_250 = arith.muli %scan3A_246, %mul3A_249 : i32
        %add3A_251 = arith.addi %add3A_248, %mul3A_250 : i32
        %get3A_252 = arith.index_cast %add3A_251 : i32 to index
        %get3A_253 = tpu.vector_load %arg10[%get3A_252] {strides = array<i32>} : memref<1536xf32, #tpu.memory_space<vmem>>, vector<16xf32>,
        %eq3A_254 = arith.constant 0 : i32
        %eq3A_255 = arith.cmpi eq, %and3A_125, %eq3A_254 : i32
        %add3A_256 = arith.addi %mul3A_221, %select_n3A_212 : i32
        %mul3A_257 = arith.constant 16 : i32
        %mul3A_258 = arith.muli %scan3A_246, %mul3A_257 : i32
        %add3A_259 = arith.addi %add3A_256, %mul3A_258 : i32
        %get3A_260 = arith.index_cast %add3A_259 : i32 to index
        %get3A_261 = tpu.vector_load %arg10[%get3A_260] {strides = array<i32>} : memref<1536xf32, #tpu.memory_space<vmem>>, vector<16xf32>,
        %jit3A_262 = arith.constant -1.000000e+00 : f32
        %broadcast_in_dim3A_263 = vector.broadcast %jit3A_262 : f32 to vector<16xf32>
        %select_n3A_264 = arith.select %eq3A_255, %broadcast_in_dim3A_263, %get3A_261 : vector<16xf32>
        %eq3A_265 = arith.constant 127 : i32
        %eq3A_266 = arith.cmpi eq, %and3A_125, %eq3A_265 : i32
        %add3A_267 = arith.addi %mul3A_221, %select_n3A_217 : i32
        %mul3A_268 = arith.constant 16 : i32
        %mul3A_269 = arith.muli %scan3A_246, %mul3A_268 : i32
        %add3A_270 = arith.addi %add3A_267, %mul3A_269 : i32
        %get3A_271 = arith.index_cast %add3A_270 : i32 to index
        %get3A_272 = tpu.vector_load %arg10[%get3A_271] {strides = array<i32>} : memref<1536xf32, #tpu.memory_space<vmem>>, vector<16xf32>,
        %jit3A_273 = arith.constant -1.000000e+00 : f32
        %broadcast_in_dim3A_274 = vector.broadcast %jit3A_273 : f32 to vector<16xf32>
        %select_n3A_275 = arith.select %eq3A_266, %broadcast_in_dim3A_274, %get3A_272 : vector<16xf32>
        %max3A_276 = arith.maximumf %get3A_253, %select_n3A_264 : vector<16xf32>
        %max3A_277 = arith.maximumf %max3A_276, %select_n3A_275 : vector<16xf32>
        %mul3A_278 = arith.constant 16 : i32
        %mul3A_279 = arith.muli %scan3A_246, %mul3A_278 : i32
        %add3A_280 = arith.constant 16 : i32
        %add3A_281 = arith.addi %add3A_280, %mul3A_279 : i32
        %swap3A_282 = arith.index_cast %add3A_281 : i32 to index
        %swap3A_283 = tpu.vector_load %arg11[%swap3A_282] {strides = array<i32>} : memref<160xf32, #tpu.memory_space<vmem>>, vector<16xf32>,
        tpu.vector_store %arg11[%swap3A_282], %max3A_277 {strides = array<i32>} : memref<160xf32, #tpu.memory_space<vmem>>, vector<16xf32>,
        %scan3A_284 = arith.constant 0 : i32
        scf.yield %scan3A_284 : i32
      }
      %scan3A_233 = arith.constant 8 : i32
      %scan3A_234 = arith.constant 0 : i32
      %scan3A_235 = arith.constant 8 : i32
      %scan3A_236 = arith.addi %scan3A_234, %scan3A_235 : i32
      %scan3A_237 = arith.constant 1 : i32
      %scan3A_238 = scf.for %scan3A_246 = %scan3A_234 to %scan3A_236 step %scan3A_237 iter_args(%scan3A_247 = %while3A_74) -> (i32)  : i32 {
        %add3A_248 = arith.addi %mul3A_221, %mul3A_207 : i32
        %mul3A_249 = arith.constant 16 : i32
        %mul3A_250 = arith.muli %scan3A_246, %mul3A_249 : i32
        %add3A_251 = arith.addi %add3A_248, %mul3A_250 : i32
        %get3A_252 = arith.index_cast %add3A_251 : i32 to index
        %get3A_253 = tpu.vector_load %arg10[%get3A_252] {strides = array<i32>} : memref<1536xf32, #tpu.memory_space<vmem>>, vector<16xf32>,
        %mul3A_254 = arith.constant 16 : i32
        %mul3A_255 = arith.muli %scan3A_246, %mul3A_254 : i32
        %add3A_256 = arith.constant 15 : i32
        %add3A_257 = arith.addi %add3A_256, %mul3A_255 : i32
        %get3A_258 = arith.index_cast %add3A_257 : i32 to index
        %get3A_259 = tpu.vector_load %arg11[%get3A_258] {strides = array<i32>} : memref<160xf32, #tpu.memory_space<vmem>>, vector<16xf32>,
        %mul3A_260 = arith.constant 16 : i32
        %mul3A_261 = arith.muli %scan3A_246, %mul3A_260 : i32
        %add3A_262 = arith.constant 16 : i32
        %add3A_263 = arith.addi %add3A_262, %mul3A_261 : i32
        %get3A_264 = arith.index_cast %add3A_263 : i32 to index
        %get3A_265 = tpu.vector_load %arg11[%get3A_264] {strides = array<i32>} : memref<160xf32, #tpu.memory_space<vmem>>, vector<16xf32>,
        %mul3A_266 = arith.constant 16 : i32
        %mul3A_267 = arith.muli %scan3A_246, %mul3A_266 : i32
        %add3A_268 = arith.constant 17 : i32
        %add3A_269 = arith.addi %add3A_268, %mul3A_267 : i32
        %get3A_270 = arith.index_cast %add3A_269 : i32 to index
        %get3A_271 = tpu.vector_load %arg11[%get3A_270] {strides = array<i32>} : memref<160xf32, #tpu.memory_space<vmem>>, vector<16xf32>,
        %max3A_272 = arith.maximumf %get3A_259, %get3A_265 : vector<16xf32>
        %max3A_273 = arith.maximumf %max3A_272, %get3A_271 : vector<16xf32>
        %eq3A_274 = arith.cmpf oeq, %max3A_273, %get3A_253 : vector<16xf32>
        %jit3A_275 = arith.constant 0.000000e+00 : f32
        %broadcast_in_dim3A_276 = vector.broadcast %jit3A_275 : f32 to vector<16xf32>
        %select_n3A_277 = arith.select %eq3A_274, %get3A_253, %broadcast_in_dim3A_276 : vector<16xi1>, vector<16xf32>
        %bitcast3A_278 = vector.bitcast %select_n3A_277 : vector<16xf32> to vector<16xi32>
        %sub3A_279 = vector.broadcast %while3A : i32 to vector<16xi32>
        %sub3A_280 = arith.subi %sub3A_279, %bitcast3A_278 : vector<16xi32>
        %convert_element_type3A_281 = arith.sitofp %sub3A_280 : vector<16xi32> to vector<16xf32>
        %lt3A_282 = arith.cmpf olt, %convert_element_type3A_281, %bitcast3A : vector<16xf32>
        %gt3A = arith.constant 0.000000e+00 : f32
        %gt3A_283 = vector.broadcast %gt3A : f32 to vector<16xf32>
        %gt3A_284 = arith.cmpf ogt, %select_n3A_277, %gt3A_283 : vector<16xf32>
        %and3A_285 = arith.andi %lt3A_282, %gt3A_284 : vector<16xi1>
        %swap3A_286 = arith.index_cast %scan3A_247 : i32 to index
        %swap3A_287 = tpu.vector_load %arg12[%swap3A_286] masked %and3A_285 {strides = array<i32>} : memref<528xf32, #tpu.memory_space<vmem>>, vector<16xf32>, vector<16xi1>
        tpu.vector_store %arg12[%swap3A_286], %select_n3A_277 masked %and3A_285 {strides = array<i32>} : memref<528xf32, #tpu.memory_space<vmem>>, vector<16xf32>, vector<16xi1>
        %mul3A_288 = arith.constant 128 : i32
        %mul3A_289 = arith.muli %reduce_max3A_123, %mul3A_288 : i32
        %mul3A_290 = arith.constant 16 : i32
        %mul3A_291 = arith.muli %scan3A_246, %mul3A_290 : i32
        %add3A_292 = arith.addi %mul3A_289, %mul3A_291 : i32
        %add3A_293 = vector.broadcast %add3A_292 : i32 to vector<16xi32>
        %add3A_294 = arith.addi %add3A_293, %iota3A : vector<16xi32>
        %swap3A_295 = arith.index_cast %scan3A_247 : i32 to index
        %swap3A_296 = tpu.vector_load %arg13[%swap3A_295] masked %and3A_285 {strides = array<i32>} : memref<528xi32, #tpu.memory_space<vmem>>, vector<16xi32>, vector<16xi1>
        tpu.vector_store %arg13[%swap3A_295], %add3A_294 masked %and3A_285 {strides = array<i32>} : memref<528xi32, #tpu.memory_space<vmem>>, vector<16xi32>, vector<16xi1>
        %all_reduce_population_count3A = tpu.all_reduce %and3A_285 {dim = 0 : i64, kind = #tpu.reduction_kind<sum>} : vector<16xi1> -> vector<16xi32>
        %reduce_max3A_297 = arith.constant true
        %reduce_max3A_298 = vector.broadcast %reduce_max3A_297 : i1 to vector<16xi1>
        %reduce_max3A_299 = arith.constant -2147483648 : i32
        %reduce_max3A_300 = vector.broadcast %reduce_max3A_299 : i32 to vector<16xi32>
        %reduce_max3A_301 = arith.xori %all_reduce_population_count3A, %reduce_max3A_300 : vector<16xi32>
        %reduce_max3A_302 = tpu.scan <max>, %reduce_max3A_301 masked %reduce_max3A_298 : vector<16xi32>, vector<16xi1> -> vector<16xi32>
        %reduce_max3A_303 = arith.xori %reduce_max3A_302, %reduce_max3A_300 : vector<16xi32>
        %reduce_max3A_304 = vector.extract %reduce_max3A_303[15] : i32 from vector<16xi32>
        %add3A_305 = arith.addi %scan3A_247, %reduce_max3A_304 : i32
        %min3A_306 = arith.constant 512 : i32
        %min3A_307 = arith.minsi %add3A_305, %min3A_306 : i32
        scf.yield %min3A_307 : i32
      }
      %scan3A_239 = arith.constant 8 : i32
      %add3A_240 = arith.constant 4 : i32
      %add3A_241 = arith.addi %while3A_73, %add3A_240 : i32
      %lt3A_242 = arith.cmpi slt, %add3A_241, %scan3A_42 : i32
      %convert_element_type3A_243 = arith.extui %lt3A_242 : i1 to i32
      %cond3A_244 = arith.constant 0 : i32
      %cond3A_245 = arith.cmpi ne, %convert_element_type3A_243, %cond3A_244 : i32
      scf.if %cond3A_245 {
        %add3A_246 = arith.constant 4 : i32
        %add3A_247 = arith.addi %while3A_73, %add3A_246 : i32
        %add3A_248 = arith.constant 4 : i32
        %add3A_249 = arith.addi %while3A_73, %add3A_248 : i32
        %jit3A_250 = arith.constant 16 : i32
        %div3A_251 = arith.divsi %add3A_249, %jit3A_250 : i32
        %sign3A_252 = arith.constant 0 : i32
        %sign3A_253 = arith.cmpi sgt, %add3A_249, %sign3A_252 : i32
        %sign3A_254 = arith.extui %sign3A_253 : i1 to i32
        %sign3A_255 = arith.constant 0 : i32
        %sign3A_256 = arith.cmpi slt, %add3A_249, %sign3A_255 : i32
        %sign3A_257 = arith.extui %sign3A_256 : i1 to i32
        %sign3A_258 = arith.subi %sign3A_254, %sign3A_257 : i32
        %sign3A_259 = arith.constant 0 : i32
        %sign3A_260 = arith.cmpi sgt, %jit3A_250, %sign3A_259 : i32
        %sign3A_261 = arith.extui %sign3A_260 : i1 to i32
        %sign3A_262 = arith.constant 0 : i32
        %sign3A_263 = arith.cmpi slt, %jit3A_250, %sign3A_262 : i32
        %sign3A_264 = arith.extui %sign3A_263 : i1 to i32
        %sign3A_265 = arith.subi %sign3A_261, %sign3A_264 : i32
        %ne3A_266 = arith.cmpi ne, %sign3A_258, %sign3A_265 : i32
        %rem3A_267 = arith.remsi %add3A_249, %jit3A_250 : i32
        %ne3A_268 = arith.constant 0 : i32
        %ne3A_269 = arith.cmpi ne, %rem3A_267, %ne3A_268 : i32
        %and3A_270 = arith.andi %ne3A_266, %ne3A_269 : i1
        %sub3A_271 = arith.constant 1 : i32
        %sub3A_272 = arith.subi %div3A_251, %sub3A_271 : i32
        %select_n3A_273 = arith.select %and3A_270, %sub3A_272, %div3A_251 : i32
        %mul3A_274 = arith.constant 16 : i32
        %mul3A_275 = arith.muli %select_n3A_273, %mul3A_274 : i32
        %get3A_276 = arith.index_cast %mul3A_275 : i32 to index
        %get3A_277 = tpu.vector_load %arg9[%get3A_276] {strides = array<i32>} : memref<512xi32, #tpu.memory_space<vmem>>, vector<16xi32>,
        %jit3A_278 = arith.constant 16 : i32
        %eq3A_279 = arith.constant 0 : i32
        %eq3A_280 = arith.cmpi eq, %jit3A_278, %eq3A_279 : i32
        %jit3A_281 = arith.constant 1 : i32
        %select_n3A_282 = arith.select %eq3A_280, %jit3A_281, %jit3A_278 : i32
        %rem3A_283 = arith.remsi %add3A_249, %select_n3A_282 : i32
        %ne3A_284 = arith.constant 0 : i32
        %ne3A_285 = arith.cmpi ne, %rem3A_283, %ne3A_284 : i32
        %lt3A_286 = arith.constant 0 : i32
        %lt3A_287 = arith.cmpi slt, %rem3A_283, %lt3A_286 : i32
        %lt3A_288 = arith.constant 0 : i32
        %lt3A_289 = arith.cmpi slt, %select_n3A_282, %lt3A_288 : i32
        %ne3A_290 = arith.xori %lt3A_287, %lt3A_289 : i1
        %and3A_291 = arith.andi %ne3A_290, %ne3A_285 : i1
        %add3A_292 = arith.addi %rem3A_283, %select_n3A_282 : i32
        %select_n3A_293 = arith.select %and3A_291, %add3A_292, %rem3A_283 : i32
        %eq3A_294 = vector.broadcast %select_n3A_293 : i32 to vector<16xi32>
        %eq3A_295 = arith.cmpi eq, %iota3A, %eq3A_294 : vector<16xi32>
        %jit3A_296 = arith.constant 0 : i32
        %broadcast_in_dim3A_297 = vector.broadcast %jit3A_296 : i32 to vector<16xi32>
        %select_n3A_298 = arith.select %eq3A_295, %get3A_277, %broadcast_in_dim3A_297 : vector<16xi1>, vector<16xi32>
        %reduce_max3A_299 = arith.constant true
        %reduce_max3A_300 = vector.broadcast %reduce_max3A_299 : i1 to vector<16xi1>
        %reduce_max3A_301 = arith.constant -2147483648 : i32
        %reduce_max3A_302 = vector.broadcast %reduce_max3A_301 : i32 to vector<16xi32>
        %reduce_max3A_303 = arith.xori %select_n3A_298, %reduce_max3A_302 : vector<16xi32>
        %reduce_max3A_304 = tpu.scan <max>, %reduce_max3A_303 masked %reduce_max3A_300 : vector<16xi32>, vector<16xi1> -> vector<16xi32>
        %reduce_max3A_305 = arith.xori %reduce_max3A_304, %reduce_max3A_302 : vector<16xi32>
        %reduce_max3A_306 = vector.extract %reduce_max3A_305[15] : i32 from vector<16xi32>
        %mul3A_307 = arith.constant 80 : i32
        %mul3A_308 = arith.muli %add3A, %mul3A_307 : i32
        %mul3A_309 = arith.constant 128 : i32
        %mul3A_310 = arith.muli %mul3A_308, %mul3A_309 : i32
        %add3A_311 = arith.addi %mul3A_310, %reduce_max3A_306 : i32
        %sub3A_312 = arith.constant 1 : i32
        %sub3A_313 = arith.subi %add3A_311, %sub3A_312 : i32
        %jit3A_314 = arith.constant 0 : i32
        %jit3A_315 = arith.constant 81917 : i32
        %max3A_316 = arith.maxsi %jit3A_314, %sub3A_313 : i32
        %min3A_317 = arith.minsi %jit3A_315, %max3A_316 : i32
        %mul3A_318 = arith.constant 128 : i32
        %mul3A_319 = arith.muli %min3A_317, %mul3A_318 : i32
        %jit3A_320 = arith.constant 4 : i32
        %eq3A_321 = arith.constant 0 : i32
        %eq3A_322 = arith.cmpi eq, %jit3A_320, %eq3A_321 : i32
        %jit3A_323 = arith.constant 1 : i32
        %select_n3A_324 = arith.select %eq3A_322, %jit3A_323, %jit3A_320 : i32
        %rem3A_325 = arith.remsi %add3A_247, %select_n3A_324 : i32
        %ne3A_326 = arith.constant 0 : i32
        %ne3A_327 = arith.cmpi ne, %rem3A_325, %ne3A_326 : i32
        %lt3A_328 = arith.constant 0 : i32
        %lt3A_329 = arith.cmpi slt, %rem3A_325, %lt3A_328 : i32
        %lt3A_330 = arith.constant 0 : i32
        %lt3A_331 = arith.cmpi slt, %select_n3A_324, %lt3A_330 : i32
        %ne3A_332 = arith.xori %lt3A_329, %lt3A_331 : i1
        %and3A_333 = arith.andi %ne3A_332, %ne3A_327 : i1
        %add3A_334 = arith.addi %rem3A_325, %select_n3A_324 : i32
        %select_n3A_335 = arith.select %and3A_333, %add3A_334, %rem3A_325 : i32
        %mul3A_336 = arith.constant 3 : i32
        %mul3A_337 = arith.muli %select_n3A_335, %mul3A_336 : i32
        %mul3A_338 = arith.constant 128 : i32
        %mul3A_339 = arith.muli %mul3A_337, %mul3A_338 : i32
        %jit3A_340 = arith.constant 4 : i32
        %eq3A_341 = arith.constant 0 : i32
        %eq3A_342 = arith.cmpi eq, %jit3A_340, %eq3A_341 : i32
        %jit3A_343 = arith.constant 1 : i32
        %select_n3A_344 = arith.select %eq3A_342, %jit3A_343, %jit3A_340 : i32
        %rem3A_345 = arith.remsi %add3A_247, %select_n3A_344 : i32
        %ne3A_346 = arith.constant 0 : i32
        %ne3A_347 = arith.cmpi ne, %rem3A_345, %ne3A_346 : i32
        %lt3A_348 = arith.constant 0 : i32
        %lt3A_349 = arith.cmpi slt, %rem3A_345, %lt3A_348 : i32
        %lt3A_350 = arith.constant 0 : i32
        %lt3A_351 = arith.cmpi slt, %select_n3A_344, %lt3A_350 : i32
        %ne3A_352 = arith.xori %lt3A_349, %lt3A_351 : i1
        %and3A_353 = arith.andi %ne3A_352, %ne3A_347 : i1
        %add3A_354 = arith.addi %rem3A_345, %select_n3A_344 : i32
        %select_n3A_355 = arith.select %and3A_353, %add3A_354, %rem3A_345 : i32
        %dma_start3A = tpu.memref_slice %arg10[%mul3A_339] : memref<1536xf32, #tpu.memory_space<vmem>> -> memref<384xf32, #tpu.memory_space<vmem>>
        %dma_start3A_356 = tpu.memref_slice %arg2[%mul3A_319] : memref<10485760xf32, #tpu.memory_space<hbm>> -> memref<384xf32, #tpu.memory_space<hbm>>
        %dma_start3A_357 = tpu.memref_slice %arg23[%select_n3A_355] : memref<4x!tpu.dma_semaphore, #tpu.memory_space<semaphore_mem>> -> memref<1x!tpu.dma_semaphore, #tpu.memory_space<semaphore_mem>>
        %dma_start3A_358 = tpu.memref_squeeze %dma_start3A_357 : memref<1x!tpu.dma_semaphore, #tpu.memory_space<semaphore_mem>> -> memref<!tpu.dma_semaphore, #tpu.memory_space<semaphore_mem>>
        %dma_start3A_359 = tpu.memref_slice %arg10[%mul3A_339] : memref<1536xf32, #tpu.memory_space<vmem>> -> memref<384xf32, #tpu.memory_space<vmem>>
        %dma_start3A_360 = tpu.memref_slice %arg2[%mul3A_319] : memref<10485760xf32, #tpu.memory_space<hbm>> -> memref<384xf32, #tpu.memory_space<hbm>>
        tpu.enqueue_dma source(%dma_start3A_360 : memref<384xf32, #tpu.memory_space<hbm>>) target(%dma_start3A_359 : memref<384xf32, #tpu.memory_space<vmem>>) target_semaphore(%dma_start3A_358 : memref<!tpu.dma_semaphore, #tpu.memory_space<semaphore_mem>>)
      } else {
      }
      scf.yield %scan3A_238 : i32
    }
    %while3A_68 = arith.constant 1 : i32
    %while3A_69 = scf.for %while3A_73 = %while3A_65 to %while3A_61 step %while3A_68 iter_args(%while3A_74 = %while3A_67) -> (i32)  : i32 {
      %jit3A_75 = arith.constant 16 : i32
      %div3A = arith.divsi %while3A_73, %jit3A_75 : i32
      %sign3A = arith.constant 0 : i32
      %sign3A_76 = arith.cmpi sgt, %while3A_73, %sign3A : i32
      %sign3A_77 = arith.extui %sign3A_76 : i1 to i32
      %sign3A_78 = arith.constant 0 : i32
      %sign3A_79 = arith.cmpi slt, %while3A_73, %sign3A_78 : i32
      %sign3A_80 = arith.extui %sign3A_79 : i1 to i32
      %sign3A_81 = arith.subi %sign3A_77, %sign3A_80 : i32
      %sign3A_82 = arith.constant 0 : i32
      %sign3A_83 = arith.cmpi sgt, %jit3A_75, %sign3A_82 : i32
      %sign3A_84 = arith.extui %sign3A_83 : i1 to i32
      %sign3A_85 = arith.constant 0 : i32
      %sign3A_86 = arith.cmpi slt, %jit3A_75, %sign3A_85 : i32
      %sign3A_87 = arith.extui %sign3A_86 : i1 to i32
      %sign3A_88 = arith.subi %sign3A_84, %sign3A_87 : i32
      %ne3A = arith.cmpi ne, %sign3A_81, %sign3A_88 : i32
      %rem3A = arith.remsi %while3A_73, %jit3A_75 : i32
      %ne3A_89 = arith.constant 0 : i32
      %ne3A_90 = arith.cmpi ne, %rem3A, %ne3A_89 : i32
      %and3A_91 = arith.andi %ne3A, %ne3A_90 : i1
      %sub3A = arith.constant 1 : i32
      %sub3A_92 = arith.subi %div3A, %sub3A : i32
      %select_n3A_93 = arith.select %and3A_91, %sub3A_92, %div3A : i32
      %mul3A_94 = arith.constant 16 : i32
      %mul3A_95 = arith.muli %select_n3A_93, %mul3A_94 : i32
      %get3A = arith.index_cast %mul3A_95 : i32 to index
      %get3A_96 = tpu.vector_load %arg9[%get3A] {strides = array<i32>} : memref<512xi32, #tpu.memory_space<vmem>>, vector<16xi32>,
      %jit3A_97 = arith.constant 16 : i32
      %eq3A = arith.constant 0 : i32
      %eq3A_98 = arith.cmpi eq, %jit3A_97, %eq3A : i32
      %jit3A_99 = arith.constant 1 : i32
      %select_n3A_100 = arith.select %eq3A_98, %jit3A_99, %jit3A_97 : i32
      %rem3A_101 = arith.remsi %while3A_73, %select_n3A_100 : i32
      %ne3A_102 = arith.constant 0 : i32
      %ne3A_103 = arith.cmpi ne, %rem3A_101, %ne3A_102 : i32
      %lt3A_104 = arith.constant 0 : i32
      %lt3A_105 = arith.cmpi slt, %rem3A_101, %lt3A_104 : i32
      %lt3A_106 = arith.constant 0 : i32
      %lt3A_107 = arith.cmpi slt, %select_n3A_100, %lt3A_106 : i32
      %ne3A_108 = arith.xori %lt3A_105, %lt3A_107 : i1
      %and3A_109 = arith.andi %ne3A_108, %ne3A_103 : i1
      %add3A_110 = arith.addi %rem3A_101, %select_n3A_100 : i32
      %select_n3A_111 = arith.select %and3A_109, %add3A_110, %rem3A_101 : i32
      %eq3A_112 = vector.broadcast %select_n3A_111 : i32 to vector<16xi32>
      %eq3A_113 = arith.cmpi eq, %iota3A, %eq3A_112 : vector<16xi32>
      %jit3A_114 = arith.constant 0 : i32
      %broadcast_in_dim3A_115 = vector.broadcast %jit3A_114 : i32 to vector<16xi32>
      %select_n3A_116 = arith.select %eq3A_113, %get3A_96, %broadcast_in_dim3A_115 : vector<16xi1>, vector<16xi32>
      %reduce_max3A = arith.constant true
      %reduce_max3A_117 = vector.broadcast %reduce_max3A : i1 to vector<16xi1>
      %reduce_max3A_118 = arith.constant -2147483648 : i32
      %reduce_max3A_119 = vector.broadcast %reduce_max3A_118 : i32 to vector<16xi32>
      %reduce_max3A_120 = arith.xori %select_n3A_116, %reduce_max3A_119 : vector<16xi32>
      %reduce_max3A_121 = tpu.scan <max>, %reduce_max3A_120 masked %reduce_max3A_117 : vector<16xi32>, vector<16xi1> -> vector<16xi32>
      %reduce_max3A_122 = arith.xori %reduce_max3A_121, %reduce_max3A_119 : vector<16xi32>
      %reduce_max3A_123 = vector.extract %reduce_max3A_122[15] : i32 from vector<16xi32>
      %and3A_124 = arith.constant 127 : i32
      %and3A_125 = arith.andi %reduce_max3A_123, %and3A_124 : i32
      %jit3A_126 = arith.constant 4 : i32
      %eq3A_127 = arith.constant 0 : i32
      %eq3A_128 = arith.cmpi eq, %jit3A_126, %eq3A_127 : i32
      %jit3A_129 = arith.constant 1 : i32
      %select_n3A_130 = arith.select %eq3A_128, %jit3A_129, %jit3A_126 : i32
      %rem3A_131 = arith.remsi %while3A_73, %select_n3A_130 : i32
      %ne3A_132 = arith.constant 0 : i32
      %ne3A_133 = arith.cmpi ne, %rem3A_131, %ne3A_132 : i32
      %lt3A_134 = arith.constant 0 : i32
      %lt3A_135 = arith.cmpi slt, %rem3A_131, %lt3A_134 : i32
      %lt3A_136 = arith.constant 0 : i32
      %lt3A_137 = arith.cmpi slt, %select_n3A_130, %lt3A_136 : i32
      %ne3A_138 = arith.xori %lt3A_135, %lt3A_137 : i1
      %and3A_139 = arith.andi %ne3A_138, %ne3A_133 : i1
      %add3A_140 = arith.addi %rem3A_131, %select_n3A_130 : i32
      %select_n3A_141 = arith.select %and3A_139, %add3A_140, %rem3A_131 : i32
      %mul3A_142 = arith.constant 80 : i32
      %mul3A_143 = arith.muli %add3A, %mul3A_142 : i32
      %mul3A_144 = arith.constant 128 : i32
      %mul3A_145 = arith.muli %mul3A_143, %mul3A_144 : i32
      %add3A_146 = arith.addi %mul3A_145, %reduce_max3A_123 : i32
      %sub3A_147 = arith.constant 1 : i32
      %sub3A_148 = arith.subi %add3A_146, %sub3A_147 : i32
      %jit3A_149 = arith.constant 0 : i32
      %jit3A_150 = arith.constant 81917 : i32
      %max3A = arith.maxsi %jit3A_149, %sub3A_148 : i32
      %min3A = arith.minsi %jit3A_150, %max3A : i32
      %mul3A_151 = arith.constant 128 : i32
      %mul3A_152 = arith.muli %min3A, %mul3A_151 : i32
      %jit3A_153 = arith.constant 4 : i32
      %eq3A_154 = arith.constant 0 : i32
      %eq3A_155 = arith.cmpi eq, %jit3A_153, %eq3A_154 : i32
      %jit3A_156 = arith.constant 1 : i32
      %select_n3A_157 = arith.select %eq3A_155, %jit3A_156, %jit3A_153 : i32
      %rem3A_158 = arith.remsi %while3A_73, %select_n3A_157 : i32
      %ne3A_159 = arith.constant 0 : i32
      %ne3A_160 = arith.cmpi ne, %rem3A_158, %ne3A_159 : i32
      %lt3A_161 = arith.constant 0 : i32
      %lt3A_162 = arith.cmpi slt, %rem3A_158, %lt3A_161 : i32
      %lt3A_163 = arith.constant 0 : i32
      %lt3A_164 = arith.cmpi slt, %select_n3A_157, %lt3A_163 : i32
      %ne3A_165 = arith.xori %lt3A_162, %lt3A_164 : i1
      %and3A_166 = arith.andi %ne3A_165, %ne3A_160 : i1
      %add3A_167 = arith.addi %rem3A_158, %select_n3A_157 : i32
      %select_n3A_168 = arith.select %and3A_166, %add3A_167, %rem3A_158 : i32
      %mul3A_169 = arith.constant 3 : i32
      %mul3A_170 = arith.muli %select_n3A_168, %mul3A_169 : i32
      %mul3A_171 = arith.constant 128 : i32
      %mul3A_172 = arith.muli %mul3A_170, %mul3A_171 : i32
      %jit3A_173 = arith.constant 4 : i32
      %eq3A_174 = arith.constant 0 : i32
      %eq3A_175 = arith.cmpi eq, %jit3A_173, %eq3A_174 : i32
      %jit3A_176 = arith.constant 1 : i32
      %select_n3A_177 = arith.select %eq3A_175, %jit3A_176, %jit3A_173 : i32
      %rem3A_178 = arith.remsi %while3A_73, %select_n3A_177 : i32
      %ne3A_179 = arith.constant 0 : i32
      %ne3A_180 = arith.cmpi ne, %rem3A_178, %ne3A_179 : i32
      %lt3A_181 = arith.constant 0 : i32
      %lt3A_182 = arith.cmpi slt, %rem3A_178, %lt3A_181 : i32
      %lt3A_183 = arith.constant 0 : i32
      %lt3A_184 = arith.cmpi slt, %select_n3A_177, %lt3A_183 : i32
      %ne3A_185 = arith.xori %lt3A_182, %lt3A_184 : i1
      %and3A_186 = arith.andi %ne3A_185, %ne3A_180 : i1
      %add3A_187 = arith.addi %rem3A_178, %select_n3A_177 : i32
      %select_n3A_188 = arith.select %and3A_186, %add3A_187, %rem3A_178 : i32
      %dma_wait3A = tpu.memref_slice %arg10[%mul3A_172] : memref<1536xf32, #tpu.memory_space<vmem>> -> memref<384xf32, #tpu.memory_space<vmem>>
      %dma_wait3A_189 = tpu.memref_slice %arg2[%mul3A_152] : memref<10485760xf32, #tpu.memory_space<hbm>> -> memref<384xf32, #tpu.memory_space<hbm>>
      %dma_wait3A_190 = tpu.memref_slice %arg23[%select_n3A_188] : memref<4x!tpu.dma_semaphore, #tpu.memory_space<semaphore_mem>> -> memref<1x!tpu.dma_semaphore, #tpu.memory_space<semaphore_mem>>
      %dma_wait3A_191 = tpu.memref_squeeze %dma_wait3A_190 : memref<1x!tpu.dma_semaphore, #tpu.memory_space<semaphore_mem>> -> memref<!tpu.dma_semaphore, #tpu.memory_space<semaphore_mem>>
      %dma_wait3A_192 = tpu.memref_slice %arg10[%mul3A_172] : memref<1536xf32, #tpu.memory_space<vmem>> -> memref<384xf32, #tpu.memory_space<vmem>>
      %dma_wait3A_193 = tpu.memref_slice %arg2[%mul3A_152] : memref<10485760xf32, #tpu.memory_space<hbm>> -> memref<384xf32, #tpu.memory_space<hbm>>
      tpu.wait_dma2 semaphore(%dma_wait3A_191 : memref<!tpu.dma_semaphore, #tpu.memory_space<semaphore_mem>>) src(%dma_wait3A_193 : memref<384xf32, #tpu.memory_space<hbm>>) dst(%dma_wait3A_192 : memref<384xf32, #tpu.memory_space<vmem>>)
      %mul3A_194 = arith.constant 80 : i32
      %mul3A_195 = arith.muli %add3A, %mul3A_194 : i32
      %mul3A_196 = arith.constant 128 : i32
      %mul3A_197 = arith.muli %mul3A_195, %mul3A_196 : i32
      %add3A_198 = arith.addi %mul3A_197, %reduce_max3A_123 : i32
      %sub3A_199 = arith.constant 1 : i32
      %sub3A_200 = arith.subi %add3A_198, %sub3A_199 : i32
      %jit3A_201 = arith.constant 0 : i32
      %jit3A_202 = arith.constant 81917 : i32
      %max3A_203 = arith.maxsi %jit3A_201, %sub3A_200 : i32
      %min3A_204 = arith.minsi %jit3A_202, %max3A_203 : i32
      %sub3A_205 = arith.subi %add3A_198, %min3A_204 : i32
      %mul3A_206 = arith.constant 128 : i32
      %mul3A_207 = arith.muli %sub3A_205, %mul3A_206 : i32
      %eq3A_208 = arith.constant 0 : i32
      %eq3A_209 = arith.cmpi eq, %and3A_125, %eq3A_208 : i32
      %sub3A_210 = arith.constant 128 : i32
      %sub3A_211 = arith.subi %mul3A_207, %sub3A_210 : i32
      %select_n3A_212 = arith.select %eq3A_209, %mul3A_207, %sub3A_211 : i32
      %eq3A_213 = arith.constant 127 : i32
      %eq3A_214 = arith.cmpi eq, %and3A_125, %eq3A_213 : i32
      %add3A_215 = arith.constant 128 : i32
      %add3A_216 = arith.addi %mul3A_207, %add3A_215 : i32
      %select_n3A_217 = arith.select %eq3A_214, %mul3A_207, %add3A_216 : i32
      %mul3A_218 = arith.constant 3 : i32
      %mul3A_219 = arith.muli %select_n3A_141, %mul3A_218 : i32
      %mul3A_220 = arith.constant 128 : i32
      %mul3A_221 = arith.muli %mul3A_219, %mul3A_220 : i32
      %broadcast_in_dim3A_222 = arith.constant -1.000000e+00 : f32
      %broadcast_in_dim3A_223 = vector.broadcast %broadcast_in_dim3A_222 : f32 to vector<16xf32>
      %swap3A = arith.constant 0 : index
      %swap3A_224 = tpu.vector_load %arg11[%swap3A] {strides = array<i32>} : memref<160xf32, #tpu.memory_space<vmem>>, vector<16xf32>,
      tpu.vector_store %arg11[%swap3A], %broadcast_in_dim3A_223 {strides = array<i32>} : memref<160xf32, #tpu.memory_space<vmem>>, vector<16xf32>,
      %swap3A_225 = arith.constant 144 : index
      %swap3A_226 = tpu.vector_load %arg11[%swap3A_225] {strides = array<i32>} : memref<160xf32, #tpu.memory_space<vmem>>, vector<16xf32>,
      tpu.vector_store %arg11[%swap3A_225], %broadcast_in_dim3A_223 {strides = array<i32>} : memref<160xf32, #tpu.memory_space<vmem>>, vector<16xf32>,
      %scan3A_227 = arith.constant 0 : i32
      %scan3A_228 = arith.constant 0 : i32
      %scan3A_229 = arith.constant 8 : i32
      %scan3A_230 = arith.addi %scan3A_228, %scan3A_229 : i32
      %scan3A_231 = arith.constant 1 : i32
      %scan3A_232 = scf.for %scan3A_246 = %scan3A_228 to %scan3A_230 step %scan3A_231 iter_args(%scan3A_247 = %scan3A_227) -> (i32)  : i32 {
        %add3A_248 = arith.addi %mul3A_221, %mul3A_207 : i32
        %mul3A_249 = arith.constant 16 : i32
        %mul3A_250 = arith.muli %scan3A_246, %mul3A_249 : i32
        %add3A_251 = arith.addi %add3A_248, %mul3A_250 : i32
        %get3A_252 = arith.index_cast %add3A_251 : i32 to index
        %get3A_253 = tpu.vector_load %arg10[%get3A_252] {strides = array<i32>} : memref<1536xf32, #tpu.memory_space<vmem>>, vector<16xf32>,
        %eq3A_254 = arith.constant 0 : i32
        %eq3A_255 = arith.cmpi eq, %and3A_125, %eq3A_254 : i32
        %add3A_256 = arith.addi %mul3A_221, %select_n3A_212 : i32
        %mul3A_257 = arith.constant 16 : i32
        %mul3A_258 = arith.muli %scan3A_246, %mul3A_257 : i32
        %add3A_259 = arith.addi %add3A_256, %mul3A_258 : i32
        %get3A_260 = arith.index_cast %add3A_259 : i32 to index
        %get3A_261 = tpu.vector_load %arg10[%get3A_260] {strides = array<i32>} : memref<1536xf32, #tpu.memory_space<vmem>>, vector<16xf32>,
        %jit3A_262 = arith.constant -1.000000e+00 : f32
        %broadcast_in_dim3A_263 = vector.broadcast %jit3A_262 : f32 to vector<16xf32>
        %select_n3A_264 = arith.select %eq3A_255, %broadcast_in_dim3A_263, %get3A_261 : vector<16xf32>
        %eq3A_265 = arith.constant 127 : i32
        %eq3A_266 = arith.cmpi eq, %and3A_125, %eq3A_265 : i32
        %add3A_267 = arith.addi %mul3A_221, %select_n3A_217 : i32
        %mul3A_268 = arith.constant 16 : i32
        %mul3A_269 = arith.muli %scan3A_246, %mul3A_268 : i32
        %add3A_270 = arith.addi %add3A_267, %mul3A_269 : i32
        %get3A_271 = arith.index_cast %add3A_270 : i32 to index
        %get3A_272 = tpu.vector_load %arg10[%get3A_271] {strides = array<i32>} : memref<1536xf32, #tpu.memory_space<vmem>>, vector<16xf32>,
        %jit3A_273 = arith.constant -1.000000e+00 : f32
        %broadcast_in_dim3A_274 = vector.broadcast %jit3A_273 : f32 to vector<16xf32>
        %select_n3A_275 = arith.select %eq3A_266, %broadcast_in_dim3A_274, %get3A_272 : vector<16xf32>
        %max3A_276 = arith.maximumf %get3A_253, %select_n3A_264 : vector<16xf32>
        %max3A_277 = arith.maximumf %max3A_276, %select_n3A_275 : vector<16xf32>
        %mul3A_278 = arith.constant 16 : i32
        %mul3A_279 = arith.muli %scan3A_246, %mul3A_278 : i32
        %add3A_280 = arith.constant 16 : i32
        %add3A_281 = arith.addi %add3A_280, %mul3A_279 : i32
        %swap3A_282 = arith.index_cast %add3A_281 : i32 to index
        %swap3A_283 = tpu.vector_load %arg11[%swap3A_282] {strides = array<i32>} : memref<160xf32, #tpu.memory_space<vmem>>, vector<16xf32>,
        tpu.vector_store %arg11[%swap3A_282], %max3A_277 {strides = array<i32>} : memref<160xf32, #tpu.memory_space<vmem>>, vector<16xf32>,
        %scan3A_284 = arith.constant 0 : i32
        scf.yield %scan3A_284 : i32
      }
      %scan3A_233 = arith.constant 8 : i32
      %scan3A_234 = arith.constant 0 : i32
      %scan3A_235 = arith.constant 8 : i32
      %scan3A_236 = arith.addi %scan3A_234, %scan3A_235 : i32
      %scan3A_237 = arith.constant 1 : i32
      %scan3A_238 = scf.for %scan3A_246 = %scan3A_234 to %scan3A_236 step %scan3A_237 iter_args(%scan3A_247 = %while3A_74) -> (i32)  : i32 {
        %add3A_248 = arith.addi %mul3A_221, %mul3A_207 : i32
        %mul3A_249 = arith.constant 16 : i32
        %mul3A_250 = arith.muli %scan3A_246, %mul3A_249 : i32
        %add3A_251 = arith.addi %add3A_248, %mul3A_250 : i32
        %get3A_252 = arith.index_cast %add3A_251 : i32 to index
        %get3A_253 = tpu.vector_load %arg10[%get3A_252] {strides = array<i32>} : memref<1536xf32, #tpu.memory_space<vmem>>, vector<16xf32>,
        %mul3A_254 = arith.constant 16 : i32
        %mul3A_255 = arith.muli %scan3A_246, %mul3A_254 : i32
        %add3A_256 = arith.constant 15 : i32
        %add3A_257 = arith.addi %add3A_256, %mul3A_255 : i32
        %get3A_258 = arith.index_cast %add3A_257 : i32 to index
        %get3A_259 = tpu.vector_load %arg11[%get3A_258] {strides = array<i32>} : memref<160xf32, #tpu.memory_space<vmem>>, vector<16xf32>,
        %mul3A_260 = arith.constant 16 : i32
        %mul3A_261 = arith.muli %scan3A_246, %mul3A_260 : i32
        %add3A_262 = arith.constant 16 : i32
        %add3A_263 = arith.addi %add3A_262, %mul3A_261 : i32
        %get3A_264 = arith.index_cast %add3A_263 : i32 to index
        %get3A_265 = tpu.vector_load %arg11[%get3A_264] {strides = array<i32>} : memref<160xf32, #tpu.memory_space<vmem>>, vector<16xf32>,
        %mul3A_266 = arith.constant 16 : i32
        %mul3A_267 = arith.muli %scan3A_246, %mul3A_266 : i32
        %add3A_268 = arith.constant 17 : i32
        %add3A_269 = arith.addi %add3A_268, %mul3A_267 : i32
        %get3A_270 = arith.index_cast %add3A_269 : i32 to index
        %get3A_271 = tpu.vector_load %arg11[%get3A_270] {strides = array<i32>} : memref<160xf32, #tpu.memory_space<vmem>>, vector<16xf32>,
        %max3A_272 = arith.maximumf %get3A_259, %get3A_265 : vector<16xf32>
        %max3A_273 = arith.maximumf %max3A_272, %get3A_271 : vector<16xf32>
        %eq3A_274 = arith.cmpf oeq, %max3A_273, %get3A_253 : vector<16xf32>
        %jit3A_275 = arith.constant 0.000000e+00 : f32
        %broadcast_in_dim3A_276 = vector.broadcast %jit3A_275 : f32 to vector<16xf32>
        %select_n3A_277 = arith.select %eq3A_274, %get3A_253, %broadcast_in_dim3A_276 : vector<16xi1>, vector<16xf32>
        %bitcast3A_278 = vector.bitcast %select_n3A_277 : vector<16xf32> to vector<16xi32>
        %sub3A_279 = vector.broadcast %while3A : i32 to vector<16xi32>
        %sub3A_280 = arith.subi %sub3A_279, %bitcast3A_278 : vector<16xi32>
        %convert_element_type3A_281 = arith.sitofp %sub3A_280 : vector<16xi32> to vector<16xf32>
        %lt3A_282 = arith.cmpf olt, %convert_element_type3A_281, %bitcast3A : vector<16xf32>
        %gt3A = arith.constant 0.000000e+00 : f32
        %gt3A_283 = vector.broadcast %gt3A : f32 to vector<16xf32>
        %gt3A_284 = arith.cmpf ogt, %select_n3A_277, %gt3A_283 : vector<16xf32>
        %and3A_285 = arith.andi %lt3A_282, %gt3A_284 : vector<16xi1>
        %swap3A_286 = arith.index_cast %scan3A_247 : i32 to index
        %swap3A_287 = tpu.vector_load %arg12[%swap3A_286] masked %and3A_285 {strides = array<i32>} : memref<528xf32, #tpu.memory_space<vmem>>, vector<16xf32>, vector<16xi1>
        tpu.vector_store %arg12[%swap3A_286], %select_n3A_277 masked %and3A_285 {strides = array<i32>} : memref<528xf32, #tpu.memory_space<vmem>>, vector<16xf32>, vector<16xi1>
        %mul3A_288 = arith.constant 128 : i32
        %mul3A_289 = arith.muli %reduce_max3A_123, %mul3A_288 : i32
        %mul3A_290 = arith.constant 16 : i32
        %mul3A_291 = arith.muli %scan3A_246, %mul3A_290 : i32
        %add3A_292 = arith.addi %mul3A_289, %mul3A_291 : i32
        %add3A_293 = vector.broadcast %add3A_292 : i32 to vector<16xi32>
        %add3A_294 = arith.addi %add3A_293, %iota3A : vector<16xi32>
        %swap3A_295 = arith.index_cast %scan3A_247 : i32 to index
        %swap3A_296 = tpu.vector_load %arg13[%swap3A_295] masked %and3A_285 {strides = array<i32>} : memref<528xi32, #tpu.memory_space<vmem>>, vector<16xi32>, vector<16xi1>
        tpu.vector_store %arg13[%swap3A_295], %add3A_294 masked %and3A_285 {strides = array<i32>} : memref<528xi32, #tpu.memory_space<vmem>>, vector<16xi32>, vector<16xi1>
        %all_reduce_population_count3A = tpu.all_reduce %and3A_285 {dim = 0 : i64, kind = #tpu.reduction_kind<sum>} : vector<16xi1> -> vector<16xi32>
        %reduce_max3A_297 = arith.constant true
        %reduce_max3A_298 = vector.broadcast %reduce_max3A_297 : i1 to vector<16xi1>
        %reduce_max3A_299 = arith.constant -2147483648 : i32
        %reduce_max3A_300 = vector.broadcast %reduce_max3A_299 : i32 to vector<16xi32>
        %reduce_max3A_301 = arith.xori %all_reduce_population_count3A, %reduce_max3A_300 : vector<16xi32>
        %reduce_max3A_302 = tpu.scan <max>, %reduce_max3A_301 masked %reduce_max3A_298 : vector<16xi32>, vector<16xi1> -> vector<16xi32>
        %reduce_max3A_303 = arith.xori %reduce_max3A_302, %reduce_max3A_300 : vector<16xi32>
        %reduce_max3A_304 = vector.extract %reduce_max3A_303[15] : i32 from vector<16xi32>
        %add3A_305 = arith.addi %scan3A_247, %reduce_max3A_304 : i32
        %min3A_306 = arith.constant 512 : i32
        %min3A_307 = arith.minsi %add3A_305, %min3A_306 : i32
        scf.yield %min3A_307 : i32
      }
      %scan3A_239 = arith.constant 8 : i32
      %add3A_240 = arith.constant 4 : i32
      %add3A_241 = arith.addi %while3A_73, %add3A_240 : i32
      %lt3A_242 = arith.cmpi slt, %add3A_241, %scan3A_42 : i32
      %convert_element_type3A_243 = arith.extui %lt3A_242 : i1 to i32
      %cond3A_244 = arith.constant 0 : i32
      %cond3A_245 = arith.cmpi ne, %convert_element_type3A_243, %cond3A_244 : i32
      scf.if %cond3A_245 {
        %add3A_246 = arith.constant 4 : i32
        %add3A_247 = arith.addi %while3A_73, %add3A_246 : i32
        %add3A_248 = arith.constant 4 : i32
        %add3A_249 = arith.addi %while3A_73, %add3A_248 : i32
        %jit3A_250 = arith.constant 16 : i32
        %div3A_251 = arith.divsi %add3A_249, %jit3A_250 : i32
        %sign3A_252 = arith.constant 0 : i32
        %sign3A_253 = arith.cmpi sgt, %add3A_249, %sign3A_252 : i32
        %sign3A_254 = arith.extui %sign3A_253 : i1 to i32
        %sign3A_255 = arith.constant 0 : i32
        %sign3A_256 = arith.cmpi slt, %add3A_249, %sign3A_255 : i32
        %sign3A_257 = arith.extui %sign3A_256 : i1 to i32
        %sign3A_258 = arith.subi %sign3A_254, %sign3A_257 : i32
        %sign3A_259 = arith.constant 0 : i32
        %sign3A_260 = arith.cmpi sgt, %jit3A_250, %sign3A_259 : i32
        %sign3A_261 = arith.extui %sign3A_260 : i1 to i32
        %sign3A_262 = arith.constant 0 : i32
        %sign3A_263 = arith.cmpi slt, %jit3A_250, %sign3A_262 : i32
        %sign3A_264 = arith.extui %sign3A_263 : i1 to i32
        %sign3A_265 = arith.subi %sign3A_261, %sign3A_264 : i32
        %ne3A_266 = arith.cmpi ne, %sign3A_258, %sign3A_265 : i32
        %rem3A_267 = arith.remsi %add3A_249, %jit3A_250 : i32
        %ne3A_268 = arith.constant 0 : i32
        %ne3A_269 = arith.cmpi ne, %rem3A_267, %ne3A_268 : i32
        %and3A_270 = arith.andi %ne3A_266, %ne3A_269 : i1
        %sub3A_271 = arith.constant 1 : i32
        %sub3A_272 = arith.subi %div3A_251, %sub3A_271 : i32
        %select_n3A_273 = arith.select %and3A_270, %sub3A_272, %div3A_251 : i32
        %mul3A_274 = arith.constant 16 : i32
        %mul3A_275 = arith.muli %select_n3A_273, %mul3A_274 : i32
        %get3A_276 = arith.index_cast %mul3A_275 : i32 to index
        %get3A_277 = tpu.vector_load %arg9[%get3A_276] {strides = array<i32>} : memref<512xi32, #tpu.memory_space<vmem>>, vector<16xi32>,
        %jit3A_278 = arith.constant 16 : i32
        %eq3A_279 = arith.constant 0 : i32
        %eq3A_280 = arith.cmpi eq, %jit3A_278, %eq3A_279 : i32
        %jit3A_281 = arith.constant 1 : i32
        %select_n3A_282 = arith.select %eq3A_280, %jit3A_281, %jit3A_278 : i32
        %rem3A_283 = arith.remsi %add3A_249, %select_n3A_282 : i32
        %ne3A_284 = arith.constant 0 : i32
        %ne3A_285 = arith.cmpi ne, %rem3A_283, %ne3A_284 : i32
        %lt3A_286 = arith.constant 0 : i32
        %lt3A_287 = arith.cmpi slt, %rem3A_283, %lt3A_286 : i32
        %lt3A_288 = arith.constant 0 : i32
        %lt3A_289 = arith.cmpi slt, %select_n3A_282, %lt3A_288 : i32
        %ne3A_290 = arith.xori %lt3A_287, %lt3A_289 : i1
        %and3A_291 = arith.andi %ne3A_290, %ne3A_285 : i1
        %add3A_292 = arith.addi %rem3A_283, %select_n3A_282 : i32
        %select_n3A_293 = arith.select %and3A_291, %add3A_292, %rem3A_283 : i32
        %eq3A_294 = vector.broadcast %select_n3A_293 : i32 to vector<16xi32>
        %eq3A_295 = arith.cmpi eq, %iota3A, %eq3A_294 : vector<16xi32>
        %jit3A_296 = arith.constant 0 : i32
        %broadcast_in_dim3A_297 = vector.broadcast %jit3A_296 : i32 to vector<16xi32>
        %select_n3A_298 = arith.select %eq3A_295, %get3A_277, %broadcast_in_dim3A_297 : vector<16xi1>, vector<16xi32>
        %reduce_max3A_299 = arith.constant true
        %reduce_max3A_300 = vector.broadcast %reduce_max3A_299 : i1 to vector<16xi1>
        %reduce_max3A_301 = arith.constant -2147483648 : i32
        %reduce_max3A_302 = vector.broadcast %reduce_max3A_301 : i32 to vector<16xi32>
        %reduce_max3A_303 = arith.xori %select_n3A_298, %reduce_max3A_302 : vector<16xi32>
        %reduce_max3A_304 = tpu.scan <max>, %reduce_max3A_303 masked %reduce_max3A_300 : vector<16xi32>, vector<16xi1> -> vector<16xi32>
        %reduce_max3A_305 = arith.xori %reduce_max3A_304, %reduce_max3A_302 : vector<16xi32>
        %reduce_max3A_306 = vector.extract %reduce_max3A_305[15] : i32 from vector<16xi32>
        %mul3A_307 = arith.constant 80 : i32
        %mul3A_308 = arith.muli %add3A, %mul3A_307 : i32
        %mul3A_309 = arith.constant 128 : i32
        %mul3A_310 = arith.muli %mul3A_308, %mul3A_309 : i32
        %add3A_311 = arith.addi %mul3A_310, %reduce_max3A_306 : i32
        %sub3A_312 = arith.constant 1 : i32
        %sub3A_313 = arith.subi %add3A_311, %sub3A_312 : i32
        %jit3A_314 = arith.constant 0 : i32
        %jit3A_315 = arith.constant 81917 : i32
        %max3A_316 = arith.maxsi %jit3A_314, %sub3A_313 : i32
        %min3A_317 = arith.minsi %jit3A_315, %max3A_316 : i32
        %mul3A_318 = arith.constant 128 : i32
        %mul3A_319 = arith.muli %min3A_317, %mul3A_318 : i32
        %jit3A_320 = arith.constant 4 : i32
        %eq3A_321 = arith.constant 0 : i32
        %eq3A_322 = arith.cmpi eq, %jit3A_320, %eq3A_321 : i32
        %jit3A_323 = arith.constant 1 : i32
        %select_n3A_324 = arith.select %eq3A_322, %jit3A_323, %jit3A_320 : i32
        %rem3A_325 = arith.remsi %add3A_247, %select_n3A_324 : i32
        %ne3A_326 = arith.constant 0 : i32
        %ne3A_327 = arith.cmpi ne, %rem3A_325, %ne3A_326 : i32
        %lt3A_328 = arith.constant 0 : i32
        %lt3A_329 = arith.cmpi slt, %rem3A_325, %lt3A_328 : i32
        %lt3A_330 = arith.constant 0 : i32
        %lt3A_331 = arith.cmpi slt, %select_n3A_324, %lt3A_330 : i32
        %ne3A_332 = arith.xori %lt3A_329, %lt3A_331 : i1
        %and3A_333 = arith.andi %ne3A_332, %ne3A_327 : i1
        %add3A_334 = arith.addi %rem3A_325, %select_n3A_324 : i32
        %select_n3A_335 = arith.select %and3A_333, %add3A_334, %rem3A_325 : i32
        %mul3A_336 = arith.constant 3 : i32
        %mul3A_337 = arith.muli %select_n3A_335, %mul3A_336 : i32
        %mul3A_338 = arith.constant 128 : i32
        %mul3A_339 = arith.muli %mul3A_337, %mul3A_338 : i32
        %jit3A_340 = arith.constant 4 : i32
        %eq3A_341 = arith.constant 0 : i32
        %eq3A_342 = arith.cmpi eq, %jit3A_340, %eq3A_341 : i32
        %jit3A_343 = arith.constant 1 : i32
        %select_n3A_344 = arith.select %eq3A_342, %jit3A_343, %jit3A_340 : i32
        %rem3A_345 = arith.remsi %add3A_247, %select_n3A_344 : i32
        %ne3A_346 = arith.constant 0 : i32
        %ne3A_347 = arith.cmpi ne, %rem3A_345, %ne3A_346 : i32
        %lt3A_348 = arith.constant 0 : i32
        %lt3A_349 = arith.cmpi slt, %rem3A_345, %lt3A_348 : i32
        %lt3A_350 = arith.constant 0 : i32
        %lt3A_351 = arith.cmpi slt, %select_n3A_344, %lt3A_350 : i32
        %ne3A_352 = arith.xori %lt3A_349, %lt3A_351 : i1
        %and3A_353 = arith.andi %ne3A_352, %ne3A_347 : i1
        %add3A_354 = arith.addi %rem3A_345, %select_n3A_344 : i32
        %select_n3A_355 = arith.select %and3A_353, %add3A_354, %rem3A_345 : i32
        %dma_start3A = tpu.memref_slice %arg10[%mul3A_339] : memref<1536xf32, #tpu.memory_space<vmem>> -> memref<384xf32, #tpu.memory_space<vmem>>
        %dma_start3A_356 = tpu.memref_slice %arg2[%mul3A_319] : memref<10485760xf32, #tpu.memory_space<hbm>> -> memref<384xf32, #tpu.memory_space<hbm>>
        %dma_start3A_357 = tpu.memref_slice %arg23[%select_n3A_355] : memref<4x!tpu.dma_semaphore, #tpu.memory_space<semaphore_mem>> -> memref<1x!tpu.dma_semaphore, #tpu.memory_space<semaphore_mem>>
        %dma_start3A_358 = tpu.memref_squeeze %dma_start3A_357 : memref<1x!tpu.dma_semaphore, #tpu.memory_space<semaphore_mem>> -> memref<!tpu.dma_semaphore, #tpu.memory_space<semaphore_mem>>
        %dma_start3A_359 = tpu.memref_slice %arg10[%mul3A_339] : memref<1536xf32, #tpu.memory_space<vmem>> -> memref<384xf32, #tpu.memory_space<vmem>>
        %dma_start3A_360 = tpu.memref_slice %arg2[%mul3A_319] : memref<10485760xf32, #tpu.memory_space<hbm>> -> memref<384xf32, #tpu.memory_space<hbm>>
        tpu.enqueue_dma source(%dma_start3A_360 : memref<384xf32, #tpu.memory_space<hbm>>) target(%dma_start3A_359 : memref<384xf32, #tpu.memory_space<vmem>>) target_semaphore(%dma_start3A_358 : memref<!tpu.dma_semaphore, #tpu.memory_space<semaphore_mem>>)
      } else {
      }
      scf.yield %scan3A_238 : i32
    }
    "tpu.region"() ({
      %run_scoped3A = tpu.sem_alloc : memref<!tpu.dma_semaphore, #tpu.memory_space<semaphore_mem>>
      %dma_start3A = arith.constant 0 : i32
      %dma_start3A_73 = tpu.memref_slice %arg12[%dma_start3A] : memref<528xf32, #tpu.memory_space<vmem>> -> memref<512xf32, #tpu.memory_space<vmem>>
      %dma_start3A_74 = arith.constant 0 : i32
      %dma_start3A_75 = tpu.memref_slice %arg21[%arg1, %dma_start3A_74] : memref<16x512xf32, #tpu.memory_space<vmem_shared>> -> memref<1x512xf32, #tpu.memory_space<vmem_shared>>
      %dma_start3A_76 = tpu.memref_squeeze %dma_start3A_75 : memref<1x512xf32, #tpu.memory_space<vmem_shared>> -> memref<512xf32, #tpu.memory_space<vmem_shared>>
      %dma_start3A_77 = arith.constant 0 : i32
      %dma_start3A_78 = tpu.memref_slice %arg21[%arg1, %dma_start3A_77] : memref<16x512xf32, #tpu.memory_space<vmem_shared>> -> memref<1x512xf32, #tpu.memory_space<vmem_shared>>
      %dma_start3A_79 = tpu.memref_squeeze %dma_start3A_78 : memref<1x512xf32, #tpu.memory_space<vmem_shared>> -> memref<512xf32, #tpu.memory_space<vmem_shared>>
      %dma_start3A_80 = arith.constant 0 : i32
      %dma_start3A_81 = tpu.memref_slice %arg12[%dma_start3A_80] : memref<528xf32, #tpu.memory_space<vmem>> -> memref<512xf32, #tpu.memory_space<vmem>>
      tpu.enqueue_dma source(%dma_start3A_81 : memref<512xf32, #tpu.memory_space<vmem>>) target(%dma_start3A_79 : memref<512xf32, #tpu.memory_space<vmem_shared>>) target_semaphore(%run_scoped3A : memref<!tpu.dma_semaphore, #tpu.memory_space<semaphore_mem>>)
      %dma_wait3A = arith.constant 0 : i32
      %dma_wait3A_82 = tpu.memref_slice %arg12[%dma_wait3A] : memref<528xf32, #tpu.memory_space<vmem>> -> memref<512xf32, #tpu.memory_space<vmem>>
      %dma_wait3A_83 = arith.constant 0 : i32
      %dma_wait3A_84 = tpu.memref_slice %arg21[%arg1, %dma_wait3A_83] : memref<16x512xf32, #tpu.memory_space<vmem_shared>> -> memref<1x512xf32, #tpu.memory_space<vmem_shared>>
      %dma_wait3A_85 = tpu.memref_squeeze %dma_wait3A_84 : memref<1x512xf32, #tpu.memory_space<vmem_shared>> -> memref<512xf32, #tpu.memory_space<vmem_shared>>
      %dma_wait3A_86 = arith.constant 0 : i32
      %dma_wait3A_87 = tpu.memref_slice %arg21[%arg1, %dma_wait3A_86] : memref<16x512xf32, #tpu.memory_space<vmem_shared>> -> memref<1x512xf32, #tpu.memory_space<vmem_shared>>
      %dma_wait3A_88 = tpu.memref_squeeze %dma_wait3A_87 : memref<1x512xf32, #tpu.memory_space<vmem_shared>> -> memref<512xf32, #tpu.memory_space<vmem_shared>>
      %dma_wait3A_89 = arith.constant 0 : i32
      %dma_wait3A_90 = tpu.memref_slice %arg12[%dma_wait3A_89] : memref<528xf32, #tpu.memory_space<vmem>> -> memref<512xf32, #tpu.memory_space<vmem>>
      tpu.wait_dma2 semaphore(%run_scoped3A : memref<!tpu.dma_semaphore, #tpu.memory_space<semaphore_mem>>) src(%dma_wait3A_90 : memref<512xf32, #tpu.memory_space<vmem>>) dst(%dma_wait3A_88 : memref<512xf32, #tpu.memory_space<vmem_shared>>)
      tpu.yield
    }) : () -> ()
    "tpu.region"() ({
      %run_scoped3A = tpu.sem_alloc : memref<!tpu.dma_semaphore, #tpu.memory_space<semaphore_mem>>
      %dma_start3A = arith.constant 0 : i32
      %dma_start3A_73 = tpu.memref_slice %arg13[%dma_start3A] : memref<528xi32, #tpu.memory_space<vmem>> -> memref<512xi32, #tpu.memory_space<vmem>>
      %dma_start3A_74 = arith.constant 0 : i32
      %dma_start3A_75 = tpu.memref_slice %arg22[%arg1, %dma_start3A_74] : memref<16x512xi32, #tpu.memory_space<vmem_shared>> -> memref<1x512xi32, #tpu.memory_space<vmem_shared>>
      %dma_start3A_76 = tpu.memref_squeeze %dma_start3A_75 : memref<1x512xi32, #tpu.memory_space<vmem_shared>> -> memref<512xi32, #tpu.memory_space<vmem_shared>>
      %dma_start3A_77 = arith.constant 0 : i32
      %dma_start3A_78 = tpu.memref_slice %arg22[%arg1, %dma_start3A_77] : memref<16x512xi32, #tpu.memory_space<vmem_shared>> -> memref<1x512xi32, #tpu.memory_space<vmem_shared>>
      %dma_start3A_79 = tpu.memref_squeeze %dma_start3A_78 : memref<1x512xi32, #tpu.memory_space<vmem_shared>> -> memref<512xi32, #tpu.memory_space<vmem_shared>>
      %dma_start3A_80 = arith.constant 0 : i32
      %dma_start3A_81 = tpu.memref_slice %arg13[%dma_start3A_80] : memref<528xi32, #tpu.memory_space<vmem>> -> memref<512xi32, #tpu.memory_space<vmem>>
      tpu.enqueue_dma source(%dma_start3A_81 : memref<512xi32, #tpu.memory_space<vmem>>) target(%dma_start3A_79 : memref<512xi32, #tpu.memory_space<vmem_shared>>) target_semaphore(%run_scoped3A : memref<!tpu.dma_semaphore, #tpu.memory_space<semaphore_mem>>)
      %dma_wait3A = arith.constant 0 : i32
      %dma_wait3A_82 = tpu.memref_slice %arg13[%dma_wait3A] : memref<528xi32, #tpu.memory_space<vmem>> -> memref<512xi32, #tpu.memory_space<vmem>>
      %dma_wait3A_83 = arith.constant 0 : i32
      %dma_wait3A_84 = tpu.memref_slice %arg22[%arg1, %dma_wait3A_83] : memref<16x512xi32, #tpu.memory_space<vmem_shared>> -> memref<1x512xi32, #tpu.memory_space<vmem_shared>>
      %dma_wait3A_85 = tpu.memref_squeeze %dma_wait3A_84 : memref<1x512xi32, #tpu.memory_space<vmem_shared>> -> memref<512xi32, #tpu.memory_space<vmem_shared>>
      %dma_wait3A_86 = arith.constant 0 : i32
      %dma_wait3A_87 = tpu.memref_slice %arg22[%arg1, %dma_wait3A_86] : memref<16x512xi32, #tpu.memory_space<vmem_shared>> -> memref<1x512xi32, #tpu.memory_space<vmem_shared>>
      %dma_wait3A_88 = tpu.memref_squeeze %dma_wait3A_87 : memref<1x512xi32, #tpu.memory_space<vmem_shared>> -> memref<512xi32, #tpu.memory_space<vmem_shared>>
      %dma_wait3A_89 = arith.constant 0 : i32
      %dma_wait3A_90 = tpu.memref_slice %arg13[%dma_wait3A_89] : memref<528xi32, #tpu.memory_space<vmem>> -> memref<512xi32, #tpu.memory_space<vmem>>
      tpu.wait_dma2 semaphore(%run_scoped3A : memref<!tpu.dma_semaphore, #tpu.memory_space<semaphore_mem>>) src(%dma_wait3A_90 : memref<512xi32, #tpu.memory_space<vmem>>) dst(%dma_wait3A_88 : memref<512xi32, #tpu.memory_space<vmem_shared>>)
      tpu.yield
    }) : () -> ()
    %barrier3A = arith.constant 0 : index
    tpu.barrier barrier_id(%barrier3A)
    %lt3A_70 = arith.constant 4 : i32
    %lt3A_71 = arith.cmpi slt, %arg1, %lt3A_70 : i32
    %convert_element_type3A = arith.extui %lt3A_71 : i1 to i32
    %cond3A = arith.constant 0 : i32
    %cond3A_72 = arith.cmpi ne, %convert_element_type3A, %cond3A : i32
    scf.if %cond3A_72 {
      %mul3A_73 = arith.constant 4 : i32
      %mul3A_74 = arith.muli %arg0, %mul3A_73 : i32
      %add3A_75 = arith.addi %mul3A_74, %arg1 : i32
      %mul3A_76 = arith.constant 4 : i32
      %mul3A_77 = arith.muli %mul3A_76, %arg1 : i32
      %add3A_78 = arith.constant 0 : i32
      %add3A_79 = arith.addi %mul3A_77, %add3A_78 : i32
      "tpu.region"() ({
        %run_scoped3A = tpu.sem_alloc : memref<!tpu.dma_semaphore, #tpu.memory_space<semaphore_mem>>
        %dma_start3A = arith.constant 0 : i32
        %dma_start3A_166 = tpu.memref_slice %arg14[%dma_start3A] : memref<2048xf32, #tpu.memory_space<vmem>> -> memref<512xf32, #tpu.memory_space<vmem>>
        %dma_start3A_167 = arith.constant 0 : i32
        %dma_start3A_168 = tpu.memref_slice %arg21[%add3A_79, %dma_start3A_167] : memref<16x512xf32, #tpu.memory_space<vmem_shared>> -> memref<1x512xf32, #tpu.memory_space<vmem_shared>>
        %dma_start3A_169 = tpu.memref_squeeze %dma_start3A_168 : memref<1x512xf32, #tpu.memory_space<vmem_shared>> -> memref<512xf32, #tpu.memory_space<vmem_shared>>
        %dma_start3A_170 = arith.constant 0 : i32
        %dma_start3A_171 = tpu.memref_slice %arg14[%dma_start3A_170] : memref<2048xf32, #tpu.memory_space<vmem>> -> memref<512xf32, #tpu.memory_space<vmem>>
        %dma_start3A_172 = arith.constant 0 : i32
        %dma_start3A_173 = tpu.memref_slice %arg21[%add3A_79, %dma_start3A_172] : memref<16x512xf32, #tpu.memory_space<vmem_shared>> -> memref<1x512xf32, #tpu.memory_space<vmem_shared>>
        %dma_start3A_174 = tpu.memref_squeeze %dma_start3A_173 : memref<1x512xf32, #tpu.memory_space<vmem_shared>> -> memref<512xf32, #tpu.memory_space<vmem_shared>>
        tpu.enqueue_dma source(%dma_start3A_174 : memref<512xf32, #tpu.memory_space<vmem_shared>>) target(%dma_start3A_171 : memref<512xf32, #tpu.memory_space<vmem>>) target_semaphore(%run_scoped3A : memref<!tpu.dma_semaphore, #tpu.memory_space<semaphore_mem>>)
        %dma_wait3A = arith.constant 0 : i32
        %dma_wait3A_175 = tpu.memref_slice %arg14[%dma_wait3A] : memref<2048xf32, #tpu.memory_space<vmem>> -> memref<512xf32, #tpu.memory_space<vmem>>
        %dma_wait3A_176 = arith.constant 0 : i32
        %dma_wait3A_177 = tpu.memref_slice %arg21[%add3A_79, %dma_wait3A_176] : memref<16x512xf32, #tpu.memory_space<vmem_shared>> -> memref<1x512xf32, #tpu.memory_space<vmem_shared>>
        %dma_wait3A_178 = tpu.memref_squeeze %dma_wait3A_177 : memref<1x512xf32, #tpu.memory_space<vmem_shared>> -> memref<512xf32, #tpu.memory_space<vmem_shared>>
        %dma_wait3A_179 = arith.constant 0 : i32
        %dma_wait3A_180 = tpu.memref_slice %arg14[%dma_wait3A_179] : memref<2048xf32, #tpu.memory_space<vmem>> -> memref<512xf32, #tpu.memory_space<vmem>>
        %dma_wait3A_181 = arith.constant 0 : i32
        %dma_wait3A_182 = tpu.memref_slice %arg21[%add3A_79, %dma_wait3A_181] : memref<16x512xf32, #tpu.memory_space<vmem_shared>> -> memref<1x512xf32, #tpu.memory_space<vmem_shared>>
        %dma_wait3A_183 = tpu.memref_squeeze %dma_wait3A_182 : memref<1x512xf32, #tpu.memory_space<vmem_shared>> -> memref<512xf32, #tpu.memory_space<vmem_shared>>
        tpu.wait_dma2 semaphore(%run_scoped3A : memref<!tpu.dma_semaphore, #tpu.memory_space<semaphore_mem>>) src(%dma_wait3A_183 : memref<512xf32, #tpu.memory_space<vmem_shared>>) dst(%dma_wait3A_180 : memref<512xf32, #tpu.memory_space<vmem>>)
        tpu.yield
      }) : () -> ()
      %mul3A_80 = arith.constant 4 : i32
      %mul3A_81 = arith.muli %mul3A_80, %arg1 : i32
      %add3A_82 = arith.constant 0 : i32
      %add3A_83 = arith.addi %mul3A_81, %add3A_82 : i32
      "tpu.region"() ({
        %run_scoped3A = tpu.sem_alloc : memref<!tpu.dma_semaphore, #tpu.memory_space<semaphore_mem>>
        %dma_start3A = arith.constant 0 : i32
        %dma_start3A_166 = tpu.memref_slice %arg15[%dma_start3A] : memref<2048xi32, #tpu.memory_space<vmem>> -> memref<512xi32, #tpu.memory_space<vmem>>
        %dma_start3A_167 = arith.constant 0 : i32
        %dma_start3A_168 = tpu.memref_slice %arg22[%add3A_83, %dma_start3A_167] : memref<16x512xi32, #tpu.memory_space<vmem_shared>> -> memref<1x512xi32, #tpu.memory_space<vmem_shared>>
        %dma_start3A_169 = tpu.memref_squeeze %dma_start3A_168 : memref<1x512xi32, #tpu.memory_space<vmem_shared>> -> memref<512xi32, #tpu.memory_space<vmem_shared>>
        %dma_start3A_170 = arith.constant 0 : i32
        %dma_start3A_171 = tpu.memref_slice %arg15[%dma_start3A_170] : memref<2048xi32, #tpu.memory_space<vmem>> -> memref<512xi32, #tpu.memory_space<vmem>>
        %dma_start3A_172 = arith.constant 0 : i32
        %dma_start3A_173 = tpu.memref_slice %arg22[%add3A_83, %dma_start3A_172] : memref<16x512xi32, #tpu.memory_space<vmem_shared>> -> memref<1x512xi32, #tpu.memory_space<vmem_shared>>
        %dma_start3A_174 = tpu.memref_squeeze %dma_start3A_173 : memref<1x512xi32, #tpu.memory_space<vmem_shared>> -> memref<512xi32, #tpu.memory_space<vmem_shared>>
        tpu.enqueue_dma source(%dma_start3A_174 : memref<512xi32, #tpu.memory_space<vmem_shared>>) target(%dma_start3A_171 : memref<512xi32, #tpu.memory_space<vmem>>) target_semaphore(%run_scoped3A : memref<!tpu.dma_semaphore, #tpu.memory_space<semaphore_mem>>)
        %dma_wait3A = arith.constant 0 : i32
        %dma_wait3A_175 = tpu.memref_slice %arg15[%dma_wait3A] : memref<2048xi32, #tpu.memory_space<vmem>> -> memref<512xi32, #tpu.memory_space<vmem>>
        %dma_wait3A_176 = arith.constant 0 : i32
        %dma_wait3A_177 = tpu.memref_slice %arg22[%add3A_83, %dma_wait3A_176] : memref<16x512xi32, #tpu.memory_space<vmem_shared>> -> memref<1x512xi32, #tpu.memory_space<vmem_shared>>
        %dma_wait3A_178 = tpu.memref_squeeze %dma_wait3A_177 : memref<1x512xi32, #tpu.memory_space<vmem_shared>> -> memref<512xi32, #tpu.memory_space<vmem_shared>>
        %dma_wait3A_179 = arith.constant 0 : i32
        %dma_wait3A_180 = tpu.memref_slice %arg15[%dma_wait3A_179] : memref<2048xi32, #tpu.memory_space<vmem>> -> memref<512xi32, #tpu.memory_space<vmem>>
        %dma_wait3A_181 = arith.constant 0 : i32
        %dma_wait3A_182 = tpu.memref_slice %arg22[%add3A_83, %dma_wait3A_181] : memref<16x512xi32, #tpu.memory_space<vmem_shared>> -> memref<1x512xi32, #tpu.memory_space<vmem_shared>>
        %dma_wait3A_183 = tpu.memref_squeeze %dma_wait3A_182 : memref<1x512xi32, #tpu.memory_space<vmem_shared>> -> memref<512xi32, #tpu.memory_space<vmem_shared>>
        tpu.wait_dma2 semaphore(%run_scoped3A : memref<!tpu.dma_semaphore, #tpu.memory_space<semaphore_mem>>) src(%dma_wait3A_183 : memref<512xi32, #tpu.memory_space<vmem_shared>>) dst(%dma_wait3A_180 : memref<512xi32, #tpu.memory_space<vmem>>)
        tpu.yield
      }) : () -> ()
      %mul3A_84 = arith.constant 4 : i32
      %mul3A_85 = arith.muli %mul3A_84, %arg1 : i32
      %add3A_86 = arith.constant 1 : i32
      %add3A_87 = arith.addi %mul3A_85, %add3A_86 : i32
      "tpu.region"() ({
        %run_scoped3A = tpu.sem_alloc : memref<!tpu.dma_semaphore, #tpu.memory_space<semaphore_mem>>
        %dma_start3A = arith.constant 512 : i32
        %dma_start3A_166 = tpu.memref_slice %arg14[%dma_start3A] : memref<2048xf32, #tpu.memory_space<vmem>> -> memref<512xf32, #tpu.memory_space<vmem>>
        %dma_start3A_167 = arith.constant 0 : i32
        %dma_start3A_168 = tpu.memref_slice %arg21[%add3A_87, %dma_start3A_167] : memref<16x512xf32, #tpu.memory_space<vmem_shared>> -> memref<1x512xf32, #tpu.memory_space<vmem_shared>>
        %dma_start3A_169 = tpu.memref_squeeze %dma_start3A_168 : memref<1x512xf32, #tpu.memory_space<vmem_shared>> -> memref<512xf32, #tpu.memory_space<vmem_shared>>
        %dma_start3A_170 = arith.constant 512 : i32
        %dma_start3A_171 = tpu.memref_slice %arg14[%dma_start3A_170] : memref<2048xf32, #tpu.memory_space<vmem>> -> memref<512xf32, #tpu.memory_space<vmem>>
        %dma_start3A_172 = arith.constant 0 : i32
        %dma_start3A_173 = tpu.memref_slice %arg21[%add3A_87, %dma_start3A_172] : memref<16x512xf32, #tpu.memory_space<vmem_shared>> -> memref<1x512xf32, #tpu.memory_space<vmem_shared>>
        %dma_start3A_174 = tpu.memref_squeeze %dma_start3A_173 : memref<1x512xf32, #tpu.memory_space<vmem_shared>> -> memref<512xf32, #tpu.memory_space<vmem_shared>>
        tpu.enqueue_dma source(%dma_start3A_174 : memref<512xf32, #tpu.memory_space<vmem_shared>>) target(%dma_start3A_171 : memref<512xf32, #tpu.memory_space<vmem>>) target_semaphore(%run_scoped3A : memref<!tpu.dma_semaphore, #tpu.memory_space<semaphore_mem>>)
        %dma_wait3A = arith.constant 512 : i32
        %dma_wait3A_175 = tpu.memref_slice %arg14[%dma_wait3A] : memref<2048xf32, #tpu.memory_space<vmem>> -> memref<512xf32, #tpu.memory_space<vmem>>
        %dma_wait3A_176 = arith.constant 0 : i32
        %dma_wait3A_177 = tpu.memref_slice %arg21[%add3A_87, %dma_wait3A_176] : memref<16x512xf32, #tpu.memory_space<vmem_shared>> -> memref<1x512xf32, #tpu.memory_space<vmem_shared>>
        %dma_wait3A_178 = tpu.memref_squeeze %dma_wait3A_177 : memref<1x512xf32, #tpu.memory_space<vmem_shared>> -> memref<512xf32, #tpu.memory_space<vmem_shared>>
        %dma_wait3A_179 = arith.constant 512 : i32
        %dma_wait3A_180 = tpu.memref_slice %arg14[%dma_wait3A_179] : memref<2048xf32, #tpu.memory_space<vmem>> -> memref<512xf32, #tpu.memory_space<vmem>>
        %dma_wait3A_181 = arith.constant 0 : i32
        %dma_wait3A_182 = tpu.memref_slice %arg21[%add3A_87, %dma_wait3A_181] : memref<16x512xf32, #tpu.memory_space<vmem_shared>> -> memref<1x512xf32, #tpu.memory_space<vmem_shared>>
        %dma_wait3A_183 = tpu.memref_squeeze %dma_wait3A_182 : memref<1x512xf32, #tpu.memory_space<vmem_shared>> -> memref<512xf32, #tpu.memory_space<vmem_shared>>
        tpu.wait_dma2 semaphore(%run_scoped3A : memref<!tpu.dma_semaphore, #tpu.memory_space<semaphore_mem>>) src(%dma_wait3A_183 : memref<512xf32, #tpu.memory_space<vmem_shared>>) dst(%dma_wait3A_180 : memref<512xf32, #tpu.memory_space<vmem>>)
        tpu.yield
      }) : () -> ()
      %mul3A_88 = arith.constant 4 : i32
      %mul3A_89 = arith.muli %mul3A_88, %arg1 : i32
      %add3A_90 = arith.constant 1 : i32
      %add3A_91 = arith.addi %mul3A_89, %add3A_90 : i32
      "tpu.region"() ({
        %run_scoped3A = tpu.sem_alloc : memref<!tpu.dma_semaphore, #tpu.memory_space<semaphore_mem>>
        %dma_start3A = arith.constant 512 : i32
        %dma_start3A_166 = tpu.memref_slice %arg15[%dma_start3A] : memref<2048xi32, #tpu.memory_space<vmem>> -> memref<512xi32, #tpu.memory_space<vmem>>
        %dma_start3A_167 = arith.constant 0 : i32
        %dma_start3A_168 = tpu.memref_slice %arg22[%add3A_91, %dma_start3A_167] : memref<16x512xi32, #tpu.memory_space<vmem_shared>> -> memref<1x512xi32, #tpu.memory_space<vmem_shared>>
        %dma_start3A_169 = tpu.memref_squeeze %dma_start3A_168 : memref<1x512xi32, #tpu.memory_space<vmem_shared>> -> memref<512xi32, #tpu.memory_space<vmem_shared>>
        %dma_start3A_170 = arith.constant 512 : i32
        %dma_start3A_171 = tpu.memref_slice %arg15[%dma_start3A_170] : memref<2048xi32, #tpu.memory_space<vmem>> -> memref<512xi32, #tpu.memory_space<vmem>>
        %dma_start3A_172 = arith.constant 0 : i32
        %dma_start3A_173 = tpu.memref_slice %arg22[%add3A_91, %dma_start3A_172] : memref<16x512xi32, #tpu.memory_space<vmem_shared>> -> memref<1x512xi32, #tpu.memory_space<vmem_shared>>
        %dma_start3A_174 = tpu.memref_squeeze %dma_start3A_173 : memref<1x512xi32, #tpu.memory_space<vmem_shared>> -> memref<512xi32, #tpu.memory_space<vmem_shared>>
        tpu.enqueue_dma source(%dma_start3A_174 : memref<512xi32, #tpu.memory_space<vmem_shared>>) target(%dma_start3A_171 : memref<512xi32, #tpu.memory_space<vmem>>) target_semaphore(%run_scoped3A : memref<!tpu.dma_semaphore, #tpu.memory_space<semaphore_mem>>)
        %dma_wait3A = arith.constant 512 : i32
        %dma_wait3A_175 = tpu.memref_slice %arg15[%dma_wait3A] : memref<2048xi32, #tpu.memory_space<vmem>> -> memref<512xi32, #tpu.memory_space<vmem>>
        %dma_wait3A_176 = arith.constant 0 : i32
        %dma_wait3A_177 = tpu.memref_slice %arg22[%add3A_91, %dma_wait3A_176] : memref<16x512xi32, #tpu.memory_space<vmem_shared>> -> memref<1x512xi32, #tpu.memory_space<vmem_shared>>
        %dma_wait3A_178 = tpu.memref_squeeze %dma_wait3A_177 : memref<1x512xi32, #tpu.memory_space<vmem_shared>> -> memref<512xi32, #tpu.memory_space<vmem_shared>>
        %dma_wait3A_179 = arith.constant 512 : i32
        %dma_wait3A_180 = tpu.memref_slice %arg15[%dma_wait3A_179] : memref<2048xi32, #tpu.memory_space<vmem>> -> memref<512xi32, #tpu.memory_space<vmem>>
        %dma_wait3A_181 = arith.constant 0 : i32
        %dma_wait3A_182 = tpu.memref_slice %arg22[%add3A_91, %dma_wait3A_181] : memref<16x512xi32, #tpu.memory_space<vmem_shared>> -> memref<1x512xi32, #tpu.memory_space<vmem_shared>>
        %dma_wait3A_183 = tpu.memref_squeeze %dma_wait3A_182 : memref<1x512xi32, #tpu.memory_space<vmem_shared>> -> memref<512xi32, #tpu.memory_space<vmem_shared>>
        tpu.wait_dma2 semaphore(%run_scoped3A : memref<!tpu.dma_semaphore, #tpu.memory_space<semaphore_mem>>) src(%dma_wait3A_183 : memref<512xi32, #tpu.memory_space<vmem_shared>>) dst(%dma_wait3A_180 : memref<512xi32, #tpu.memory_space<vmem>>)
        tpu.yield
      }) : () -> ()
      %mul3A_92 = arith.constant 4 : i32
      %mul3A_93 = arith.muli %mul3A_92, %arg1 : i32
      %add3A_94 = arith.constant 2 : i32
      %add3A_95 = arith.addi %mul3A_93, %add3A_94 : i32
      "tpu.region"() ({
        %run_scoped3A = tpu.sem_alloc : memref<!tpu.dma_semaphore, #tpu.memory_space<semaphore_mem>>
        %dma_start3A = arith.constant 1024 : i32
        %dma_start3A_166 = tpu.memref_slice %arg14[%dma_start3A] : memref<2048xf32, #tpu.memory_space<vmem>> -> memref<512xf32, #tpu.memory_space<vmem>>
        %dma_start3A_167 = arith.constant 0 : i32
        %dma_start3A_168 = tpu.memref_slice %arg21[%add3A_95, %dma_start3A_167] : memref<16x512xf32, #tpu.memory_space<vmem_shared>> -> memref<1x512xf32, #tpu.memory_space<vmem_shared>>
        %dma_start3A_169 = tpu.memref_squeeze %dma_start3A_168 : memref<1x512xf32, #tpu.memory_space<vmem_shared>> -> memref<512xf32, #tpu.memory_space<vmem_shared>>
        %dma_start3A_170 = arith.constant 1024 : i32
        %dma_start3A_171 = tpu.memref_slice %arg14[%dma_start3A_170] : memref<2048xf32, #tpu.memory_space<vmem>> -> memref<512xf32, #tpu.memory_space<vmem>>
        %dma_start3A_172 = arith.constant 0 : i32
        %dma_start3A_173 = tpu.memref_slice %arg21[%add3A_95, %dma_start3A_172] : memref<16x512xf32, #tpu.memory_space<vmem_shared>> -> memref<1x512xf32, #tpu.memory_space<vmem_shared>>
        %dma_start3A_174 = tpu.memref_squeeze %dma_start3A_173 : memref<1x512xf32, #tpu.memory_space<vmem_shared>> -> memref<512xf32, #tpu.memory_space<vmem_shared>>
        tpu.enqueue_dma source(%dma_start3A_174 : memref<512xf32, #tpu.memory_space<vmem_shared>>) target(%dma_start3A_171 : memref<512xf32, #tpu.memory_space<vmem>>) target_semaphore(%run_scoped3A : memref<!tpu.dma_semaphore, #tpu.memory_space<semaphore_mem>>)
        %dma_wait3A = arith.constant 1024 : i32
        %dma_wait3A_175 = tpu.memref_slice %arg14[%dma_wait3A] : memref<2048xf32, #tpu.memory_space<vmem>> -> memref<512xf32, #tpu.memory_space<vmem>>
        %dma_wait3A_176 = arith.constant 0 : i32
        %dma_wait3A_177 = tpu.memref_slice %arg21[%add3A_95, %dma_wait3A_176] : memref<16x512xf32, #tpu.memory_space<vmem_shared>> -> memref<1x512xf32, #tpu.memory_space<vmem_shared>>
        %dma_wait3A_178 = tpu.memref_squeeze %dma_wait3A_177 : memref<1x512xf32, #tpu.memory_space<vmem_shared>> -> memref<512xf32, #tpu.memory_space<vmem_shared>>
        %dma_wait3A_179 = arith.constant 1024 : i32
        %dma_wait3A_180 = tpu.memref_slice %arg14[%dma_wait3A_179] : memref<2048xf32, #tpu.memory_space<vmem>> -> memref<512xf32, #tpu.memory_space<vmem>>
        %dma_wait3A_181 = arith.constant 0 : i32
        %dma_wait3A_182 = tpu.memref_slice %arg21[%add3A_95, %dma_wait3A_181] : memref<16x512xf32, #tpu.memory_space<vmem_shared>> -> memref<1x512xf32, #tpu.memory_space<vmem_shared>>
        %dma_wait3A_183 = tpu.memref_squeeze %dma_wait3A_182 : memref<1x512xf32, #tpu.memory_space<vmem_shared>> -> memref<512xf32, #tpu.memory_space<vmem_shared>>
        tpu.wait_dma2 semaphore(%run_scoped3A : memref<!tpu.dma_semaphore, #tpu.memory_space<semaphore_mem>>) src(%dma_wait3A_183 : memref<512xf32, #tpu.memory_space<vmem_shared>>) dst(%dma_wait3A_180 : memref<512xf32, #tpu.memory_space<vmem>>)
        tpu.yield
      }) : () -> ()
      %mul3A_96 = arith.constant 4 : i32
      %mul3A_97 = arith.muli %mul3A_96, %arg1 : i32
      %add3A_98 = arith.constant 2 : i32
      %add3A_99 = arith.addi %mul3A_97, %add3A_98 : i32
      "tpu.region"() ({
        %run_scoped3A = tpu.sem_alloc : memref<!tpu.dma_semaphore, #tpu.memory_space<semaphore_mem>>
        %dma_start3A = arith.constant 1024 : i32
        %dma_start3A_166 = tpu.memref_slice %arg15[%dma_start3A] : memref<2048xi32, #tpu.memory_space<vmem>> -> memref<512xi32, #tpu.memory_space<vmem>>
        %dma_start3A_167 = arith.constant 0 : i32
        %dma_start3A_168 = tpu.memref_slice %arg22[%add3A_99, %dma_start3A_167] : memref<16x512xi32, #tpu.memory_space<vmem_shared>> -> memref<1x512xi32, #tpu.memory_space<vmem_shared>>
        %dma_start3A_169 = tpu.memref_squeeze %dma_start3A_168 : memref<1x512xi32, #tpu.memory_space<vmem_shared>> -> memref<512xi32, #tpu.memory_space<vmem_shared>>
        %dma_start3A_170 = arith.constant 1024 : i32
        %dma_start3A_171 = tpu.memref_slice %arg15[%dma_start3A_170] : memref<2048xi32, #tpu.memory_space<vmem>> -> memref<512xi32, #tpu.memory_space<vmem>>
        %dma_start3A_172 = arith.constant 0 : i32
        %dma_start3A_173 = tpu.memref_slice %arg22[%add3A_99, %dma_start3A_172] : memref<16x512xi32, #tpu.memory_space<vmem_shared>> -> memref<1x512xi32, #tpu.memory_space<vmem_shared>>
        %dma_start3A_174 = tpu.memref_squeeze %dma_start3A_173 : memref<1x512xi32, #tpu.memory_space<vmem_shared>> -> memref<512xi32, #tpu.memory_space<vmem_shared>>
        tpu.enqueue_dma source(%dma_start3A_174 : memref<512xi32, #tpu.memory_space<vmem_shared>>) target(%dma_start3A_171 : memref<512xi32, #tpu.memory_space<vmem>>) target_semaphore(%run_scoped3A : memref<!tpu.dma_semaphore, #tpu.memory_space<semaphore_mem>>)
        %dma_wait3A = arith.constant 1024 : i32
        %dma_wait3A_175 = tpu.memref_slice %arg15[%dma_wait3A] : memref<2048xi32, #tpu.memory_space<vmem>> -> memref<512xi32, #tpu.memory_space<vmem>>
        %dma_wait3A_176 = arith.constant 0 : i32
        %dma_wait3A_177 = tpu.memref_slice %arg22[%add3A_99, %dma_wait3A_176] : memref<16x512xi32, #tpu.memory_space<vmem_shared>> -> memref<1x512xi32, #tpu.memory_space<vmem_shared>>
        %dma_wait3A_178 = tpu.memref_squeeze %dma_wait3A_177 : memref<1x512xi32, #tpu.memory_space<vmem_shared>> -> memref<512xi32, #tpu.memory_space<vmem_shared>>
        %dma_wait3A_179 = arith.constant 1024 : i32
        %dma_wait3A_180 = tpu.memref_slice %arg15[%dma_wait3A_179] : memref<2048xi32, #tpu.memory_space<vmem>> -> memref<512xi32, #tpu.memory_space<vmem>>
        %dma_wait3A_181 = arith.constant 0 : i32
        %dma_wait3A_182 = tpu.memref_slice %arg22[%add3A_99, %dma_wait3A_181] : memref<16x512xi32, #tpu.memory_space<vmem_shared>> -> memref<1x512xi32, #tpu.memory_space<vmem_shared>>
        %dma_wait3A_183 = tpu.memref_squeeze %dma_wait3A_182 : memref<1x512xi32, #tpu.memory_space<vmem_shared>> -> memref<512xi32, #tpu.memory_space<vmem_shared>>
        tpu.wait_dma2 semaphore(%run_scoped3A : memref<!tpu.dma_semaphore, #tpu.memory_space<semaphore_mem>>) src(%dma_wait3A_183 : memref<512xi32, #tpu.memory_space<vmem_shared>>) dst(%dma_wait3A_180 : memref<512xi32, #tpu.memory_space<vmem>>)
        tpu.yield
      }) : () -> ()
      %mul3A_100 = arith.constant 4 : i32
      %mul3A_101 = arith.muli %mul3A_100, %arg1 : i32
      %add3A_102 = arith.constant 3 : i32
      %add3A_103 = arith.addi %mul3A_101, %add3A_102 : i32
      "tpu.region"() ({
        %run_scoped3A = tpu.sem_alloc : memref<!tpu.dma_semaphore, #tpu.memory_space<semaphore_mem>>
        %dma_start3A = arith.constant 1536 : i32
        %dma_start3A_166 = tpu.memref_slice %arg14[%dma_start3A] : memref<2048xf32, #tpu.memory_space<vmem>> -> memref<512xf32, #tpu.memory_space<vmem>>
        %dma_start3A_167 = arith.constant 0 : i32
        %dma_start3A_168 = tpu.memref_slice %arg21[%add3A_103, %dma_start3A_167] : memref<16x512xf32, #tpu.memory_space<vmem_shared>> -> memref<1x512xf32, #tpu.memory_space<vmem_shared>>
        %dma_start3A_169 = tpu.memref_squeeze %dma_start3A_168 : memref<1x512xf32, #tpu.memory_space<vmem_shared>> -> memref<512xf32, #tpu.memory_space<vmem_shared>>
        %dma_start3A_170 = arith.constant 1536 : i32
        %dma_start3A_171 = tpu.memref_slice %arg14[%dma_start3A_170] : memref<2048xf32, #tpu.memory_space<vmem>> -> memref<512xf32, #tpu.memory_space<vmem>>
        %dma_start3A_172 = arith.constant 0 : i32
        %dma_start3A_173 = tpu.memref_slice %arg21[%add3A_103, %dma_start3A_172] : memref<16x512xf32, #tpu.memory_space<vmem_shared>> -> memref<1x512xf32, #tpu.memory_space<vmem_shared>>
        %dma_start3A_174 = tpu.memref_squeeze %dma_start3A_173 : memref<1x512xf32, #tpu.memory_space<vmem_shared>> -> memref<512xf32, #tpu.memory_space<vmem_shared>>
        tpu.enqueue_dma source(%dma_start3A_174 : memref<512xf32, #tpu.memory_space<vmem_shared>>) target(%dma_start3A_171 : memref<512xf32, #tpu.memory_space<vmem>>) target_semaphore(%run_scoped3A : memref<!tpu.dma_semaphore, #tpu.memory_space<semaphore_mem>>)
        %dma_wait3A = arith.constant 1536 : i32
        %dma_wait3A_175 = tpu.memref_slice %arg14[%dma_wait3A] : memref<2048xf32, #tpu.memory_space<vmem>> -> memref<512xf32, #tpu.memory_space<vmem>>
        %dma_wait3A_176 = arith.constant 0 : i32
        %dma_wait3A_177 = tpu.memref_slice %arg21[%add3A_103, %dma_wait3A_176] : memref<16x512xf32, #tpu.memory_space<vmem_shared>> -> memref<1x512xf32, #tpu.memory_space<vmem_shared>>
        %dma_wait3A_178 = tpu.memref_squeeze %dma_wait3A_177 : memref<1x512xf32, #tpu.memory_space<vmem_shared>> -> memref<512xf32, #tpu.memory_space<vmem_shared>>
        %dma_wait3A_179 = arith.constant 1536 : i32
        %dma_wait3A_180 = tpu.memref_slice %arg14[%dma_wait3A_179] : memref<2048xf32, #tpu.memory_space<vmem>> -> memref<512xf32, #tpu.memory_space<vmem>>
        %dma_wait3A_181 = arith.constant 0 : i32
        %dma_wait3A_182 = tpu.memref_slice %arg21[%add3A_103, %dma_wait3A_181] : memref<16x512xf32, #tpu.memory_space<vmem_shared>> -> memref<1x512xf32, #tpu.memory_space<vmem_shared>>
        %dma_wait3A_183 = tpu.memref_squeeze %dma_wait3A_182 : memref<1x512xf32, #tpu.memory_space<vmem_shared>> -> memref<512xf32, #tpu.memory_space<vmem_shared>>
        tpu.wait_dma2 semaphore(%run_scoped3A : memref<!tpu.dma_semaphore, #tpu.memory_space<semaphore_mem>>) src(%dma_wait3A_183 : memref<512xf32, #tpu.memory_space<vmem_shared>>) dst(%dma_wait3A_180 : memref<512xf32, #tpu.memory_space<vmem>>)
        tpu.yield
      }) : () -> ()
      %mul3A_104 = arith.constant 4 : i32
      %mul3A_105 = arith.muli %mul3A_104, %arg1 : i32
      %add3A_106 = arith.constant 3 : i32
      %add3A_107 = arith.addi %mul3A_105, %add3A_106 : i32
      "tpu.region"() ({
        %run_scoped3A = tpu.sem_alloc : memref<!tpu.dma_semaphore, #tpu.memory_space<semaphore_mem>>
        %dma_start3A = arith.constant 1536 : i32
        %dma_start3A_166 = tpu.memref_slice %arg15[%dma_start3A] : memref<2048xi32, #tpu.memory_space<vmem>> -> memref<512xi32, #tpu.memory_space<vmem>>
        %dma_start3A_167 = arith.constant 0 : i32
        %dma_start3A_168 = tpu.memref_slice %arg22[%add3A_107, %dma_start3A_167] : memref<16x512xi32, #tpu.memory_space<vmem_shared>> -> memref<1x512xi32, #tpu.memory_space<vmem_shared>>
        %dma_start3A_169 = tpu.memref_squeeze %dma_start3A_168 : memref<1x512xi32, #tpu.memory_space<vmem_shared>> -> memref<512xi32, #tpu.memory_space<vmem_shared>>
        %dma_start3A_170 = arith.constant 1536 : i32
        %dma_start3A_171 = tpu.memref_slice %arg15[%dma_start3A_170] : memref<2048xi32, #tpu.memory_space<vmem>> -> memref<512xi32, #tpu.memory_space<vmem>>
        %dma_start3A_172 = arith.constant 0 : i32
        %dma_start3A_173 = tpu.memref_slice %arg22[%add3A_107, %dma_start3A_172] : memref<16x512xi32, #tpu.memory_space<vmem_shared>> -> memref<1x512xi32, #tpu.memory_space<vmem_shared>>
        %dma_start3A_174 = tpu.memref_squeeze %dma_start3A_173 : memref<1x512xi32, #tpu.memory_space<vmem_shared>> -> memref<512xi32, #tpu.memory_space<vmem_shared>>
        tpu.enqueue_dma source(%dma_start3A_174 : memref<512xi32, #tpu.memory_space<vmem_shared>>) target(%dma_start3A_171 : memref<512xi32, #tpu.memory_space<vmem>>) target_semaphore(%run_scoped3A : memref<!tpu.dma_semaphore, #tpu.memory_space<semaphore_mem>>)
        %dma_wait3A = arith.constant 1536 : i32
        %dma_wait3A_175 = tpu.memref_slice %arg15[%dma_wait3A] : memref<2048xi32, #tpu.memory_space<vmem>> -> memref<512xi32, #tpu.memory_space<vmem>>
        %dma_wait3A_176 = arith.constant 0 : i32
        %dma_wait3A_177 = tpu.memref_slice %arg22[%add3A_107, %dma_wait3A_176] : memref<16x512xi32, #tpu.memory_space<vmem_shared>> -> memref<1x512xi32, #tpu.memory_space<vmem_shared>>
        %dma_wait3A_178 = tpu.memref_squeeze %dma_wait3A_177 : memref<1x512xi32, #tpu.memory_space<vmem_shared>> -> memref<512xi32, #tpu.memory_space<vmem_shared>>
        %dma_wait3A_179 = arith.constant 1536 : i32
        %dma_wait3A_180 = tpu.memref_slice %arg15[%dma_wait3A_179] : memref<2048xi32, #tpu.memory_space<vmem>> -> memref<512xi32, #tpu.memory_space<vmem>>
        %dma_wait3A_181 = arith.constant 0 : i32
        %dma_wait3A_182 = tpu.memref_slice %arg22[%add3A_107, %dma_wait3A_181] : memref<16x512xi32, #tpu.memory_space<vmem_shared>> -> memref<1x512xi32, #tpu.memory_space<vmem_shared>>
        %dma_wait3A_183 = tpu.memref_squeeze %dma_wait3A_182 : memref<1x512xi32, #tpu.memory_space<vmem_shared>> -> memref<512xi32, #tpu.memory_space<vmem_shared>>
        tpu.wait_dma2 semaphore(%run_scoped3A : memref<!tpu.dma_semaphore, #tpu.memory_space<semaphore_mem>>) src(%dma_wait3A_183 : memref<512xi32, #tpu.memory_space<vmem_shared>>) dst(%dma_wait3A_180 : memref<512xi32, #tpu.memory_space<vmem>>)
        tpu.yield
      }) : () -> ()
      %mul3A_108 = arith.constant 2 : i32
      %mul3A_109 = arith.muli %add3A_75, %mul3A_108 : i32
      %mul3A_110 = arith.constant 16384 : i32
      %mul3A_111 = arith.muli %mul3A_109, %mul3A_110 : i32
      "tpu.region"() ({
        %run_scoped3A = tpu.sem_alloc : memref<!tpu.dma_semaphore, #tpu.memory_space<semaphore_mem>>
        %dma_start3A = tpu.memref_slice %arg4[%mul3A_111] : memref<262144xf32, #tpu.memory_space<hbm>> -> memref<32768xf32, #tpu.memory_space<hbm>>
        %dma_start3A_166 = tpu.memref_slice %arg4[%mul3A_111] : memref<262144xf32, #tpu.memory_space<hbm>> -> memref<32768xf32, #tpu.memory_space<hbm>>
        tpu.enqueue_dma source(%dma_start3A_166 : memref<32768xf32, #tpu.memory_space<hbm>>) target(%arg18 : memref<32768xf32, #tpu.memory_space<vmem>>) target_semaphore(%run_scoped3A : memref<!tpu.dma_semaphore, #tpu.memory_space<semaphore_mem>>)
        %dma_wait3A = tpu.memref_slice %arg4[%mul3A_111] : memref<262144xf32, #tpu.memory_space<hbm>> -> memref<32768xf32, #tpu.memory_space<hbm>>
        %dma_wait3A_167 = tpu.memref_slice %arg4[%mul3A_111] : memref<262144xf32, #tpu.memory_space<hbm>> -> memref<32768xf32, #tpu.memory_space<hbm>>
        tpu.wait_dma2 semaphore(%run_scoped3A : memref<!tpu.dma_semaphore, #tpu.memory_space<semaphore_mem>>) src(%dma_wait3A_167 : memref<32768xf32, #tpu.memory_space<hbm>>) dst(%arg18 : memref<32768xf32, #tpu.memory_space<vmem>>)
        tpu.yield
      }) : () -> ()
      %mul3A_112 = arith.constant 2 : i32
      %mul3A_113 = arith.muli %add3A_75, %mul3A_112 : i32
      %mul3A_114 = arith.constant 16384 : i32
      %mul3A_115 = arith.muli %mul3A_113, %mul3A_114 : i32
      "tpu.region"() ({
        %run_scoped3A = tpu.sem_alloc : memref<!tpu.dma_semaphore, #tpu.memory_space<semaphore_mem>>
        %dma_start3A = tpu.memref_slice %arg5[%mul3A_115] : memref<262144xf32, #tpu.memory_space<hbm>> -> memref<32768xf32, #tpu.memory_space<hbm>>
        %dma_start3A_166 = tpu.memref_slice %arg5[%mul3A_115] : memref<262144xf32, #tpu.memory_space<hbm>> -> memref<32768xf32, #tpu.memory_space<hbm>>
        tpu.enqueue_dma source(%dma_start3A_166 : memref<32768xf32, #tpu.memory_space<hbm>>) target(%arg19 : memref<32768xf32, #tpu.memory_space<vmem>>) target_semaphore(%run_scoped3A : memref<!tpu.dma_semaphore, #tpu.memory_space<semaphore_mem>>)
        %dma_wait3A = tpu.memref_slice %arg5[%mul3A_115] : memref<262144xf32, #tpu.memory_space<hbm>> -> memref<32768xf32, #tpu.memory_space<hbm>>
        %dma_wait3A_167 = tpu.memref_slice %arg5[%mul3A_115] : memref<262144xf32, #tpu.memory_space<hbm>> -> memref<32768xf32, #tpu.memory_space<hbm>>
        tpu.wait_dma2 semaphore(%run_scoped3A : memref<!tpu.dma_semaphore, #tpu.memory_space<semaphore_mem>>) src(%dma_wait3A_167 : memref<32768xf32, #tpu.memory_space<hbm>>) dst(%arg19 : memref<32768xf32, #tpu.memory_space<vmem>>)
        tpu.yield
      }) : () -> ()
      %scan3A_116 = arith.constant 0 : i32
      %scan3A_117 = arith.constant 0 : i32
      %scan3A_118 = arith.constant 8 : i32
      %scan3A_119 = arith.addi %scan3A_117, %scan3A_118 : i32
      %scan3A_120 = arith.constant 1 : i32
      %scan3A_121 = scf.for %scan3A_166 = %scan3A_117 to %scan3A_119 step %scan3A_120 iter_args(%scan3A_167 = %scan3A_116) -> (i32)  : i32 {
        %broadcast_in_dim3A_168 = arith.constant -3.000000e+00 : f32
        %broadcast_in_dim3A_169 = vector.broadcast %broadcast_in_dim3A_168 : f32 to vector<16xf32>
        %broadcast_in_dim3A_170 = arith.constant 2147483647 : i32
        %broadcast_in_dim3A_171 = vector.broadcast %broadcast_in_dim3A_170 : i32 to vector<16xi32>
        %scan3A_172 = arith.constant 0 : i32
        %scan3A_173 = arith.constant 16 : i32
        %scan3A_174 = arith.addi %scan3A_172, %scan3A_173 : i32
        %scan3A_175 = arith.constant 1 : i32
        %scan3A_176:2 = scf.for %scan3A_186 = %scan3A_172 to %scan3A_174 step %scan3A_175 iter_args(%scan3A_187 = %broadcast_in_dim3A_169, %scan3A_188 = %broadcast_in_dim3A_171) -> (vector<16xf32>, vector<16xi32>)  : i32 {
          %mul3A_189 = arith.constant 16 : i32
          %mul3A_190 = arith.muli %scan3A_166, %mul3A_189 : i32
          %add3A_191 = arith.addi %mul3A_190, %scan3A_186 : i32
          %mul3A_192 = arith.constant 16 : i32
          %mul3A_193 = arith.muli %add3A_191, %mul3A_192 : i32
          %get3A_194 = arith.index_cast %mul3A_193 : i32 to index
          %get3A_195 = tpu.vector_load %arg14[%get3A_194] {strides = array<i32>} : memref<2048xf32, #tpu.memory_space<vmem>>, vector<16xf32>,
          %mul3A_196 = arith.constant 16 : i32
          %mul3A_197 = arith.muli %add3A_191, %mul3A_196 : i32
          %get3A_198 = arith.index_cast %mul3A_197 : i32 to index
          %get3A_199 = tpu.vector_load %arg15[%get3A_198] {strides = array<i32>} : memref<2048xi32, #tpu.memory_space<vmem>>, vector<16xi32>,
          %reduce_max3A = arith.constant true
          %reduce_max3A_200 = vector.broadcast %reduce_max3A : i1 to vector<16xi1>
          %reduce_max3A_201 = tpu.scan <max>, %get3A_195 masked %reduce_max3A_200 : vector<16xf32>, vector<16xi1> -> vector<16xf32>
          %reduce_max3A_202 = vector.extract %reduce_max3A_201[15] : f32 from vector<16xf32>
          %eq3A = vector.broadcast %reduce_max3A_202 : f32 to vector<16xf32>
          %eq3A_203 = arith.cmpf oeq, %get3A_195, %eq3A : vector<16xf32>
          %jit3A_204 = arith.constant 2147483647 : i32
          %broadcast_in_dim3A_205 = vector.broadcast %jit3A_204 : i32 to vector<16xi32>
          %select_n3A_206 = arith.select %eq3A_203, %get3A_199, %broadcast_in_dim3A_205 : vector<16xi1>, vector<16xi32>
          %reduce_min3A = arith.constant true
          %reduce_min3A_207 = vector.broadcast %reduce_min3A : i1 to vector<16xi1>
          %reduce_min3A_208 = arith.constant -2147483648 : i32
          %reduce_min3A_209 = vector.broadcast %reduce_min3A_208 : i32 to vector<16xi32>
          %reduce_min3A_210 = arith.xori %select_n3A_206, %reduce_min3A_209 : vector<16xi32>
          %reduce_min3A_211 = tpu.scan <min>, %reduce_min3A_210 masked %reduce_min3A_207 : vector<16xi32>, vector<16xi1> -> vector<16xi32>
          %reduce_min3A_212 = arith.xori %reduce_min3A_211, %reduce_min3A_209 : vector<16xi32>
          %reduce_min3A_213 = vector.extract %reduce_min3A_212[15] : i32 from vector<16xi32>
          %eq3A_214 = vector.broadcast %scan3A_186 : i32 to vector<16xi32>
          %eq3A_215 = arith.cmpi eq, %iota3A, %eq3A_214 : vector<16xi32>
          %broadcast_in_dim3A_216 = vector.broadcast %reduce_max3A_202 : f32 to vector<16xf32>
          %select_n3A_217 = arith.select %eq3A_215, %broadcast_in_dim3A_216, %scan3A_187 : vector<16xi1>, vector<16xf32>
          %eq3A_218 = vector.broadcast %scan3A_186 : i32 to vector<16xi32>
          %eq3A_219 = arith.cmpi eq, %iota3A, %eq3A_218 : vector<16xi32>
          %broadcast_in_dim3A_220 = vector.broadcast %reduce_min3A_213 : i32 to vector<16xi32>
          %select_n3A_221 = arith.select %eq3A_219, %broadcast_in_dim3A_220, %scan3A_188 : vector<16xi1>, vector<16xi32>
          scf.yield %select_n3A_217, %select_n3A_221 : vector<16xf32>, vector<16xi32>
        }
        %scan3A_177 = arith.constant 16 : i32
        %mul3A_178 = arith.constant 16 : i32
        %mul3A_179 = arith.muli %scan3A_166, %mul3A_178 : i32
        %swap3A = arith.index_cast %mul3A_179 : i32 to index
        %swap3A_180 = tpu.vector_load %arg16[%swap3A] {strides = array<i32>} : memref<128xf32, #tpu.memory_space<vmem>>, vector<16xf32>,
        tpu.vector_store %arg16[%swap3A], %scan3A_176#0 {strides = array<i32>} : memref<128xf32, #tpu.memory_space<vmem>>, vector<16xf32>,
        %mul3A_181 = arith.constant 16 : i32
        %mul3A_182 = arith.muli %scan3A_166, %mul3A_181 : i32
        %swap3A_183 = arith.index_cast %mul3A_182 : i32 to index
        %swap3A_184 = tpu.vector_load %arg17[%swap3A_183] {strides = array<i32>} : memref<128xi32, #tpu.memory_space<vmem>>, vector<16xi32>,
        tpu.vector_store %arg17[%swap3A_183], %scan3A_176#1 {strides = array<i32>} : memref<128xi32, #tpu.memory_space<vmem>>, vector<16xi32>,
        %scan3A_185 = arith.constant 0 : i32
        scf.yield %scan3A_185 : i32
      }
      %scan3A_122 = arith.constant 8 : i32
      %get3A = arith.constant 0 : index
      %get3A_123 = tpu.vector_load %arg16[%get3A] {strides = array<i32>} : memref<128xf32, #tpu.memory_space<vmem>>, vector<16xf32>,
      %get3A_124 = arith.constant 16 : index
      %get3A_125 = tpu.vector_load %arg16[%get3A_124] {strides = array<i32>} : memref<128xf32, #tpu.memory_space<vmem>>, vector<16xf32>,
      %get3A_126 = arith.constant 32 : index
      %get3A_127 = tpu.vector_load %arg16[%get3A_126] {strides = array<i32>} : memref<128xf32, #tpu.memory_space<vmem>>, vector<16xf32>,
      %get3A_128 = arith.constant 48 : index
      %get3A_129 = tpu.vector_load %arg16[%get3A_128] {strides = array<i32>} : memref<128xf32, #tpu.memory_space<vmem>>, vector<16xf32>,
      %get3A_130 = arith.constant 64 : index
      %get3A_131 = tpu.vector_load %arg16[%get3A_130] {strides = array<i32>} : memref<128xf32, #tpu.memory_space<vmem>>, vector<16xf32>,
      %get3A_132 = arith.constant 80 : index
      %get3A_133 = tpu.vector_load %arg16[%get3A_132] {strides = array<i32>} : memref<128xf32, #tpu.memory_space<vmem>>, vector<16xf32>,
      %get3A_134 = arith.constant 96 : index
      %get3A_135 = tpu.vector_load %arg16[%get3A_134] {strides = array<i32>} : memref<128xf32, #tpu.memory_space<vmem>>, vector<16xf32>,
      %get3A_136 = arith.constant 112 : index
      %get3A_137 = tpu.vector_load %arg16[%get3A_136] {strides = array<i32>} : memref<128xf32, #tpu.memory_space<vmem>>, vector<16xf32>,
      %get3A_138 = arith.constant 0 : index
      %get3A_139 = tpu.vector_load %arg17[%get3A_138] {strides = array<i32>} : memref<128xi32, #tpu.memory_space<vmem>>, vector<16xi32>,
      %get3A_140 = arith.constant 16 : index
      %get3A_141 = tpu.vector_load %arg17[%get3A_140] {strides = array<i32>} : memref<128xi32, #tpu.memory_space<vmem>>, vector<16xi32>,
      %get3A_142 = arith.constant 32 : index
      %get3A_143 = tpu.vector_load %arg17[%get3A_142] {strides = array<i32>} : memref<128xi32, #tpu.memory_space<vmem>>, vector<16xi32>,
      %get3A_144 = arith.constant 48 : index
      %get3A_145 = tpu.vector_load %arg17[%get3A_144] {strides = array<i32>} : memref<128xi32, #tpu.memory_space<vmem>>, vector<16xi32>,
      %get3A_146 = arith.constant 64 : index
      %get3A_147 = tpu.vector_load %arg17[%get3A_146] {strides = array<i32>} : memref<128xi32, #tpu.memory_space<vmem>>, vector<16xi32>,
      %get3A_148 = arith.constant 80 : index
      %get3A_149 = tpu.vector_load %arg17[%get3A_148] {strides = array<i32>} : memref<128xi32, #tpu.memory_space<vmem>>, vector<16xi32>,
      %get3A_150 = arith.constant 96 : index
      %get3A_151 = tpu.vector_load %arg17[%get3A_150] {strides = array<i32>} : memref<128xi32, #tpu.memory_space<vmem>>, vector<16xi32>,
      %get3A_152 = arith.constant 112 : index
      %get3A_153 = tpu.vector_load %arg17[%get3A_152] {strides = array<i32>} : memref<128xi32, #tpu.memory_space<vmem>>, vector<16xi32>,
      %convert_element_type3A_154 = arith.sitofp %add3A_75 : i32 to f32
      %scan3A_155 = arith.constant 0 : i32
      %scan3A_156 = arith.constant 0 : i32
      %scan3A_157 = arith.constant 19 : i32
      %scan3A_158 = arith.addi %scan3A_156, %scan3A_157 : i32
      %scan3A_159 = arith.constant 1 : i32
      %scan3A_160:17 = scf.for %scan3A_166 = %scan3A_156 to %scan3A_158 step %scan3A_159 iter_args(%scan3A_167 = %get3A_123, %scan3A_168 = %get3A_125, %scan3A_169 = %get3A_127, %scan3A_170 = %get3A_129, %scan3A_171 = %get3A_131, %scan3A_172 = %get3A_133, %scan3A_173 = %get3A_135, %scan3A_174 = %get3A_137, %scan3A_175 = %get3A_139, %scan3A_176 = %get3A_141, %scan3A_177 = %get3A_143, %scan3A_178 = %get3A_145, %scan3A_179 = %get3A_147, %scan3A_180 = %get3A_149, %scan3A_181 = %get3A_151, %scan3A_182 = %get3A_153, %scan3A_183 = %scan3A_155) -> (vector<16xf32>, vector<16xf32>, vector<16xf32>, vector<16xf32>, vector<16xf32>, vector<16xf32>, vector<16xf32>, vector<16xf32>, vector<16xi32>, vector<16xi32>, vector<16xi32>, vector<16xi32>, vector<16xi32>, vector<16xi32>, vector<16xi32>, vector<16xi32>, i32)  : i32 {
        %broadcast_in_dim3A_184 = arith.constant 0 : i32
        %broadcast_in_dim3A_185 = vector.broadcast %broadcast_in_dim3A_184 : i32 to vector<16xi32>
        %scan3A_186 = arith.constant 0 : i32
        %scan3A_187 = arith.constant 16 : i32
        %scan3A_188 = arith.addi %scan3A_186, %scan3A_187 : i32
        %scan3A_189 = arith.constant 1 : i32
        %scan3A_190:18 = scf.for %scan3A_274 = %scan3A_186 to %scan3A_188 step %scan3A_189 iter_args(%scan3A_275 = %scan3A_167, %scan3A_276 = %scan3A_168, %scan3A_277 = %scan3A_169, %scan3A_278 = %scan3A_170, %scan3A_279 = %scan3A_171, %scan3A_280 = %scan3A_172, %scan3A_281 = %scan3A_173, %scan3A_282 = %scan3A_174, %scan3A_283 = %scan3A_175, %scan3A_284 = %scan3A_176, %scan3A_285 = %scan3A_177, %scan3A_286 = %scan3A_178, %scan3A_287 = %scan3A_179, %scan3A_288 = %scan3A_180, %scan3A_289 = %scan3A_181, %scan3A_290 = %scan3A_182, %scan3A_291 = %scan3A_183, %scan3A_292 = %broadcast_in_dim3A_185) -> (vector<16xf32>, vector<16xf32>, vector<16xf32>, vector<16xf32>, vector<16xf32>, vector<16xf32>, vector<16xf32>, vector<16xf32>, vector<16xi32>, vector<16xi32>, vector<16xi32>, vector<16xi32>, vector<16xi32>, vector<16xi32>, vector<16xi32>, vector<16xi32>, i32, vector<16xi32>)  : i32 {
          %mul3A_293 = arith.constant 16 : i32
          %mul3A_294 = arith.muli %scan3A_166, %mul3A_293 : i32
          %add3A_295 = arith.addi %mul3A_294, %scan3A_274 : i32
          %max3A = arith.maximumf %scan3A_275, %scan3A_276 : vector<16xf32>
          %max3A_296 = arith.maximumf %max3A, %scan3A_277 : vector<16xf32>
          %max3A_297 = arith.maximumf %max3A_296, %scan3A_278 : vector<16xf32>
          %max3A_298 = arith.maximumf %max3A_297, %scan3A_279 : vector<16xf32>
          %max3A_299 = arith.maximumf %max3A_298, %scan3A_280 : vector<16xf32>
          %max3A_300 = arith.maximumf %max3A_299, %scan3A_281 : vector<16xf32>
          %max3A_301 = arith.maximumf %max3A_300, %scan3A_282 : vector<16xf32>
          %reduce_max3A = arith.constant true
          %reduce_max3A_302 = vector.broadcast %reduce_max3A : i1 to vector<16xi1>
          %reduce_max3A_303 = tpu.scan <max>, %max3A_301 masked %reduce_max3A_302 : vector<16xf32>, vector<16xi1> -> vector<16xf32>
          %reduce_max3A_304 = vector.extract %reduce_max3A_303[15] : f32 from vector<16xf32>
          %eq3A = vector.broadcast %reduce_max3A_304 : f32 to vector<16xf32>
          %eq3A_305 = arith.cmpf oeq, %scan3A_275, %eq3A : vector<16xf32>
          %jit3A_306 = arith.constant 2147483647 : i32
          %broadcast_in_dim3A_307 = vector.broadcast %jit3A_306 : i32 to vector<16xi32>
          %select_n3A_308 = arith.select %eq3A_305, %scan3A_283, %broadcast_in_dim3A_307 : vector<16xi1>, vector<16xi32>
          %eq3A_309 = vector.broadcast %reduce_max3A_304 : f32 to vector<16xf32>
          %eq3A_310 = arith.cmpf oeq, %scan3A_276, %eq3A_309 : vector<16xf32>
          %jit3A_311 = arith.constant 2147483647 : i32
          %broadcast_in_dim3A_312 = vector.broadcast %jit3A_311 : i32 to vector<16xi32>
          %select_n3A_313 = arith.select %eq3A_310, %scan3A_284, %broadcast_in_dim3A_312 : vector<16xi1>, vector<16xi32>
          %min3A = arith.minsi %select_n3A_308, %select_n3A_313 : vector<16xi32>
          %eq3A_314 = vector.broadcast %reduce_max3A_304 : f32 to vector<16xf32>
          %eq3A_315 = arith.cmpf oeq, %scan3A_277, %eq3A_314 : vector<16xf32>
          %jit3A_316 = arith.constant 2147483647 : i32
          %broadcast_in_dim3A_317 = vector.broadcast %jit3A_316 : i32 to vector<16xi32>
          %select_n3A_318 = arith.select %eq3A_315, %scan3A_285, %broadcast_in_dim3A_317 : vector<16xi1>, vector<16xi32>
          %min3A_319 = arith.minsi %min3A, %select_n3A_318 : vector<16xi32>
          %eq3A_320 = vector.broadcast %reduce_max3A_304 : f32 to vector<16xf32>
          %eq3A_321 = arith.cmpf oeq, %scan3A_278, %eq3A_320 : vector<16xf32>
          %jit3A_322 = arith.constant 2147483647 : i32
          %broadcast_in_dim3A_323 = vector.broadcast %jit3A_322 : i32 to vector<16xi32>
          %select_n3A_324 = arith.select %eq3A_321, %scan3A_286, %broadcast_in_dim3A_323 : vector<16xi1>, vector<16xi32>
          %min3A_325 = arith.minsi %min3A_319, %select_n3A_324 : vector<16xi32>
          %eq3A_326 = vector.broadcast %reduce_max3A_304 : f32 to vector<16xf32>
          %eq3A_327 = arith.cmpf oeq, %scan3A_279, %eq3A_326 : vector<16xf32>
          %jit3A_328 = arith.constant 2147483647 : i32
          %broadcast_in_dim3A_329 = vector.broadcast %jit3A_328 : i32 to vector<16xi32>
          %select_n3A_330 = arith.select %eq3A_327, %scan3A_287, %broadcast_in_dim3A_329 : vector<16xi1>, vector<16xi32>
          %min3A_331 = arith.minsi %min3A_325, %select_n3A_330 : vector<16xi32>
          %eq3A_332 = vector.broadcast %reduce_max3A_304 : f32 to vector<16xf32>
          %eq3A_333 = arith.cmpf oeq, %scan3A_280, %eq3A_332 : vector<16xf32>
          %jit3A_334 = arith.constant 2147483647 : i32
          %broadcast_in_dim3A_335 = vector.broadcast %jit3A_334 : i32 to vector<16xi32>
          %select_n3A_336 = arith.select %eq3A_333, %scan3A_288, %broadcast_in_dim3A_335 : vector<16xi1>, vector<16xi32>
          %min3A_337 = arith.minsi %min3A_331, %select_n3A_336 : vector<16xi32>
          %eq3A_338 = vector.broadcast %reduce_max3A_304 : f32 to vector<16xf32>
          %eq3A_339 = arith.cmpf oeq, %scan3A_281, %eq3A_338 : vector<16xf32>
          %jit3A_340 = arith.constant 2147483647 : i32
          %broadcast_in_dim3A_341 = vector.broadcast %jit3A_340 : i32 to vector<16xi32>
          %select_n3A_342 = arith.select %eq3A_339, %scan3A_289, %broadcast_in_dim3A_341 : vector<16xi1>, vector<16xi32>
          %min3A_343 = arith.minsi %min3A_337, %select_n3A_342 : vector<16xi32>
          %eq3A_344 = vector.broadcast %reduce_max3A_304 : f32 to vector<16xf32>
          %eq3A_345 = arith.cmpf oeq, %scan3A_282, %eq3A_344 : vector<16xf32>
          %jit3A_346 = arith.constant 2147483647 : i32
          %broadcast_in_dim3A_347 = vector.broadcast %jit3A_346 : i32 to vector<16xi32>
          %select_n3A_348 = arith.select %eq3A_345, %scan3A_290, %broadcast_in_dim3A_347 : vector<16xi1>, vector<16xi32>
          %min3A_349 = arith.minsi %min3A_343, %select_n3A_348 : vector<16xi32>
          %reduce_min3A = arith.constant true
          %reduce_min3A_350 = vector.broadcast %reduce_min3A : i1 to vector<16xi1>
          %reduce_min3A_351 = arith.constant -2147483648 : i32
          %reduce_min3A_352 = vector.broadcast %reduce_min3A_351 : i32 to vector<16xi32>
          %reduce_min3A_353 = arith.xori %min3A_349, %reduce_min3A_352 : vector<16xi32>
          %reduce_min3A_354 = tpu.scan <min>, %reduce_min3A_353 masked %reduce_min3A_350 : vector<16xi32>, vector<16xi1> -> vector<16xi32>
          %reduce_min3A_355 = arith.xori %reduce_min3A_354, %reduce_min3A_352 : vector<16xi32>
          %reduce_min3A_356 = vector.extract %reduce_min3A_355[15] : i32 from vector<16xi32>
          %broadcast_in_dim3A_357 = arith.constant 128 : i32
          %broadcast_in_dim3A_358 = vector.broadcast %broadcast_in_dim3A_357 : i32 to vector<16xi32>
          %eq3A_359 = vector.broadcast %reduce_max3A_304 : f32 to vector<16xf32>
          %eq3A_360 = arith.cmpf oeq, %scan3A_275, %eq3A_359 : vector<16xf32>
          %eq3A_361 = vector.broadcast %reduce_min3A_356 : i32 to vector<16xi32>
          %eq3A_362 = arith.cmpi eq, %scan3A_283, %eq3A_361 : vector<16xi32>
          %and3A_363 = arith.andi %eq3A_360, %eq3A_362 : vector<16xi1>
          %add3A_364 = arith.constant 0 : i32
          %add3A_365 = vector.broadcast %add3A_364 : i32 to vector<16xi32>
          %add3A_366 = arith.addi %iota3A, %add3A_365 : vector<16xi32>
          %select_n3A_367 = arith.select %and3A_363, %add3A_366, %broadcast_in_dim3A_358 : vector<16xi1>, vector<16xi32>
          %eq3A_368 = vector.broadcast %reduce_max3A_304 : f32 to vector<16xf32>
          %eq3A_369 = arith.cmpf oeq, %scan3A_276, %eq3A_368 : vector<16xf32>
          %eq3A_370 = vector.broadcast %reduce_min3A_356 : i32 to vector<16xi32>
          %eq3A_371 = arith.cmpi eq, %scan3A_284, %eq3A_370 : vector<16xi32>
          %and3A_372 = arith.andi %eq3A_369, %eq3A_371 : vector<16xi1>
          %add3A_373 = arith.constant 16 : i32
          %add3A_374 = vector.broadcast %add3A_373 : i32 to vector<16xi32>
          %add3A_375 = arith.addi %iota3A, %add3A_374 : vector<16xi32>
          %select_n3A_376 = arith.select %and3A_372, %add3A_375, %select_n3A_367 : vector<16xi1>, vector<16xi32>
          %eq3A_377 = vector.broadcast %reduce_max3A_304 : f32 to vector<16xf32>
          %eq3A_378 = arith.cmpf oeq, %scan3A_277, %eq3A_377 : vector<16xf32>
          %eq3A_379 = vector.broadcast %reduce_min3A_356 : i32 to vector<16xi32>
          %eq3A_380 = arith.cmpi eq, %scan3A_285, %eq3A_379 : vector<16xi32>
          %and3A_381 = arith.andi %eq3A_378, %eq3A_380 : vector<16xi1>
          %add3A_382 = arith.constant 32 : i32
          %add3A_383 = vector.broadcast %add3A_382 : i32 to vector<16xi32>
          %add3A_384 = arith.addi %iota3A, %add3A_383 : vector<16xi32>
          %select_n3A_385 = arith.select %and3A_381, %add3A_384, %select_n3A_376 : vector<16xi1>, vector<16xi32>
          %eq3A_386 = vector.broadcast %reduce_max3A_304 : f32 to vector<16xf32>
          %eq3A_387 = arith.cmpf oeq, %scan3A_278, %eq3A_386 : vector<16xf32>
          %eq3A_388 = vector.broadcast %reduce_min3A_356 : i32 to vector<16xi32>
          %eq3A_389 = arith.cmpi eq, %scan3A_286, %eq3A_388 : vector<16xi32>
          %and3A_390 = arith.andi %eq3A_387, %eq3A_389 : vector<16xi1>
          %add3A_391 = arith.constant 48 : i32
          %add3A_392 = vector.broadcast %add3A_391 : i32 to vector<16xi32>
          %add3A_393 = arith.addi %iota3A, %add3A_392 : vector<16xi32>
          %select_n3A_394 = arith.select %and3A_390, %add3A_393, %select_n3A_385 : vector<16xi1>, vector<16xi32>
          %eq3A_395 = vector.broadcast %reduce_max3A_304 : f32 to vector<16xf32>
          %eq3A_396 = arith.cmpf oeq, %scan3A_279, %eq3A_395 : vector<16xf32>
          %eq3A_397 = vector.broadcast %reduce_min3A_356 : i32 to vector<16xi32>
          %eq3A_398 = arith.cmpi eq, %scan3A_287, %eq3A_397 : vector<16xi32>
          %and3A_399 = arith.andi %eq3A_396, %eq3A_398 : vector<16xi1>
          %add3A_400 = arith.constant 64 : i32
          %add3A_401 = vector.broadcast %add3A_400 : i32 to vector<16xi32>
          %add3A_402 = arith.addi %iota3A, %add3A_401 : vector<16xi32>
          %select_n3A_403 = arith.select %and3A_399, %add3A_402, %select_n3A_394 : vector<16xi1>, vector<16xi32>
          %eq3A_404 = vector.broadcast %reduce_max3A_304 : f32 to vector<16xf32>
          %eq3A_405 = arith.cmpf oeq, %scan3A_280, %eq3A_404 : vector<16xf32>
          %eq3A_406 = vector.broadcast %reduce_min3A_356 : i32 to vector<16xi32>
          %eq3A_407 = arith.cmpi eq, %scan3A_288, %eq3A_406 : vector<16xi32>
          %and3A_408 = arith.andi %eq3A_405, %eq3A_407 : vector<16xi1>
          %add3A_409 = arith.constant 80 : i32
          %add3A_410 = vector.broadcast %add3A_409 : i32 to vector<16xi32>
          %add3A_411 = arith.addi %iota3A, %add3A_410 : vector<16xi32>
          %select_n3A_412 = arith.select %and3A_408, %add3A_411, %select_n3A_403 : vector<16xi1>, vector<16xi32>
          %eq3A_413 = vector.broadcast %reduce_max3A_304 : f32 to vector<16xf32>
          %eq3A_414 = arith.cmpf oeq, %scan3A_281, %eq3A_413 : vector<16xf32>
          %eq3A_415 = vector.broadcast %reduce_min3A_356 : i32 to vector<16xi32>
          %eq3A_416 = arith.cmpi eq, %scan3A_289, %eq3A_415 : vector<16xi32>
          %and3A_417 = arith.andi %eq3A_414, %eq3A_416 : vector<16xi1>
          %add3A_418 = arith.constant 96 : i32
          %add3A_419 = vector.broadcast %add3A_418 : i32 to vector<16xi32>
          %add3A_420 = arith.addi %iota3A, %add3A_419 : vector<16xi32>
          %select_n3A_421 = arith.select %and3A_417, %add3A_420, %select_n3A_412 : vector<16xi1>, vector<16xi32>
          %eq3A_422 = vector.broadcast %reduce_max3A_304 : f32 to vector<16xf32>
          %eq3A_423 = arith.cmpf oeq, %scan3A_282, %eq3A_422 : vector<16xf32>
          %eq3A_424 = vector.broadcast %reduce_min3A_356 : i32 to vector<16xi32>
          %eq3A_425 = arith.cmpi eq, %scan3A_290, %eq3A_424 : vector<16xi32>
          %and3A_426 = arith.andi %eq3A_423, %eq3A_425 : vector<16xi1>
          %add3A_427 = arith.constant 112 : i32
          %add3A_428 = vector.broadcast %add3A_427 : i32 to vector<16xi32>
          %add3A_429 = arith.addi %iota3A, %add3A_428 : vector<16xi32>
          %select_n3A_430 = arith.select %and3A_426, %add3A_429, %select_n3A_421 : vector<16xi1>, vector<16xi32>
          %reduce_min3A_431 = arith.constant true
          %reduce_min3A_432 = vector.broadcast %reduce_min3A_431 : i1 to vector<16xi1>
          %reduce_min3A_433 = arith.constant -2147483648 : i32
          %reduce_min3A_434 = vector.broadcast %reduce_min3A_433 : i32 to vector<16xi32>
          %reduce_min3A_435 = arith.xori %select_n3A_430, %reduce_min3A_434 : vector<16xi32>
          %reduce_min3A_436 = tpu.scan <min>, %reduce_min3A_435 masked %reduce_min3A_432 : vector<16xi32>, vector<16xi1> -> vector<16xi32>
          %reduce_min3A_437 = arith.xori %reduce_min3A_436, %reduce_min3A_434 : vector<16xi32>
          %reduce_min3A_438 = vector.extract %reduce_min3A_437[15] : i32 from vector<16xi32>
          %mul3A_439 = arith.constant 16 : i32
          %mul3A_440 = arith.muli %reduce_min3A_438, %mul3A_439 : i32
          %get3A_441 = arith.index_cast %mul3A_440 : i32 to index
          %get3A_442 = tpu.vector_load %arg14[%get3A_441] {strides = array<i32>} : memref<2048xf32, #tpu.memory_space<vmem>>, vector<16xf32>,
          %mul3A_443 = arith.constant 16 : i32
          %mul3A_444 = arith.muli %reduce_min3A_438, %mul3A_443 : i32
          %get3A_445 = arith.index_cast %mul3A_444 : i32 to index
          %get3A_446 = tpu.vector_load %arg15[%get3A_445] {strides = array<i32>} : memref<2048xi32, #tpu.memory_space<vmem>>, vector<16xi32>,
          %eq3A_447 = vector.broadcast %reduce_max3A_304 : f32 to vector<16xf32>
          %eq3A_448 = arith.cmpf oeq, %get3A_442, %eq3A_447 : vector<16xf32>
          %eq3A_449 = vector.broadcast %reduce_min3A_356 : i32 to vector<16xi32>
          %eq3A_450 = arith.cmpi eq, %get3A_446, %eq3A_449 : vector<16xi32>
          %and3A_451 = arith.andi %eq3A_448, %eq3A_450 : vector<16xi1>
          %jit3A_452 = arith.constant 16 : i32
          %broadcast_in_dim3A_453 = vector.broadcast %jit3A_452 : i32 to vector<16xi32>
          %select_n3A_454 = arith.select %and3A_451, %iota3A, %broadcast_in_dim3A_453 : vector<16xi1>, vector<16xi32>
          %reduce_min3A_455 = arith.constant true
          %reduce_min3A_456 = vector.broadcast %reduce_min3A_455 : i1 to vector<16xi1>
          %reduce_min3A_457 = arith.constant -2147483648 : i32
          %reduce_min3A_458 = vector.broadcast %reduce_min3A_457 : i32 to vector<16xi32>
          %reduce_min3A_459 = arith.xori %select_n3A_454, %reduce_min3A_458 : vector<16xi32>
          %reduce_min3A_460 = tpu.scan <min>, %reduce_min3A_459 masked %reduce_min3A_456 : vector<16xi32>, vector<16xi1> -> vector<16xi32>
          %reduce_min3A_461 = arith.xori %reduce_min3A_460, %reduce_min3A_458 : vector<16xi32>
          %reduce_min3A_462 = vector.extract %reduce_min3A_461[15] : i32 from vector<16xi32>
          %gt3A = arith.constant 0.000000e+00 : f32
          %gt3A_463 = arith.cmpf ogt, %reduce_max3A_304, %gt3A : f32
          %sub3A_464 = arith.subi %add3A_295, %scan3A_291 : i32
          %select_n3A_465 = arith.select %gt3A_463, %reduce_min3A_356, %sub3A_464 : i32
          %jit3A_466 = arith.constant 1 : i32
          %jit3A_467 = arith.constant 0 : i32
          %select_n3A_468 = arith.select %gt3A_463, %jit3A_466, %jit3A_467 : i32
          %add3A_469 = arith.addi %scan3A_291, %select_n3A_468 : i32
          %eq3A_470 = vector.broadcast %scan3A_274 : i32 to vector<16xi32>
          %eq3A_471 = arith.cmpi eq, %iota3A, %eq3A_470 : vector<16xi32>
          %broadcast_in_dim3A_472 = vector.broadcast %select_n3A_465 : i32 to vector<16xi32>
          %select_n3A_473 = arith.select %eq3A_471, %broadcast_in_dim3A_472, %scan3A_292 : vector<16xi1>, vector<16xi32>
          %eq3A_474 = vector.broadcast %reduce_min3A_462 : i32 to vector<16xi32>
          %eq3A_475 = arith.cmpi eq, %iota3A, %eq3A_474 : vector<16xi32>
          %jit3A_476 = arith.constant -2.000000e+00 : f32
          %broadcast_in_dim3A_477 = vector.broadcast %jit3A_476 : f32 to vector<16xf32>
          %select_n3A_478 = arith.select %eq3A_475, %broadcast_in_dim3A_477, %get3A_442 : vector<16xi1>, vector<16xf32>
          %mul3A_479 = arith.constant 16 : i32
          %mul3A_480 = arith.muli %reduce_min3A_438, %mul3A_479 : i32
          %swap3A_481 = arith.index_cast %mul3A_480 : i32 to index
          %swap3A_482 = tpu.vector_load %arg14[%swap3A_481] {strides = array<i32>} : memref<2048xf32, #tpu.memory_space<vmem>>, vector<16xf32>,
          tpu.vector_store %arg14[%swap3A_481], %select_n3A_478 {strides = array<i32>} : memref<2048xf32, #tpu.memory_space<vmem>>, vector<16xf32>,
          %reduce_max3A_483 = arith.constant true
          %reduce_max3A_484 = vector.broadcast %reduce_max3A_483 : i1 to vector<16xi1>
          %reduce_max3A_485 = tpu.scan <max>, %select_n3A_478 masked %reduce_max3A_484 : vector<16xf32>, vector<16xi1> -> vector<16xf32>
          %reduce_max3A_486 = vector.extract %reduce_max3A_485[15] : f32 from vector<16xf32>
          %eq3A_487 = vector.broadcast %reduce_max3A_486 : f32 to vector<16xf32>
          %eq3A_488 = arith.cmpf oeq, %select_n3A_478, %eq3A_487 : vector<16xf32>
          %jit3A_489 = arith.constant 2147483647 : i32
          %broadcast_in_dim3A_490 = vector.broadcast %jit3A_489 : i32 to vector<16xi32>
          %select_n3A_491 = arith.select %eq3A_488, %get3A_446, %broadcast_in_dim3A_490 : vector<16xi1>, vector<16xi32>
          %reduce_min3A_492 = arith.constant true
          %reduce_min3A_493 = vector.broadcast %reduce_min3A_492 : i1 to vector<16xi1>
          %reduce_min3A_494 = arith.constant -2147483648 : i32
          %reduce_min3A_495 = vector.broadcast %reduce_min3A_494 : i32 to vector<16xi32>
          %reduce_min3A_496 = arith.xori %select_n3A_491, %reduce_min3A_495 : vector<16xi32>
          %reduce_min3A_497 = tpu.scan <min>, %reduce_min3A_496 masked %reduce_min3A_493 : vector<16xi32>, vector<16xi1> -> vector<16xi32>
          %reduce_min3A_498 = arith.xori %reduce_min3A_497, %reduce_min3A_495 : vector<16xi32>
          %reduce_min3A_499 = vector.extract %reduce_min3A_498[15] : i32 from vector<16xi32>
          %shift_right_arithmetic3A_500 = arith.constant 4 : i32
          %shift_right_arithmetic3A_501 = arith.shrsi %reduce_min3A_438, %shift_right_arithmetic3A_500 : i32
          %and3A_502 = arith.constant 15 : i32
          %and3A_503 = arith.andi %reduce_min3A_438, %and3A_502 : i32
          %eq3A_504 = arith.constant 0 : i32
          %eq3A_505 = arith.cmpi eq, %shift_right_arithmetic3A_501, %eq3A_504 : i32
          %eq3A_506 = vector.broadcast %and3A_503 : i32 to vector<16xi32>
          %eq3A_507 = arith.cmpi eq, %iota3A, %eq3A_506 : vector<16xi32>
          %and3A_508 = vector.broadcast %eq3A_505 : i1 to vector<16xi1>
          %and3A_509 = arith.andi %and3A_508, %eq3A_507 : vector<16xi1>
          %broadcast_in_dim3A_510 = vector.broadcast %reduce_max3A_486 : f32 to vector<16xf32>
          %select_n3A_511 = arith.select %and3A_509, %broadcast_in_dim3A_510, %scan3A_275 : vector<16xi1>, vector<16xf32>
          %eq3A_512 = arith.constant 1 : i32
          %eq3A_513 = arith.cmpi eq, %shift_right_arithmetic3A_501, %eq3A_512 : i32
          %eq3A_514 = vector.broadcast %and3A_503 : i32 to vector<16xi32>
          %eq3A_515 = arith.cmpi eq, %iota3A, %eq3A_514 : vector<16xi32>
          %and3A_516 = vector.broadcast %eq3A_513 : i1 to vector<16xi1>
          %and3A_517 = arith.andi %and3A_516, %eq3A_515 : vector<16xi1>
          %broadcast_in_dim3A_518 = vector.broadcast %reduce_max3A_486 : f32 to vector<16xf32>
          %select_n3A_519 = arith.select %and3A_517, %broadcast_in_dim3A_518, %scan3A_276 : vector<16xi1>, vector<16xf32>
          %eq3A_520 = arith.constant 2 : i32
          %eq3A_521 = arith.cmpi eq, %shift_right_arithmetic3A_501, %eq3A_520 : i32
          %eq3A_522 = vector.broadcast %and3A_503 : i32 to vector<16xi32>
          %eq3A_523 = arith.cmpi eq, %iota3A, %eq3A_522 : vector<16xi32>
          %and3A_524 = vector.broadcast %eq3A_521 : i1 to vector<16xi1>
          %and3A_525 = arith.andi %and3A_524, %eq3A_523 : vector<16xi1>
          %broadcast_in_dim3A_526 = vector.broadcast %reduce_max3A_486 : f32 to vector<16xf32>
          %select_n3A_527 = arith.select %and3A_525, %broadcast_in_dim3A_526, %scan3A_277 : vector<16xi1>, vector<16xf32>
          %eq3A_528 = arith.constant 3 : i32
          %eq3A_529 = arith.cmpi eq, %shift_right_arithmetic3A_501, %eq3A_528 : i32
          %eq3A_530 = vector.broadcast %and3A_503 : i32 to vector<16xi32>
          %eq3A_531 = arith.cmpi eq, %iota3A, %eq3A_530 : vector<16xi32>
          %and3A_532 = vector.broadcast %eq3A_529 : i1 to vector<16xi1>
          %and3A_533 = arith.andi %and3A_532, %eq3A_531 : vector<16xi1>
          %broadcast_in_dim3A_534 = vector.broadcast %reduce_max3A_486 : f32 to vector<16xf32>
          %select_n3A_535 = arith.select %and3A_533, %broadcast_in_dim3A_534, %scan3A_278 : vector<16xi1>, vector<16xf32>
          %eq3A_536 = arith.constant 4 : i32
          %eq3A_537 = arith.cmpi eq, %shift_right_arithmetic3A_501, %eq3A_536 : i32
          %eq3A_538 = vector.broadcast %and3A_503 : i32 to vector<16xi32>
          %eq3A_539 = arith.cmpi eq, %iota3A, %eq3A_538 : vector<16xi32>
          %and3A_540 = vector.broadcast %eq3A_537 : i1 to vector<16xi1>
          %and3A_541 = arith.andi %and3A_540, %eq3A_539 : vector<16xi1>
          %broadcast_in_dim3A_542 = vector.broadcast %reduce_max3A_486 : f32 to vector<16xf32>
          %select_n3A_543 = arith.select %and3A_541, %broadcast_in_dim3A_542, %scan3A_279 : vector<16xi1>, vector<16xf32>
          %eq3A_544 = arith.constant 5 : i32
          %eq3A_545 = arith.cmpi eq, %shift_right_arithmetic3A_501, %eq3A_544 : i32
          %eq3A_546 = vector.broadcast %and3A_503 : i32 to vector<16xi32>
          %eq3A_547 = arith.cmpi eq, %iota3A, %eq3A_546 : vector<16xi32>
          %and3A_548 = vector.broadcast %eq3A_545 : i1 to vector<16xi1>
          %and3A_549 = arith.andi %and3A_548, %eq3A_547 : vector<16xi1>
          %broadcast_in_dim3A_550 = vector.broadcast %reduce_max3A_486 : f32 to vector<16xf32>
          %select_n3A_551 = arith.select %and3A_549, %broadcast_in_dim3A_550, %scan3A_280 : vector<16xi1>, vector<16xf32>
          %eq3A_552 = arith.constant 6 : i32
          %eq3A_553 = arith.cmpi eq, %shift_right_arithmetic3A_501, %eq3A_552 : i32
          %eq3A_554 = vector.broadcast %and3A_503 : i32 to vector<16xi32>
          %eq3A_555 = arith.cmpi eq, %iota3A, %eq3A_554 : vector<16xi32>
          %and3A_556 = vector.broadcast %eq3A_553 : i1 to vector<16xi1>
          %and3A_557 = arith.andi %and3A_556, %eq3A_555 : vector<16xi1>
          %broadcast_in_dim3A_558 = vector.broadcast %reduce_max3A_486 : f32 to vector<16xf32>
          %select_n3A_559 = arith.select %and3A_557, %broadcast_in_dim3A_558, %scan3A_281 : vector<16xi1>, vector<16xf32>
          %eq3A_560 = arith.constant 7 : i32
          %eq3A_561 = arith.cmpi eq, %shift_right_arithmetic3A_501, %eq3A_560 : i32
          %eq3A_562 = vector.broadcast %and3A_503 : i32 to vector<16xi32>
          %eq3A_563 = arith.cmpi eq, %iota3A, %eq3A_562 : vector<16xi32>
          %and3A_564 = vector.broadcast %eq3A_561 : i1 to vector<16xi1>
          %and3A_565 = arith.andi %and3A_564, %eq3A_563 : vector<16xi1>
          %broadcast_in_dim3A_566 = vector.broadcast %reduce_max3A_486 : f32 to vector<16xf32>
          %select_n3A_567 = arith.select %and3A_565, %broadcast_in_dim3A_566, %scan3A_282 : vector<16xi1>, vector<16xf32>
          %eq3A_568 = arith.constant 0 : i32
          %eq3A_569 = arith.cmpi eq, %shift_right_arithmetic3A_501, %eq3A_568 : i32
          %eq3A_570 = vector.broadcast %and3A_503 : i32 to vector<16xi32>
          %eq3A_571 = arith.cmpi eq, %iota3A, %eq3A_570 : vector<16xi32>
          %and3A_572 = vector.broadcast %eq3A_569 : i1 to vector<16xi1>
          %and3A_573 = arith.andi %and3A_572, %eq3A_571 : vector<16xi1>
          %broadcast_in_dim3A_574 = vector.broadcast %reduce_min3A_499 : i32 to vector<16xi32>
          %select_n3A_575 = arith.select %and3A_573, %broadcast_in_dim3A_574, %scan3A_283 : vector<16xi1>, vector<16xi32>
          %eq3A_576 = arith.constant 1 : i32
          %eq3A_577 = arith.cmpi eq, %shift_right_arithmetic3A_501, %eq3A_576 : i32
          %eq3A_578 = vector.broadcast %and3A_503 : i32 to vector<16xi32>
          %eq3A_579 = arith.cmpi eq, %iota3A, %eq3A_578 : vector<16xi32>
          %and3A_580 = vector.broadcast %eq3A_577 : i1 to vector<16xi1>
          %and3A_581 = arith.andi %and3A_580, %eq3A_579 : vector<16xi1>
          %broadcast_in_dim3A_582 = vector.broadcast %reduce_min3A_499 : i32 to vector<16xi32>
          %select_n3A_583 = arith.select %and3A_581, %broadcast_in_dim3A_582, %scan3A_284 : vector<16xi1>, vector<16xi32>
          %eq3A_584 = arith.constant 2 : i32
          %eq3A_585 = arith.cmpi eq, %shift_right_arithmetic3A_501, %eq3A_584 : i32
          %eq3A_586 = vector.broadcast %and3A_503 : i32 to vector<16xi32>
          %eq3A_587 = arith.cmpi eq, %iota3A, %eq3A_586 : vector<16xi32>
          %and3A_588 = vector.broadcast %eq3A_585 : i1 to vector<16xi1>
          %and3A_589 = arith.andi %and3A_588, %eq3A_587 : vector<16xi1>
          %broadcast_in_dim3A_590 = vector.broadcast %reduce_min3A_499 : i32 to vector<16xi32>
          %select_n3A_591 = arith.select %and3A_589, %broadcast_in_dim3A_590, %scan3A_285 : vector<16xi1>, vector<16xi32>
          %eq3A_592 = arith.constant 3 : i32
          %eq3A_593 = arith.cmpi eq, %shift_right_arithmetic3A_501, %eq3A_592 : i32
          %eq3A_594 = vector.broadcast %and3A_503 : i32 to vector<16xi32>
          %eq3A_595 = arith.cmpi eq, %iota3A, %eq3A_594 : vector<16xi32>
          %and3A_596 = vector.broadcast %eq3A_593 : i1 to vector<16xi1>
          %and3A_597 = arith.andi %and3A_596, %eq3A_595 : vector<16xi1>
          %broadcast_in_dim3A_598 = vector.broadcast %reduce_min3A_499 : i32 to vector<16xi32>
          %select_n3A_599 = arith.select %and3A_597, %broadcast_in_dim3A_598, %scan3A_286 : vector<16xi1>, vector<16xi32>
          %eq3A_600 = arith.constant 4 : i32
          %eq3A_601 = arith.cmpi eq, %shift_right_arithmetic3A_501, %eq3A_600 : i32
          %eq3A_602 = vector.broadcast %and3A_503 : i32 to vector<16xi32>
          %eq3A_603 = arith.cmpi eq, %iota3A, %eq3A_602 : vector<16xi32>
          %and3A_604 = vector.broadcast %eq3A_601 : i1 to vector<16xi1>
          %and3A_605 = arith.andi %and3A_604, %eq3A_603 : vector<16xi1>
          %broadcast_in_dim3A_606 = vector.broadcast %reduce_min3A_499 : i32 to vector<16xi32>
          %select_n3A_607 = arith.select %and3A_605, %broadcast_in_dim3A_606, %scan3A_287 : vector<16xi1>, vector<16xi32>
          %eq3A_608 = arith.constant 5 : i32
          %eq3A_609 = arith.cmpi eq, %shift_right_arithmetic3A_501, %eq3A_608 : i32
          %eq3A_610 = vector.broadcast %and3A_503 : i32 to vector<16xi32>
          %eq3A_611 = arith.cmpi eq, %iota3A, %eq3A_610 : vector<16xi32>
          %and3A_612 = vector.broadcast %eq3A_609 : i1 to vector<16xi1>
          %and3A_613 = arith.andi %and3A_612, %eq3A_611 : vector<16xi1>
          %broadcast_in_dim3A_614 = vector.broadcast %reduce_min3A_499 : i32 to vector<16xi32>
          %select_n3A_615 = arith.select %and3A_613, %broadcast_in_dim3A_614, %scan3A_288 : vector<16xi1>, vector<16xi32>
          %eq3A_616 = arith.constant 6 : i32
          %eq3A_617 = arith.cmpi eq, %shift_right_arithmetic3A_501, %eq3A_616 : i32
          %eq3A_618 = vector.broadcast %and3A_503 : i32 to vector<16xi32>
          %eq3A_619 = arith.cmpi eq, %iota3A, %eq3A_618 : vector<16xi32>
          %and3A_620 = vector.broadcast %eq3A_617 : i1 to vector<16xi1>
          %and3A_621 = arith.andi %and3A_620, %eq3A_619 : vector<16xi1>
          %broadcast_in_dim3A_622 = vector.broadcast %reduce_min3A_499 : i32 to vector<16xi32>
          %select_n3A_623 = arith.select %and3A_621, %broadcast_in_dim3A_622, %scan3A_289 : vector<16xi1>, vector<16xi32>
          %eq3A_624 = arith.constant 7 : i32
          %eq3A_625 = arith.cmpi eq, %shift_right_arithmetic3A_501, %eq3A_624 : i32
          %eq3A_626 = vector.broadcast %and3A_503 : i32 to vector<16xi32>
          %eq3A_627 = arith.cmpi eq, %iota3A, %eq3A_626 : vector<16xi32>
          %and3A_628 = vector.broadcast %eq3A_625 : i1 to vector<16xi1>
          %and3A_629 = arith.andi %and3A_628, %eq3A_627 : vector<16xi1>
          %broadcast_in_dim3A_630 = vector.broadcast %reduce_min3A_499 : i32 to vector<16xi32>
          %select_n3A_631 = arith.select %and3A_629, %broadcast_in_dim3A_630, %scan3A_290 : vector<16xi1>, vector<16xi32>
          scf.yield %select_n3A_511, %select_n3A_519, %select_n3A_527, %select_n3A_535, %select_n3A_543, %select_n3A_551, %select_n3A_559, %select_n3A_567, %select_n3A_575, %select_n3A_583, %select_n3A_591, %select_n3A_599, %select_n3A_607, %select_n3A_615, %select_n3A_623, %select_n3A_631, %add3A_469, %select_n3A_473 : vector<16xf32>, vector<16xf32>, vector<16xf32>, vector<16xf32>, vector<16xf32>, vector<16xf32>, vector<16xf32>, vector<16xf32>, vector<16xi32>, vector<16xi32>, vector<16xi32>, vector<16xi32>, vector<16xi32>, vector<16xi32>, vector<16xi32>, vector<16xi32>, i32, vector<16xi32>
        }
        %scan3A_191 = arith.constant 16 : i32
        %and3A_192 = arith.constant 16383 : i32
        %and3A_193 = vector.broadcast %and3A_192 : i32 to vector<16xi32>
        %and3A_194 = arith.andi %scan3A_190#17, %and3A_193 : vector<16xi32>
        %gather3A = tpu.vector_load_idx %arg19[%and3A_194] : memref<32768xf32, #tpu.memory_space<vmem>>[vector<16xi32>], vector<16xf32>,
        %add3A_195 = arith.constant 16384 : i32
        %add3A_196 = vector.broadcast %add3A_195 : i32 to vector<16xi32>
        %add3A_197 = arith.addi %and3A_194, %add3A_196 : vector<16xi32>
        %gather3A_198 = tpu.vector_load_idx %arg19[%add3A_197] : memref<32768xf32, #tpu.memory_space<vmem>>[vector<16xi32>], vector<16xf32>,
        %gather3A_199 = tpu.vector_load_idx %arg18[%and3A_194] : memref<32768xf32, #tpu.memory_space<vmem>>[vector<16xi32>], vector<16xf32>,
        %add3A_200 = arith.constant 16384 : i32
        %add3A_201 = vector.broadcast %add3A_200 : i32 to vector<16xi32>
        %add3A_202 = arith.addi %and3A_194, %add3A_201 : vector<16xi32>
        %gather3A_203 = tpu.vector_load_idx %arg18[%add3A_202] : memref<32768xf32, #tpu.memory_space<vmem>>[vector<16xi32>], vector<16xf32>,
        %and3A_204 = arith.constant 127 : i32
        %and3A_205 = vector.broadcast %and3A_204 : i32 to vector<16xi32>
        %and3A_206 = arith.andi %and3A_194, %and3A_205 : vector<16xi32>
        %convert_element_type3A_207 = arith.sitofp %and3A_206 : vector<16xi32> to vector<16xf32>
        %add3A_208 = arith.addf %convert_element_type3A_207, %gather3A : vector<16xf32>
        %shift_right_arithmetic3A_209 = arith.constant 7 : i32
        %shift_right_arithmetic3A_210 = vector.broadcast %shift_right_arithmetic3A_209 : i32 to vector<16xi32>
        %shift_right_arithmetic3A_211 = arith.shrsi %and3A_194, %shift_right_arithmetic3A_210 : vector<16xi32>
        %convert_element_type3A_212 = arith.sitofp %shift_right_arithmetic3A_211 : vector<16xi32> to vector<16xf32>
        %add3A_213 = arith.addf %convert_element_type3A_212, %gather3A_198 : vector<16xf32>
        %broadcast_in_dim3A_214 = arith.constant 0.000000e+00 : f32
        %broadcast_in_dim3A_215 = vector.broadcast %broadcast_in_dim3A_214 : f32 to vector<16xf32>
        %add3A_216 = vector.broadcast %convert_element_type3A_154 : f32 to vector<16xf32>
        %add3A_217 = arith.addf %broadcast_in_dim3A_215, %add3A_216 : vector<16xf32>
        %mul3A_218 = arith.constant 16 : i32
        %mul3A_219 = arith.muli %scan3A_166, %mul3A_218 : i32
        %add3A_220 = arith.constant 0 : i32
        %add3A_221 = arith.addi %add3A_220, %mul3A_219 : i32
        %swap3A = arith.index_cast %add3A_221 : i32 to index
        %swap3A_222 = tpu.vector_load %arg20[%swap3A] {strides = array<i32>} : memref<1520xf32, #tpu.memory_space<vmem>>, vector<16xf32>,
        tpu.vector_store %arg20[%swap3A], %add3A_217 {strides = array<i32>} : memref<1520xf32, #tpu.memory_space<vmem>>, vector<16xf32>,
        %mul3A_223 = arith.constant 5.000000e-01 : f32
        %mul3A_224 = vector.broadcast %mul3A_223 : f32 to vector<16xf32>
        %mul3A_225 = arith.mulf %gather3A_199, %mul3A_224 : vector<16xf32>
        %sub3A = arith.subf %add3A_208, %mul3A_225 : vector<16xf32>
        %mul3A_226 = arith.constant 4.000000e+00 : f32
        %mul3A_227 = vector.broadcast %mul3A_226 : f32 to vector<16xf32>
        %mul3A_228 = arith.mulf %sub3A, %mul3A_227 : vector<16xf32>
        %mul3A_229 = arith.constant 16 : i32
        %mul3A_230 = arith.muli %scan3A_166, %mul3A_229 : i32
        %add3A_231 = arith.constant 304 : i32
        %add3A_232 = arith.addi %add3A_231, %mul3A_230 : i32
        %swap3A_233 = arith.index_cast %add3A_232 : i32 to index
        %swap3A_234 = tpu.vector_load %arg20[%swap3A_233] {strides = array<i32>} : memref<1520xf32, #tpu.memory_space<vmem>>, vector<16xf32>,
        tpu.vector_store %arg20[%swap3A_233], %mul3A_228 {strides = array<i32>} : memref<1520xf32, #tpu.memory_space<vmem>>, vector<16xf32>,
        %mul3A_235 = arith.constant 5.000000e-01 : f32
        %mul3A_236 = vector.broadcast %mul3A_235 : f32 to vector<16xf32>
        %mul3A_237 = arith.mulf %gather3A_203, %mul3A_236 : vector<16xf32>
        %sub3A_238 = arith.subf %add3A_213, %mul3A_237 : vector<16xf32>
        %mul3A_239 = arith.constant 4.000000e+00 : f32
        %mul3A_240 = vector.broadcast %mul3A_239 : f32 to vector<16xf32>
        %mul3A_241 = arith.mulf %sub3A_238, %mul3A_240 : vector<16xf32>
        %mul3A_242 = arith.constant 16 : i32
        %mul3A_243 = arith.muli %scan3A_166, %mul3A_242 : i32
        %add3A_244 = arith.constant 608 : i32
        %add3A_245 = arith.addi %add3A_244, %mul3A_243 : i32
        %swap3A_246 = arith.index_cast %add3A_245 : i32 to index
        %swap3A_247 = tpu.vector_load %arg20[%swap3A_246] {strides = array<i32>} : memref<1520xf32, #tpu.memory_space<vmem>>, vector<16xf32>,
        tpu.vector_store %arg20[%swap3A_246], %mul3A_241 {strides = array<i32>} : memref<1520xf32, #tpu.memory_space<vmem>>, vector<16xf32>,
        %mul3A_248 = arith.constant 5.000000e-01 : f32
        %mul3A_249 = vector.broadcast %mul3A_248 : f32 to vector<16xf32>
        %mul3A_250 = arith.mulf %gather3A_199, %mul3A_249 : vector<16xf32>
        %add3A_251 = arith.addf %add3A_208, %mul3A_250 : vector<16xf32>
        %mul3A_252 = arith.constant 4.000000e+00 : f32
        %mul3A_253 = vector.broadcast %mul3A_252 : f32 to vector<16xf32>
        %mul3A_254 = arith.mulf %add3A_251, %mul3A_253 : vector<16xf32>
        %mul3A_255 = arith.constant 16 : i32
        %mul3A_256 = arith.muli %scan3A_166, %mul3A_255 : i32
        %add3A_257 = arith.constant 912 : i32
        %add3A_258 = arith.addi %add3A_257, %mul3A_256 : i32
        %swap3A_259 = arith.index_cast %add3A_258 : i32 to index
        %swap3A_260 = tpu.vector_load %arg20[%swap3A_259] {strides = array<i32>} : memref<1520xf32, #tpu.memory_space<vmem>>, vector<16xf32>,
        tpu.vector_store %arg20[%swap3A_259], %mul3A_254 {strides = array<i32>} : memref<1520xf32, #tpu.memory_space<vmem>>, vector<16xf32>,
        %mul3A_261 = arith.constant 5.000000e-01 : f32
        %mul3A_262 = vector.broadcast %mul3A_261 : f32 to vector<16xf32>
        %mul3A_263 = arith.mulf %gather3A_203, %mul3A_262 : vector<16xf32>
        %add3A_264 = arith.addf %add3A_213, %mul3A_263 : vector<16xf32>
        %mul3A_265 = arith.constant 4.000000e+00 : f32
        %mul3A_266 = vector.broadcast %mul3A_265 : f32 to vector<16xf32>
        %mul3A_267 = arith.mulf %add3A_264, %mul3A_266 : vector<16xf32>
        %mul3A_268 = arith.constant 16 : i32
        %mul3A_269 = arith.muli %scan3A_166, %mul3A_268 : i32
        %add3A_270 = arith.constant 1216 : i32
        %add3A_271 = arith.addi %add3A_270, %mul3A_269 : i32
        %swap3A_272 = arith.index_cast %add3A_271 : i32 to index
        %swap3A_273 = tpu.vector_load %arg20[%swap3A_272] {strides = array<i32>} : memref<1520xf32, #tpu.memory_space<vmem>>, vector<16xf32>,
        tpu.vector_store %arg20[%swap3A_272], %mul3A_267 {strides = array<i32>} : memref<1520xf32, #tpu.memory_space<vmem>>, vector<16xf32>,
        scf.yield %scan3A_190#0, %scan3A_190#1, %scan3A_190#2, %scan3A_190#3, %scan3A_190#4, %scan3A_190#5, %scan3A_190#6, %scan3A_190#7, %scan3A_190#8, %scan3A_190#9, %scan3A_190#10, %scan3A_190#11, %scan3A_190#12, %scan3A_190#13, %scan3A_190#14, %scan3A_190#15, %scan3A_190#16 : vector<16xf32>, vector<16xf32>, vector<16xf32>, vector<16xf32>, vector<16xf32>, vector<16xf32>, vector<16xf32>, vector<16xf32>, vector<16xi32>, vector<16xi32>, vector<16xi32>, vector<16xi32>, vector<16xi32>, vector<16xi32>, vector<16xi32>, vector<16xi32>, i32
      }
      %scan3A_161 = arith.constant 19 : i32
      %mul3A_162 = arith.constant 5 : i32
      %mul3A_163 = arith.muli %add3A_75, %mul3A_162 : i32
      %mul3A_164 = arith.constant 304 : i32
      %mul3A_165 = arith.muli %mul3A_163, %mul3A_164 : i32
      "tpu.region"() ({
        %run_scoped3A = tpu.sem_alloc : memref<!tpu.dma_semaphore, #tpu.memory_space<semaphore_mem>>
        %dma_start3A = tpu.memref_slice %arg6[%mul3A_165] : memref<12160xf32, #tpu.memory_space<hbm>> -> memref<1520xf32, #tpu.memory_space<hbm>>
        %dma_start3A_166 = tpu.memref_slice %arg6[%mul3A_165] : memref<12160xf32, #tpu.memory_space<hbm>> -> memref<1520xf32, #tpu.memory_space<hbm>>
        tpu.enqueue_dma source(%arg20 : memref<1520xf32, #tpu.memory_space<vmem>>) target(%dma_start3A_166 : memref<1520xf32, #tpu.memory_space<hbm>>) target_semaphore(%run_scoped3A : memref<!tpu.dma_semaphore, #tpu.memory_space<semaphore_mem>>)
        %dma_wait3A = tpu.memref_slice %arg6[%mul3A_165] : memref<12160xf32, #tpu.memory_space<hbm>> -> memref<1520xf32, #tpu.memory_space<hbm>>
        %dma_wait3A_167 = tpu.memref_slice %arg6[%mul3A_165] : memref<12160xf32, #tpu.memory_space<hbm>> -> memref<1520xf32, #tpu.memory_space<hbm>>
        tpu.wait_dma2 semaphore(%run_scoped3A : memref<!tpu.dma_semaphore, #tpu.memory_space<semaphore_mem>>) src(%arg20 : memref<1520xf32, #tpu.memory_space<vmem>>) dst(%dma_wait3A_167 : memref<1520xf32, #tpu.memory_space<hbm>>)
        tpu.yield
      }) : () -> ()
    } else {
    }
    return
  }
}

module attributes {stable_mosaic.version = 14 : i64} {
  func.func @_nms_kernel(%arg0: i32, %arg1: i32, %arg2: memref<1x40x128x128xf32, #tpu.memory_space<vmem>>, %arg3: memref<1x1x40x128xf32, #tpu.memory_space<vmem>>) attributes {dimension_semantics = [#tpu.dimension_semantics<arbitrary>, #tpu.dimension_semantics<arbitrary>], iteration_bounds = array<i64: 8, 2>, scalar_prefetch = 0 : i64, scratch_operands = 0 : i64, tpu.core_type = #tpu.core_type<tc>, window_params = [{transform_indices = @transform_0, window_bounds = array<i64: 1, 40, 128, 128>}, {transform_indices = @transform_1, window_bounds = array<i64: 1, 1, 40, 128>}]} {
    %get3A = arith.constant 0 : index
    %get3A_0 = arith.constant 0 : index
    %get3A_1 = arith.constant 0 : index
    %get3A_2 = arith.constant 0 : index
    %get3A_3 = vector.load %arg2[%get3A, %get3A_0, %get3A_1, %get3A_2] : memref<1x40x128x128xf32, #tpu.memory_space<vmem>>, vector<1x40x128x128xf32>
    %get3A_4 = vector.shape_cast %get3A_3 : vector<1x40x128x128xf32> to vector<40x128x128xf32>
    %broadcast_in_dim3A = arith.constant -1.000000e+00 : f32
    %broadcast_in_dim3A_5 = vector.broadcast %broadcast_in_dim3A : f32 to vector<40x1x128xf32>
    %slice3A = vector.extract_strided_slice %get3A_4 {offsets = [0, 1, 0], sizes = [40, 127, 128], strides = [1, 1, 1]} : vector<40x128x128xf32> to vector<40x127x128xf32>
    %concatenate3A = tpu.concatenate %slice3A, %broadcast_in_dim3A_5 in 1 : vector<40x127x128xf32>, vector<40x1x128xf32> -> vector<40x128x128xf32>
    %slice3A_6 = vector.extract_strided_slice %get3A_4 {offsets = [0, 0, 0], sizes = [40, 127, 128], strides = [1, 1, 1]} : vector<40x128x128xf32> to vector<40x127x128xf32>
    %concatenate3A_7 = tpu.concatenate %broadcast_in_dim3A_5, %slice3A_6 in 1 : vector<40x1x128xf32>, vector<40x127x128xf32> -> vector<40x128x128xf32>
    %max3A = arith.maximumf %get3A_4, %concatenate3A : vector<40x128x128xf32>
    %max3A_8 = arith.maximumf %max3A, %concatenate3A_7 : vector<40x128x128xf32>
    %broadcast_in_dim3A_9 = arith.constant -1.000000e+00 : f32
    %broadcast_in_dim3A_10 = vector.broadcast %broadcast_in_dim3A_9 : f32 to vector<40x128x1xf32>
    %slice3A_11 = vector.extract_strided_slice %max3A_8 {offsets = [0, 0, 1], sizes = [40, 128, 127], strides = [1, 1, 1]} : vector<40x128x128xf32> to vector<40x128x127xf32>
    %concatenate3A_12 = tpu.concatenate %slice3A_11, %broadcast_in_dim3A_10 in 2 : vector<40x128x127xf32>, vector<40x128x1xf32> -> vector<40x128x128xf32>
    %slice3A_13 = vector.extract_strided_slice %max3A_8 {offsets = [0, 0, 0], sizes = [40, 128, 127], strides = [1, 1, 1]} : vector<40x128x128xf32> to vector<40x128x127xf32>
    %concatenate3A_14 = tpu.concatenate %broadcast_in_dim3A_10, %slice3A_13 in 2 : vector<40x128x1xf32>, vector<40x128x127xf32> -> vector<40x128x128xf32>
    %max3A_15 = arith.maximumf %max3A_8, %concatenate3A_12 : vector<40x128x128xf32>
    %max3A_16 = arith.maximumf %max3A_15, %concatenate3A_14 : vector<40x128x128xf32>
    %eq3A = arith.cmpf oeq, %max3A_16, %get3A_4 : vector<40x128x128xf32>
    %jit3A = arith.constant 0.000000e+00 : f32
    %broadcast_in_dim3A_17 = vector.broadcast %jit3A : f32 to vector<40x128x128xf32>
    %select_n3A = arith.select %eq3A, %get3A_4, %broadcast_in_dim3A_17 : vector<40x128x128xi1>, vector<40x128x128xf32>
    %reduce_max3A = arith.constant dense<0xFF800000> : vector<40x128xf32>
    %reduce_max3A_18 = vector.multi_reduction <maximumf>, %select_n3A, %reduce_max3A [2] : vector<40x128x128xf32> to vector<40x128xf32>
    %swap3A = arith.constant 0 : index
    %swap3A_19 = arith.constant 0 : index
    %swap3A_20 = arith.constant 0 : index
    %swap3A_21 = arith.constant 0 : index
    %swap3A_22 = vector.load %arg3[%swap3A, %swap3A_19, %swap3A_20, %swap3A_21] : memref<1x1x40x128xf32, #tpu.memory_space<vmem>>, vector<1x1x40x128xf32>
    %swap3A_23 = vector.shape_cast %swap3A_22 : vector<1x1x40x128xf32> to vector<40x128xf32>
    %swap3A_24 = vector.shape_cast %reduce_max3A_18 : vector<40x128xf32> to vector<1x1x40x128xf32>
    tpu.vector_store %arg3[%swap3A, %swap3A_19, %swap3A_20, %swap3A_21], %swap3A_24 {strides = array<i32>} : memref<1x1x40x128xf32, #tpu.memory_space<vmem>>, vector<1x1x40x128xf32>,
    return
  }
  func.func @transform_0(%arg0: i32, %arg1: i32) -> (i32, i32, i32, i32) {
    %c0_i32 = arith.constant 0 : i32
    %c0_i32_0 = arith.constant 0 : i32
    %c0_i32_1 = arith.constant 0 : i32
    return %arg0, %arg1, %c0_i32, %c0_i32_0 : i32, i32, i32, i32
  }
  func.func @transform_1(%arg0: i32, %arg1: i32) -> (i32, i32, i32, i32) {
    %c0_i32 = arith.constant 0 : i32
    %c0_i32_0 = arith.constant 0 : i32
    %c0_i32_1 = arith.constant 0 : i32
    return %arg0, %arg1, %c0_i32, %c0_i32_0 : i32, i32, i32, i32
  }
}

</mosaic_0001>

<sc_bundles>
// kernel: kernel.4.cloned.1.call-start
scs
__scs_entry_jumppad:
0x0: {  	(pc) =	sbr.rel $0x88, $3  }
0x1: {  	(tag) =	ssettag $0x0;
	lr =	simm.s32 $0x1  }
0x2: {  	[smem:$0x3F9E] =	sst lr;
	_ =	strace $0xD0000000  }
0x3: {  	_ = 	snop  }
0x4: {  	_ = 	snop  }
0x5: {  	_ = 	snop  }
0x6: {  	_ = 	snop  }
0x7: {  	_ = 	snop  }
__scs_overlays_trampoline_lowered:
0x8: {  	[smem:$0x3FAD] =	sst s0  }
0x9: {  	[smem:$0x3FAE] =	sst s1  }
0xa: {  	[smem:$0x3FAF] =	sst s2  }
0xb: {  	[smem:$0x3FB0] =	sst s3  }
0xc: {  	[smem:$0x3FB1] =	sst s4  }
0xd: {  	[smem:$0x3FB2] =	sst s5  }
0xe: {  	[smem:$0x3FB3] =	sst s6  }
0xf: {  	[smem:$0x3FB4] =	sst s7  }
0x10: {  	[smem:$0x3FB5] =	sst s8  }
0x11: {  	[smem:$0x3FB6] =	sst s9;
	s0 =	simm.s32 @!p0 $0x0  }
0x12: {  	s1 =	sld [smem:$0x3F9C];
	s0 =	simm.s32 @p0 $0x1  }
0x13: {  	[smem:$0x3FB7] =	sst s0;
	s0 =	simm.s32 @!p1 $0x0  }
0x14: {  	s2 =	sld [smem:$0x3F9B];
	s0 =	simm.s32 @p1 $0x1  }
0x15: {  	[smem:$0x3FB8] =	sst s0;
	s0 =	simm.s32 @!p2 $0x0  }
0x16: {  	s3 =	sld [smem:$0x3FDB];
	s0 =	simm.s32 @p2 $0x1  }
0x17: {  	s4 =	simm.s32 $0x1BF5;
	[smem:$0x3FBA] =	sst s0  }
0x18: {  	s0 =	sld [smem:$0x3F9D];
	_ =	swait.ge [sflag:s4], $0x0  }
0x19: {  	s7 =	sld [smem:$0x3F9E]  }
0x1a: {  	s8 =	sadd.s32 $0xFFFFE003, lr  }
0x1b: {  	s9 =	sadd.s32 $0xFFFFFEF7, lr;
	s5 =	simm.s32 $0xFFFFFFFF;
	p2 =	slt.u32 s8, $0xFFFFF086  }
0x1c: {  	p1 =	slt.u32 s9, $0xF7A;
	s5 =	simm.s32 @!p2 $0x0  }
0x1d: {  	s5 =	simm.s32 @p1 $0x1;
	p0 =	seq.s32 s7, s2  }
0x1e: {  	s7 =	smul.u32 @!p0 $0xF7A, s2;
	p2 =	seq.s32 @!p0 s5, $0x0  }
0x1f: {  	s9 =	smul.u32 $0xF7A, s1;
	s8 =	simm.s32 @!p0 $0x1BF5;
	p2 =	por !p2, p0  }
0x20: {  	[sflag:s8] =	ssyncset.s32 @!p0 $0xFFFFF086;
	s6 =	sadd.s32 @!p0 s3, s7;
	s7 =	simm.s32 @!p0 $0x108  }
0x21: {  	s3 =	sadd.s32 s3, s9;
	s6 =	sadd.s32 @!p0 $0x88, s6;
	s7 =	simm.s32 @p2 $0x1082  }
0x22: {  	[simem:s7], [sflag:s8] =	dma.local @!p0 [hbm:s6], $0xF7A  }
0x23: {  	s9 =	sor.u32 $0xD0000000, s2;
	s6 =	simm.s32 $0x108;
	_ =	swait.ge @!p0 [sflag:s8], $0x0  }
0x24: {  	s3 =	sadd.s32 $0x88, s3;
	s6 =	simm.s32 @!p1 $0x1082;
	[sflag:s4] =	ssyncset.s32 $0xFFFFF086  }
0x25: {  	[simem:s6], [sflag:s4] =	dma.local [hbm:s3], $0xF7A  }
0x26: {  	[smem:$0x3F9E] =	sst s1;
	(tag) =	ssettag s2;
	_ =	strace s9  }
0x27: {  	s1 =	sld [smem:$0x3FAE]  }
0x28: {  	s2 =	sld [smem:$0x3FAF]  }
0x29: {  	s4 =	sld [smem:$0x3FB1]  }
0x2a: {  	p0 =	seq.s32 s5, $0x0;
	s5 =	sld [smem:$0x3FB2]  }
0x2b: {  	s6 =	sld [smem:$0x3FB3]  }
0x2c: {  	s7 =	sld [smem:$0x3FB4]  }
0x2d: {  	s3 =	simm.s32 $0x108;
	s8 =	sld [smem:$0x3FB5]  }
0x2e: {  	s3 =	simm.s32 @!p0 $0x1082;
	s9 =	sld [smem:$0x3FB6]  }
0x2f: {  	lr =	sadd.s32 s0, s3;
	s0 =	sld [smem:$0x3FAD]  }
0x30: {  	s3 =	sld [smem:$0x3FB0]  }
0x31: {  	[smem:$0x3FB9] =	sst s10  }
0x32: {  	s10 =	sld [smem:$0x3FB7];
	_ =	sdelay $0x3  }
0x33: {  	p0 =	seq.s32 s10, $0x1;
	s10 =	sld [smem:$0x3FB9];
	_ =	sdelay $0x3  }
0x34: {  	[smem:$0x3FB9] =	sst s10  }
0x35: {  	s10 =	sld [smem:$0x3FB8];
	_ =	sdelay $0x3  }
0x36: {  	p1 =	seq.s32 s10, $0x1;
	s10 =	sld [smem:$0x3FB9];
	_ =	sdelay $0x3  }
0x37: {  	[smem:$0x3FB9] =	sst s10  }
0x38: {  	s10 =	sld [smem:$0x3FBA]  }
0x39: {  	_ = 	snop;
	(pc) =	sbr.ind lr, $3  }
0x3a: {  	_ = 	snop  }
0x3b: {  	_ = 	snop  }
0x3c: {  	p2 =	seq.s32 s10, $0x1;
	s10 =	sld [smem:$0x3FB9]  }
0x3d: {  	_ =	shalt  }
0x3e: {  	_ =	shalt  }
0x3f: {  	_ =	shalt  }
0x40: {  	_ =	shalt  }
0x41: {  	_ =	shalt  }
0x42: {  	_ =	shalt  }
0x43: {  	_ =	shalt  }
0x44: {  	_ =	shalt  }
0x45: {  	_ =	shalt  }
0x46: {  	_ =	shalt  }
0x47: {  	_ =	shalt  }
0x48: {  	_ =	shalt  }
0x49: {  	_ =	shalt  }
0x4a: {  	_ =	shalt  }
0x4b: {  	_ =	shalt  }
0x4c: {  	_ =	shalt  }
0x4d: {  	_ =	shalt  }
0x4e: {  	_ =	shalt  }
0x4f: {  	_ =	shalt  }
0x50: {  	_ =	shalt  }
0x51: {  	_ =	shalt  }
0x52: {  	_ =	shalt  }
0x53: {  	_ =	shalt  }
0x54: {  	_ =	shalt  }
0x55: {  	_ =	shalt  }
0x56: {  	_ =	shalt  }
0x57: {  	_ =	shalt  }
0x58: {  	_ =	shalt  }
0x59: {  	_ =	shalt  }
0x5a: {  	_ =	shalt  }
0x5b: {  	_ =	shalt  }
0x5c: {  	_ =	shalt  }
0x5d: {  	_ =	shalt  }
0x5e: {  	_ =	shalt  }
0x5f: {  	_ =	shalt  }
0x60: {  	_ =	shalt  }
0x61: {  	_ =	shalt  }
0x62: {  	_ =	shalt  }
0x63: {  	_ =	shalt  }
0x64: {  	_ =	shalt  }
0x65: {  	_ =	shalt  }
0x66: {  	_ =	shalt  }
0x67: {  	_ =	shalt  }
0x68: {  	_ =	shalt  }
0x69: {  	_ =	shalt  }
0x6a: {  	_ =	shalt  }
0x6b: {  	_ =	shalt  }
0x6c: {  	_ =	shalt  }
0x6d: {  	_ =	shalt  }
0x6e: {  	_ =	shalt  }
0x6f: {  	_ =	shalt  }
0x70: {  	_ =	shalt  }
0x71: {  	_ =	shalt  }
0x72: {  	_ =	shalt  }
0x73: {  	_ =	shalt  }
0x74: {  	_ =	shalt  }
0x75: {  	_ =	shalt  }
0x76: {  	_ =	shalt  }
0x77: {  	_ =	shalt  }
0x78: {  	_ =	shalt  }
0x79: {  	_ =	shalt  }
0x7a: {  	_ =	shalt  }
0x7b: {  	_ =	shalt  }
0x7c: {  	_ =	shalt  }
0x7d: {  	_ =	shalt  }
0x7e: {  	_ =	shalt  }
0x7f: {  	_ =	shalt  }
0x80: {  	_ =	shalt  }
0x81: {  	_ =	shalt  }
0x82: {  	_ =	shalt  }
0x83: {  	_ =	shalt  }
0x84: {  	_ =	shalt  }
0x85: {  	_ =	shalt  }
0x86: {  	_ =	shalt  }
0x87: {  	_ =	shalt  }
.Lfunc_end0:
.L_simem_size_0:
called_computation_lowered:
.L_overlay_start_0:
0x88: {  	s2 =	sld [smem:$0x3FD9]  }
0x89: {  	s3 =	sld [smem:$0x3FFE];
	_ =	sdelay $0x1  }
0x8a: {  	s1 =	srdreg.scid  }
0x8b: {  	s0 =	sand.u32 $0x1, s1  }
0x8c: {  	s17 =	sshll.u32 s0, $0xA;
	s2 =	sadd.s32 s3, s2  }
0x8d: {  	s2 =	sadd.s32 s2, s17  }
0x8e: {  	[smem:$0x3FC5] =	sst s2  }
0x8f: {  	_ = 	snop  }
0x90: {  	s2 =	sld [smem:$0x3FC9]  }
0x91: {  	s18 =	sld [smem:$0x3FC8]  }
0x92: {  	s4 =	sld [smem:$0x3FC7]  }
0x93: {  	s5 =	sld [smem:$0x3FD0];
	(tm) =	ssettm $0x1  }
0x94: {  	s6 =	sld [smem:$0x3FFB];
	_ =	sdelay $0x3  }
0x95: {  	_ =	strace s6  }
0x96: {  	s6 =	sld [smem:$0x3FFC];
	_ =	sdelay $0x3  }
0x97: {  	_ =	strace s6  }
0x98: {  	s6 =	sld [smem:$0x3FFD];
	_ =	sdelay $0x3  }
0x99: {  	_ =	strace s6  }
0x9a: {  	_ =	strace $0x8FFFFFFF  }
0x9b: {  	s19 =	sld [smem:$0x3FDB];
	_ =	sdelay $0x1  }
0x9c: {  	s7 =	simm.s32 $_scs_section_size  }
0x9d: {  	s8 =	simm.s32 $_size__tile_overlayer_lowered;
	s9 =	simm.s32 $_tile_overlayer_lowered  }
0x9e: {  	s22 =	simm.s32 $0x1BFF;
	s21 =	sshll.u32 s9, $0x1;
	s6 =	sadd.s32 s7, s19  }
0x9f: {  	s10 =	simm.s32 $0x0;
	s20 =	sshll.u32 s8, $0x1;
	s8 =	sadd.s32 s21, s6  }
0xa0: {  	[timem:s10], [sflag:s22] =	dma.local [hbm:s8], s20  }
0xa1: {  	_ =	swait.ge [sflag:s22], s20  }
0xa2: {  	s7 =	ssub.s32 $0x0, s20;
	[sflag:s22] =	ssyncset.done $0x0  }
0xa3: {  	[sflag:s22] =	ssyncadd.s32 s7;
	_ =	sdelay $0x1  }
0xa4: {  	s23 =	simm.s32 $0x1B8B  }
0xa5: {  	_ =	swait.ge [sflag:s23], $0x1  }
0xa6: {  	[sflag:s23] =	ssyncset.done $0x0  }
0xa7: {  	s25 =	simm.s32 $0x1B8E;
	s24 =	sld [smem:$0x3FFE];
	[sflag:s23] =	ssyncadd.s32 $0xFFFFFFFF  }
0xa8: {  	s26 =	simm.s32 $execute0_lowered;
	[smem:$0x3FD2] =	sst s25  }
0xa9: {  	s8 =	sshll.u32 s26, $0x1;
	_ =	strace $0x80000046;
	[dreg:$0x1] =	wrdreg $0xFFFFFFFF  }
0xaa: {  	s28 =	simm.s32 $_size_execute0_lowered;
	s6 =	sadd.s32 s6, s8;
	[dreg:$0x0] =	wrdreg $0x0  }
0xab: {  	s8 =	sshll.u32 s28, $0x1;
	[dreg:$0x2] =	wrdreg s6  }
0xac: {  	[dreg:$0x3] =	wrdreg s8  }
0xad: {  	[dreg:$0x4] =	wrdreg $0xC0  }
0xae: {  	_ =	task [dreg:s10], $0x5FFFF  }
0xaf: {  	[dreg:$0x1] =	wrdreg $0xFFFFFFFF  }
0xb0: {  	[dreg:$0x0] =	wrdreg $0x60  }
0xb1: {  	[dreg:$0x2] =	wrdreg s2  }
0xb2: {  	[dreg:$0x3] =	wrdreg s24  }
0xb3: {  	[dreg:$0x4] =	wrdreg s18  }
0xb4: {  	[dreg:$0x5] =	wrdreg s4  }
0xb5: {  	[dreg:$0x6] =	wrdreg s5  }
0xb6: {  	[dreg:$0x7] =	wrdreg $0x14F000  }
0xb7: {  	[dreg:$0x8] =	wrdreg $0x151000  }
0xb8: {  	[dreg:$0x9] =	wrdreg $0x9  }
0xb9: {  	_ =	task.clear_ibuf [dreg:s10], $0xAFFFF;
	_ =	strace $0x90000046  }
0xba: {  	s29 =	simm.s32 $0x9;
	_ =	strace $0x80000048  }
0xbb: {  	_ =	swait.ge [sflag:s29], $0x1  }
0xbc: {  	[sflag:s29] =	ssyncadd.s32 $0xFFFFFFFF  }
0xbd: {  	_ =	strace $0x90000048  }
0xbe: {  	_ =	sfence  }
0xbf: {  	s30 =	sld [smem:$0x0];
	_ =	sdelay $0x2  }
0xc0: {  	s31 =	sshll.u32 s1, $0xD;
	s1 =	sshrl.u32 s1, $0x2  }
0xc1: {  	s3 =	sand.u32 $0x4000, s31;
	s1 =	sadd.s32 s1, s30  }
0xc2: {  	s0 =	sor.u32 s3, s0;
	s1 =	sshll.u32 s1, $0x11  }
0xc3: {  	s0 =	sor.u32 s1, s0  }
0xc4: {  	s0 =	sadd.s32 $0x8F2B, s0  }
0xc5: {  	[sflag:s0] =	ssyncadd.remote.s32 $0x1  }
0xc6: {  	_ =	sfence.sel $0xFFFF  }
0xc7: {  	[dreg:$0x0] =	wrdreg $0xFFFFFFFF;
	(pc) =	sbr.abs _section_cstart, $3  }
0xc8: {  	[dreg:$0x1] =	wrdreg $0xFFFFFFFF  }
0xc9: {  	_ =	task.clear_ibuf [dreg:s10], $0x2FFFF;
	_ =	strace $0x9FFFFFFF  }
0xca: {  	(tm) =	ssettm $0x7FFFFFFF  }
0xcb: {  	_ =	shalt  }
tec
execute0_lowered:
.L_overlay_start_1:
0x0: {  	(tag) =	ssettag $0x1  }
0x1: {  	s1 =	rddreg [dreg:$0x0]  }
0x2: {  	s2 =	rddreg [dreg:$0x1]  }
0x3: {  	s7 =	rddreg [dreg:$0x2]  }
0x4: {  	s10 =	rddreg [dreg:$0x3]  }
0x5: {  	s11 =	rddreg [dreg:$0x4]  }
0x6: {  	s0 =	srdreg.scid;
	s12 =	rddreg [dreg:$0x5]  }
0x7: {  	s17 =	stileid.u32;
	s13 =	rddreg [dreg:$0x6];
	s28 =	simm.s32 $0x80  }
0x8: {  	s29 =	simm.s32 $0x400;
	s0 =	sand.u32 $0x1, s0;
	s9 =	sshrl.u32 s17, $0x2  }
0x9: {  	s22 =	sand.u32 $0x3, s17;
	s23 =	sshll.u32 s17, $0x9;
	s24 =	sshll.u32 s17, $0x7  }
0xa: {  	s16 =	sshll.u32 s17, $0xB;
	p0 =	sgt.u32 s17, $0x3;
	s8 =	sshll.u32 s0, $0x2  }
0xb: {  	s4 =	ssub.s32 $0x2, s0;
	s15 =	sand.u32 $0x1000, s23;
	s3 =	sor.u32 s9, s8  }
0xc: {  	s25 =	sand.u32 $0x1000, s16;
	s6 =	sshrl.u32 s4, $0x1;
	s3 =	smul.u32 $0x2800, s3  }
0xd: {  	s8 =	sor.u32 s17, s8;
	s14 =	ssub.s32 s4, s6;
	s4 =	smul.u32 $0xA00, s22  }
0xe: {  	s26 =	sand.u32 $0x200, s23;
	s17 =	simm.s32 $0x3580;
	s23 =	smul.u32 $0xBE, s8  }
0xf: {  	s6 =	sand.u32 $0x380, s24;
	s22 =	sshll.u32 s8, $0xC;
	s24 =	smul.u32 $0x1400000, s0  }
0x10: {  	s0 =	smul.u32 $0xA000, s0;
	s8 =	scvt.s32.f32 s8;
	s6 =	sor.u32 s6, s15  }
0x11: {  	s15 =	sor.u32 s26, s25;
	s7 =	sadd.s32 s7, s22;
	s10 =	sadd.s32 s10, s22  }
0x12: {  	s25 =	smul.u32 $0x500000, s9;
	s5 =	sshrl.u32 s3, $0x3;
	[dreg:$0x11] =	wrdreg s7  }
0x13: {  	s16 =	sor.u32 $0x80, s15;
	s18 =	sadd.s32 s15, s12;
	[dreg:$0x12] =	wrdreg s10  }
0x14: {  	s30 =	sadd.s32 s15, s13;
	s19 =	sor.u32 $0x100, s15;
	[dreg:$0x9] =	wrdreg s18  }
0x15: {  	s15 =	sor.u32 $0x180, s15;
	s11 =	sadd.s32 s11, s23;
	[dreg:$0xa] =	wrdreg s30  }
0x16: {  	s2 =	sadd.s32 s5, s2;
	s31 =	sadd.s32 s16, s12;
	[dreg:$0x13] =	wrdreg s11  }
0x17: {  	s5 =	sadd.s32 s6, s12;
	s16 =	sadd.s32 s16, s13;
	[dreg:$0xb] =	wrdreg s31  }
0x18: {  	s6 =	sadd.s32 s6, s13;
	s20 =	sadd.s32 s19, s12;
	[dreg:$0xc] =	wrdreg s16  }
0x19: {  	s12 =	sadd.s32 s15, s12;
	s21 =	sadd.s32 s15, s13;
	[dreg:$0xd] =	wrdreg s20  }
0x1a: {  	s15 =	simm.s32 $0x0;
	s26 =	sadd.s32 s25, s24;
	[dreg:$0xf] =	wrdreg s12  }
0x1b: {  	s30 =	smul.u32 $0x2800, s9;
	s24 =	simm.s32 $0x5;
	[dreg:$0x10] =	wrdreg s21  }
0x1c: {  	s16 =	sadd.s32 s19, s13;
	[smem:$0x7FF] =	sst s15;
	s19 =	sadd.s32 $0x600, s2  }
.Ltmp0:
0x1d: {  	s20 =	sadd.s32 $0xFFFFFFFF, s3;
	s21 =	smax.u32 s14, $0x1;
	(pc) =	sbr.rel .LBB2_1-.Ltmp0, $4  }
0x1e: {  	v1 =	vimm.s32 $0x0;
	v2 =	vimm.s32 $0x1;
	v3 =	vlaneseq.u32;
	s2 =	sshrl.u32 s26, $0x2;
	s31 =	simm.s32 $0x1;
	s26 =	simm.s32 $0x0  }
0x1f: {  	v4 =	vimm.f32 $-1.000000000e+00;
	v5 =	vimm.s32 $0x7FFFFFFF;
	vm1 =	vcmask $0x308;
	[dreg:$0xe] =	wrdreg s16;
	s0 =	sadd.s32 s30, s0;
	s22 =	sor.u32 $0x2C00, s2  }
0x20: {  	vm0 =	vmmov $0x1;
	vm2 =	vmxor vm2, vm2;
	v7 =	vor.u32 $0x80000010, v3;
	s16 =	simm.s32 $0x3300;
	s2 =	simm.s32 $0x4900;
	_ =	strace $0x80000047  }
0x21: {  	v6 =	vor.u32 $0x80000000, v3;
	v8 =	vor.u32 $0x80000020, v3;
	v0 =	vmov s8;
	s23 =	sadd.s32 $0x7FFFFFFF, s0;
	[dreg:$0x8] =	wrdreg s31;
	s0 =	simm.s32 $0xC900  }
.LBB2_26:
0x22: {  	s26 =	sadd.s32 $0x1, s26  }
0x23: {  	p1 =	sne.s32 s26, s21  }
.Ltmp1:
0x24: {  	_ = 	snop;
	(pc) =	sbr.rel @!p1 .LBB2_27-.Ltmp1, $1  }
0x25: {  	_ =	sdelay $0x3  }
.LBB2_1:
0x26: {  	[tilespmem:s15], [sflag:$0x5] =	stream.linear.gather [hbm4b:s19+s15], $0x2800, $0x38;
	[tilespmem:$0x15300] =	vst v63  }
0x27: {  	_ =	swait.ge [sflag:s24], $0x2800  }
0x28: {  	[sflag:s24] =	ssyncset.done $0x0  }
0x29: {  	[sflag:s24] =	ssyncadd.s32 $0xFFFFD800  }
0x2a: {  	[tilespmem:$0x2800] =	vst v1  }
0x2b: {  	[tilespmem:$0x2810] =	vst v1  }
0x2c: {  	[tilespmem:$0x2820] =	vst v1  }
0x2d: {  	[tilespmem:$0x2830] =	vst v1  }
0x2e: {  	[tilespmem:$0x2840] =	vst v1  }
0x2f: {  	[tilespmem:$0x2850] =	vst v1  }
0x30: {  	[tilespmem:$0x2860] =	vst v1  }
0x31: {  	[tilespmem:$0x2870] =	vst v1  }
0x32: {  	[tilespmem:$0x2880] =	vst v1  }
0x33: {  	[tilespmem:$0x2890] =	vst v1  }
0x34: {  	[tilespmem:$0x28A0] =	vst v1  }
0x35: {  	[tilespmem:$0x28B0] =	vst v1  }
0x36: {  	[tilespmem:$0x28C0] =	vst v1  }
0x37: {  	[tilespmem:$0x28D0] =	vst v1  }
0x38: {  	[tilespmem:$0x28E0] =	vst v1  }
0x39: {  	[tilespmem:$0x28F0] =	vst v1  }
0x3a: {  	[tilespmem:$0x2900] =	vst v1  }
0x3b: {  	[tilespmem:$0x2910] =	vst v1  }
0x3c: {  	[tilespmem:$0x2920] =	vst v1  }
0x3d: {  	[tilespmem:$0x2930] =	vst v1  }
0x3e: {  	[tilespmem:$0x2940] =	vst v1  }
0x3f: {  	[tilespmem:$0x2950] =	vst v1  }
0x40: {  	[tilespmem:$0x2960] =	vst v1  }
0x41: {  	[tilespmem:$0x2970] =	vst v1  }
0x42: {  	[tilespmem:$0x2980] =	vst v1  }
0x43: {  	[tilespmem:$0x2990] =	vst v1  }
0x44: {  	[tilespmem:$0x29A0] =	vst v1  }
0x45: {  	[tilespmem:$0x29B0] =	vst v1  }
0x46: {  	[tilespmem:$0x29C0] =	vst v1  }
0x47: {  	[tilespmem:$0x29D0] =	vst v1  }
0x48: {  	[tilespmem:$0x29E0] =	vst v1  }
0x49: {  	s7 =	simm.s32 $0x0;
	[tilespmem:$0x29F0] =	vst v1  }
.LBB2_2:
0x4a: {  	s8 =	sshra.s32 s7, $0x2  }
0x4b: {  	v9 =	vld [tilespmem:s8+$0x0];
	_ =	sdelay $0x4  }
0x4c: {  	v10 =	vsub.s32 $0x3F800000, v9  }
0x4d: {  	v10 =	vcvt.s32.f32 v10;
	_ =	sdelay $0x1  }
0x4e: {  	v10 =	vshrl.u32 v10, $0x13  }
0x4f: {  	v10 =	vmax.u32 v10, $0x7F0  }
0x50: {  	vm3 =	vgt.f32 v9, $0.0e+00;
	v10 =	vmin.u32 v10, $0x9EF  }
0x51: {  	p1 =	sne.s32 s7, $0x9FC0;
	v9 =	vadd.s32 $0xFFFFF810, v10  }
.Ltmp2:
0x52: {  	_ = 	snop;
	(pc) =	sbr.rel @p1 .LBB2_2-.Ltmp2, $3  }
0x53: {  	_ =	sdelay $0x1  }
0x54: {  	s8 =	simm.s32 $0x2800  }
0x55: {  	s7 =	sadd.s32 $0x40, s7;
	[tilespmem:v9+s8+$0x0] =	vst.idx.add.s32.msk vm3, v2  }
0x56: {  	v9 =	vld [tilespmem:s8+$0x0];
	_ =	sdelay $0x4  }
0x57: {  	(xrf0) =	vadd.scan.msk.s32 $0xffff, v9;
	_ =	sdelay $0x5  }
0x58: {  	s7 =	simm.s32 $0x0;
	v9, _, _ =	vpop (xrf0)  }
0x59: {  	v9 =	vadd.s32 s7, v9  }
0x5a: {  	vm3 =	vgt.s32 v9, $0x12B  }
0x5b: {  	v9 =	vxor.u32 $0x80000000, v9;
	v10 =	vmpcnt.ones.xlane vm3  }
0x5c: {  	v11 =	vmctz.xlane vm3;
	(xrf0) =	vmax.scan.msk.u32 $0xffff, v9  }
0x5d: {  	v9 =	vxor.u32 $0x80000000, v10  }
0x5e: {  	v10 =	vxor.u32 $0x80000000, v11;
	(xrf0) =	vmax.scan.msk.u32 $0xffff, v9  }
0x5f: {  	(xrf0) =	vmax.scan.msk.u32 $0xffff, v10;
	_ =	sdelay $0x2  }
0x60: {  	v9, _, _ =	vpop (xrf0)  }
0x61: {  	(v2sf) =	vpush v9, $0xF  }
0x62: {  	v9, _, _ =	vpop (xrf0)  }
0x63: {  	(v2sf) =	vpush v9, $0xF;
	v9, _, _ =	vpop (xrf0)  }
0x64: {  	(v2sf) =	vpush v9, $0xF  }
0x65: {  	s8 =	simm.s32 $0x2810  }
0x66: {  	v9 =	vld [tilespmem:s8+$0x0];
	_ =	sdelay $0x4  }
0x67: {  	(xrf0) =	vadd.scan.msk.s32 $0xffff, v9;
	_ =	sdelay $0x4  }
0x68: {  	s31 =	spop (v2sf)  }
0x69: {  	v9, _, _ =	vpop (xrf0);
	s9 =	sxor.u32 $0x80000000, s31  }
0x6a: {  	p3 =	por $0x1, $0x1;
	v9 =	vadd.s32 s9, v9;
	s10 =	spop (v2sf)  }
0x6b: {  	s7 =	simm.s32 $0xFFFFFFFF;
	s9 =	simm.s32 $0x80000010;
	vm3 =	vgt.s32 v9, $0x12B;
	v11 =	vxor.u32 $0x80000000, v9;
	s11 =	spop (v2sf)  }
0x6c: {  	p2 =	sgt.u32 s10, $0x80000000;
	s10 =	simm.s32 $0x80000020;
	v9 =	vmpcnt.ones.xlane vm3;
	v10 =	vmctz.xlane vm3;
	(xrf0) =	vmax.scan.msk.u32 $0xffff, v11;
	s11 =	sadd.s32 $0x80000000, s11  }
.LBB2_4:
0x6d: {  	p1 =	sne.s32 s10, $0x800001F0;
	s12 =	smov.u32 s7  }
0x6e: {  	v9 =	vxor.u32 $0x80000000, v9;
	v10 =	vxor.u32 $0x80000000, v10;
	s13 =	smov.u32 s10;
	s10 =	sadd.s32 $0x10, s10;
	s12 =	smov.u32 @p2 s11  }
0x6f: {  	(xrf0) =	vmax.scan.msk.u32 $0xffff, v9;
	s7 =	smov.u32 @p3 s12  }
0x70: {  	(xrf0) =	vmax.scan.msk.u32 $0xffff, v10;
	_ =	sdelay $0x1  }
0x71: {  	v9, _, _ =	vpop (xrf0)  }
0x72: {  	(v2sf) =	vpush v9, $0xF;
	_ =	sdelay $0x1  }
0x73: {  	v9, _, _ =	vpop (xrf0)  }
0x74: {  	(v2sf) =	vpush v9, $0xF;
	v9, _, _ =	vpop (xrf0)  }
0x75: {  	s8 =	sadd.s32 $0x10, s8;
	(v2sf) =	vpush v9, $0xF  }
0x76: {  	v9 =	vld [tilespmem:s8+$0x0];
	_ =	sdelay $0x4  }
0x77: {  	(xrf0) =	vadd.scan.msk.s32 $0xffff, v9;
	_ =	sdelay $0x4  }
0x78: {  	s11 =	spop (v2sf)  }
.Ltmp3:
0x79: {  	v9, _, _ =	vpop (xrf0);
	s11 =	sxor.u32 $0x80000000, s11;
	(pc) =	sbr.rel @p1 .LBB2_4-.Ltmp3, $4  }
0x7a: {  	v9 =	vadd.s32 s11, v9  }
0x7b: {  	vm3 =	vgt.s32 v9, $0x12B;
	v11 =	vxor.u32 $0x80000000, v9;
	s11 =	spop (v2sf)  }
0x7c: {  	v9 =	vmpcnt.ones.xlane vm3;
	v10 =	vmctz.xlane vm3;
	(xrf0) =	vmax.scan.msk.u32 $0xffff, v11;
	p2 =	sgt.u32 s11, $0x80000000;
	s11 =	spop (v2sf)  }
0x7d: {  	p3 =	slt.s32 s7, $0x0;
	s11 =	sadd.s32 s9, s11;
	s9 =	smov.u32 s13  }
0x7e: {  	v9 =	vxor.u32 $0x80000000, v9  }
0x7f: {  	v10 =	vxor.u32 $0x80000000, v10;
	(xrf0) =	vmax.scan.msk.u32 $0xffff, v9  }
0x80: {  	(xrf0) =	vmax.scan.msk.u32 $0xffff, v10;
	_ =	sdelay $0x3  }
0x81: {  	v9, _, _ =	vpop (xrf0)  }
0x82: {  	(v2sf) =	vpush v9, $0xF;
	v9, _, _ =	vpop (xrf0)  }
0x83: {  	(v2sf) =	vpush v9, $0xF;
	v9, _, _ =	vpop (xrf0)  }
0x84: {  	(v2sf) =	vpush v9, $0xF;
	_ =	sdelay $0xa  }
0x85: {  	s8 =	smov.u32 s7  }
0x86: {  	s25 =	sadd.s32 $0x0, s4;
	s8 =	smov.u32 @p2 s11  }
0x87: {  	s7 =	smov.u32 @p3 s8;
	s8 =	simm.s32 $0x0;
	s18 =	spop (v2sf)  }
0x88: {  	s13 =	sand.u32 $0x3F80, s25;
	s14 =	sand.u32 $0x70, s8;
	s10 =	spop (v2sf)  }
0x89: {  	s30 =	sor.u32 s14, s13;
	s12 =	spop (v2sf)  }
0x8a: {  	p1 =	sgt.u32 s10, $0x80000000;
	s9 =	sadd.s32 s9, s12;
	s12 =	smov.u32 s7  }
0x8b: {  	v10 =	vld [tilespmem:s30+$0x0];
	s12 =	smov.u32 @p1 s9;
	p1 =	slt.s32 s7, $0x0  }
0x8c: {  	s7 =	smov.u32 @p1 s12  }
0x8d: {  	s31 =	sshll.u32 s7, $0x13  }
0x8e: {  	p1 =	slt.s32 s7, $0x0;
	s7 =	sadd.s32 $0x3F880000, s31  }
0x8f: {  	s7 =	simm.s32 @p1 $0x4F800000  }
0x90: {  	v11 =	vsub.s32 $0x3F800000, v10;
	v9 =	vmov s7  }
0x91: {  	v11 =	vcvt.s32.f32 v11;
	v9 =	vbroadcast v9, $0x0;
	_ =	sdelay $0x1  }
0x92: {  	vm4 =	vgt.f32 v10, $0.0e+00;
	vm3 =	vgt.f32 v9, v11  }
0x93: {  	vm3 =	vmand vm4, vm3  }
0x94: {  	v10 =	vmpcnt.ones.xlane vm3;
	_ =	sdelay $0x1  }
0x95: {  	v10 =	vxor.u32 $0x80000000, v10  }
0x96: {  	(xrf0) =	vmax.scan.msk.u32 $0xffff, v10;
	_ =	sdelay $0x4  }
0x97: {  	s10 =	simm.s32 $0x10;
	s9 =	simm.s32 $0x20;
	s7 =	sadd.s32 $0x10, s4;
	v10 =	vor.u32 s25, v3  }
.LBB2_6:
0x98: {  	p1 =	sne.s32 s9, $0x9F0;
	s11 =	sand.u32 $0x3F80, s7;
	s10 =	sand.u32 $0x70, s10;
	[tilespmem:s8+$0x2A00] =	vst.msk vm3, v10;
	v10, _, _ =	vpop (xrf0)  }
0x99: {  	s11 =	sor.u32 s10, s11;
	(v2sf) =	vpush v10, $0xF;
	s10 =	smov.u32 s9  }
0x9a: {  	v10 =	vld [tilespmem:s11+$0x0];
	_ =	sdelay $0x4  }
0x9b: {  	v11 =	vsub.s32 $0x3F800000, v10  }
0x9c: {  	v11 =	vcvt.s32.f32 v11;
	_ =	sdelay $0x1  }
0x9d: {  	vm4 =	vgt.f32 v10, $0.0e+00;
	vm3 =	vgt.f32 v9, v11  }
0x9e: {  	vm3 =	vmand vm4, vm3  }
0x9f: {  	v10 =	vmpcnt.ones.xlane vm3;
	_ =	sdelay $0x1  }
0xa0: {  	v10 =	vxor.u32 $0x80000000, v10  }
0xa1: {  	(xrf0) =	vmax.scan.msk.u32 $0xffff, v10  }
.Ltmp4:
0xa2: {  	s11 =	spop (v2sf);
	(pc) =	sbr.rel @p1 .LBB2_6-.Ltmp4, $4  }
0xa3: {  	s8 =	sadd.s32 s11, s8  }
0xa4: {  	s8 =	sadd.s32 $0x80000000, s8  }
0xa5: {  	p2 =	slt.s32 s8, $0x1F0  }
0xa6: {  	s9 =	sadd.s32 $0x10, s9;
	v10 =	vor.u32 s7, v3;
	s7 =	sadd.s32 s10, s4;
	s8 =	simm.s32 @!p2 $0x1F0  }
0xa7: {  	s9 =	sand.u32 $0x3F80, s7;
	s10 =	sand.u32 $0x70, s10  }
0xa8: {  	[tilespmem:s8+$0x2A00] =	vst.msk vm3, v10;
	s9 =	sor.u32 s10, s9  }
0xa9: {  	v10 =	vld [tilespmem:s9+$0x0];
	_ =	sdelay $0x4  }
0xaa: {  	v11 =	vsub.s32 $0x3F800000, v10  }
0xab: {  	v11 =	vcvt.s32.f32 v11;
	_ =	sdelay $0x1  }
0xac: {  	vm4 =	vgt.f32 v10, $0.0e+00;
	vm3 =	vgt.f32 v9, v11  }
0xad: {  	vm3 =	vmand vm4, vm3  }
0xae: {  	v10 =	vmpcnt.ones.xlane vm3;
	_ =	sdelay $0x1  }
0xaf: {  	v10 =	vxor.u32 $0x80000000, v10  }
0xb0: {  	(xrf0) =	vmax.scan.msk.u32 $0xffff, v10;
	_ =	sdelay $0x1  }
0xb1: {  	v10, _, _ =	vpop (xrf0)  }
0xb2: {  	(v2sf) =	vpush v10, $0xF;
	_ =	sdelay $0x2  }
0xb3: {  	v10, _, _ =	vpop (xrf0)  }
0xb4: {  	(v2sf) =	vpush v10, $0xF;
	_ =	sdelay $0xa  }
0xb5: {  	s25 =	spop (v2sf)  }
0xb6: {  	s30 =	sadd.s32 s25, s8  }
0xb7: {  	s9 =	sadd.s32 $0x80000000, s30  }
0xb8: {  	p1 =	slt.s32 s9, $0x1F0  }
0xb9: {  	s9 =	simm.s32 @!p1 $0x1F0;
	s31 =	spop (v2sf)  }
0xba: {  	s8 =	sadd.s32 s31, s9  }
0xbb: {  	s8 =	sadd.s32 $0x80000000, s8  }
0xbc: {  	v10 =	vor.u32 s7, v3;
	p1 =	slt.s32 s8, $0x1F0;
	s7 =	smov.u32 s8  }
0xbd: {  	s10 =	simm.s32 $0x0;
	[tilespmem:s9+$0x2A00] =	vst.msk vm3, v10;
	s9 =	simm.s32 $0x40;
	s7 =	simm.s32 @!p1 $0x1F0  }
.LBB2_8:
0xbe: {  	p1 =	sne.s32 s9, $0x800;
	[tilespmem:s10+$0x3300] =	vst v4;
	s11 =	smov.u32 s9;
	s9 =	sadd.s32 $0x40, s9  }
.Ltmp5:
0xbf: {  	[tilespmem:s10+$0x3580] =	vst v5;
	(pc) =	sbr.rel @p1 .LBB2_8-.Ltmp5, $2  }
0xc0: {  	_ =	sdelay $0x2  }
0xc1: {  	s10 =	sshra.s32 s11, $0x2  }
0xc2: {  	p1 =	slt.s32 s8, $0x1  }
.Ltmp6:
0xc3: {  	_ = 	snop;
	(pc) =	sbr.rel @p1 .LBB2_16-.Ltmp6, $3  }
0xc4: {  	_ =	sdelay $0x1  }
0xc5: {  	[tilespmem:s10+$0x3300] =	vst v4  }
0xc6: {  	[tilespmem:s10+$0x3580] =	vst v5  }
0xc7: {  	v10 =	vld [tilespmem:$0x2A00];
	_ =	sdelay $0x4  }
0xc8: {  	v10 =	vxor.u32 $0x80000000, v10  }
0xc9: {  	v10 =	vnsel vm0, $0x80000000, v10  }
0xca: {  	(xrf0) =	vmax.scan.msk.u32 $0xffff, v10;
	_ =	sdelay $0x5  }
0xcb: {  	v10, _, _ =	vpop (xrf0)  }
0xcc: {  	(v2sf) =	vpush v10, $0xF;
	_ =	sdelay $0xe  }
0xcd: {  	s9 =	spop (v2sf)  }
0xce: {  	s9 =	sadd.s32 s9, s20  }
0xcf: {  	s9 =	sadd.s32 $0x80000000, s9  }
0xd0: {  	p1 =	sgt.s32 s9, $0x0  }
0xd1: {  	s9 =	simm.s32 @!p1 $0x0;
	p1 =	seq.s32 s8, $0x1  }
.Ltmp7:
0xd2: {  	_ = 	snop;
	(pc) =	sbr.rel @p1 .LBB2_12-.Ltmp7, $4  }
0xd3: {  	s9 =	smin.u32 s9, $0x13FFD  }
0xd4: {  	s9 =	sshll.u32 s9, $0x4  }
0xd5: {  	s10 =	simm.s32 $0x2C00;
	s9 =	sadd.s32 s1, s9  }
0xd6: {  	[tilespmem:s10], [sflag:$0x1] =	stream.linear.gather [hbm4b:s9+s15], $0x180, $0x38;
	[tilespmem:$0x15300] =	vst v63  }
0xd7: {  	v10 =	vld [tilespmem:$0x2A00];
	_ =	sdelay $0x4  }
0xd8: {  	v10 =	vxor.u32 $0x80000000, v10  }
0xd9: {  	v10 =	vsel vm1, $0x80000000, v10  }
0xda: {  	(xrf0) =	vmax.scan.msk.u32 $0xffff, v10;
	_ =	sdelay $0x5  }
0xdb: {  	v10, _, _ =	vpop (xrf0)  }
0xdc: {  	(v2sf) =	vpush v10, $0xF;
	_ =	sdelay $0xe  }
0xdd: {  	s9 =	spop (v2sf)  }
0xde: {  	s9 =	sadd.s32 s9, s20  }
0xdf: {  	s9 =	sadd.s32 $0x80000000, s9  }
0xe0: {  	p1 =	sgt.s32 s9, $0x0  }
0xe1: {  	s9 =	simm.s32 @!p1 $0x0  }
0xe2: {  	s9 =	smin.u32 s9, $0x13FFD  }
0xe3: {  	s9 =	sshll.u32 s9, $0x4  }
0xe4: {  	s10 =	simm.s32 $0x2D80;
	p1 =	slt.u32 s8, $0x3;
	s9 =	sadd.s32 s1, s9  }
0xe5: {  	[tilespmem:s10], [sflag:$0x2] =	stream.linear.gather [hbm4b:s9+s15], $0x180, $0x38;
	[tilespmem:$0x15300] =	vst v63  }
0xe6: {  	v10 =	vld @!p1 [tilespmem:$0x2A00];
	_ =	sdelay $0x4  }
0xe7: {  	vm3 =	vcmask @!p1 $0x70C;
	v10 =	vxor.u32 @!p1 $0x80000000, v10  }
0xe8: {  	v10 =	vsel @!p1 vm3, $0x80000000, v10  }
0xe9: {  	(xrf0) =	vmax.scan.msk.u32 @!p1 $0xffff, v10;
	_ =	sdelay $0x5  }
0xea: {  	v10, _, _ =	vpop @!p1 (xrf0)  }
0xeb: {  	(v2sf) =	vpush @!p1 v10, $0xF;
	_ =	sdelay $0xe  }
0xec: {  	s9 =	spop @!p1 (v2sf)  }
0xed: {  	s9 =	sadd.s32 @!p1 s9, s20  }
0xee: {  	s9 =	sadd.s32 @!p1 $0x80000000, s9  }
0xef: {  	p2 =	sgt.s32 @!p1 s9, $0x0  }
0xf0: {  	p2 =	por !p2, p1  }
0xf1: {  	s9 =	simm.s32 @p2 $0x0  }
0xf2: {  	s9 =	smin.u32 @!p1 s9, $0x13FFD  }
0xf3: {  	s11 =	simm.s32 @!p1 $0x2F00;
	p3 =	seq.s32 @!p1 s8, $0x3;
	s9 =	sshll.u32 @!p1 s9, $0x4  }
0xf4: {  	s10 =	simm.s32 @!p1 $0x0;
	p2 =	por p3, p1;
	s9 =	sadd.s32 @!p1 s1, s9  }
0xf5: {  	[tilespmem:s11], [sflag:$0x3] =	stream.linear.gather @!p1 [hbm4b:s9+s10], $0x180, $0x38;
	[tilespmem:$0x15300] =	vst v63  }
0xf6: {  	v10 =	vld @!p2 [tilespmem:$0x2A00];
	_ =	sdelay $0x4  }
0xf7: {  	vm3 =	vcmask @!p2 $0xB10;
	v10 =	vxor.u32 @!p2 $0x80000000, v10  }
0xf8: {  	v10 =	vsel @!p2 vm3, $0x80000000, v10  }
0xf9: {  	(xrf0) =	vmax.scan.msk.u32 @!p2 $0xffff, v10;
	_ =	sdelay $0x5  }
0xfa: {  	v10, _, _ =	vpop @!p2 (xrf0)  }
0xfb: {  	(v2sf) =	vpush @!p2 v10, $0xF;
	_ =	sdelay $0xe  }
0xfc: {  	s8 =	spop @!p2 (v2sf)  }
0xfd: {  	s8 =	sadd.s32 @!p2 s8, s20  }
0xfe: {  	s8 =	sadd.s32 @!p2 $0x80000000, s8  }
0xff: {  	p4 =	sgt.s32 @!p2 s8, $0x0  }
0x100: {  	p3 =	por @!p1 !p4, p3  }
0x101: {  	p1 =	por !p3, p1  }
0x102: {  	s8 =	simm.s32 @!p1 $0x0  }
0x103: {  	s8 =	smin.u32 @!p2 s8, $0x13FFD  }
0x104: {  	s8 =	sshll.u32 @!p2 s8, $0x4  }
0x105: {  	s9 =	simm.s32 @!p2 $0x0;
	s10 =	simm.s32 @!p2 $0x3080;
	s8 =	sadd.s32 @!p2 s1, s8  }
0x106: {  	[tilespmem:s10], [sflag:$0x4] =	stream.linear.gather @!p2 [hbm4b:s8+s9], $0x180, $0x38;
	[tilespmem:$0x15300] =	vst v63  }
.LBB2_12:
0x107: {  	s8 =	simm.s32 $0x0;
	s31 =	simm.s32 $0x0;
	s9 =	simm.s32 $0x0  }
.LBB2_13:
0x108: {  	s10 =	sshll.u32 s9, $0x2  }
0x109: {  	s10 =	sshra.s32 s10, $0x2  }
0x10a: {  	s10 =	sand.u32 $0xFFFFFFF0, s10  }
0x10b: {  	v10 =	vld [tilespmem:s10+$0x2A00];
	_ =	sdelay $0x2  }
0x10c: {  	s12 =	sand.u32 $0xF, s9  }
0x10d: {  	v11 =	vmov s12  }
0x10e: {  	vm3 =	veq.s32 v11, v3;
	v10 =	vxor.u32 $0x80000000, v10  }
0x10f: {  	v10 =	vnsel vm3, $0x80000000, v10  }
0x110: {  	(xrf0) =	vmax.scan.msk.u32 $0xffff, v10;
	_ =	sdelay $0x5  }
0x111: {  	v10, _, _ =	vpop (xrf0)  }
0x112: {  	(v2sf) =	vpush v10, $0xF;
	_ =	sdelay $0xe  }
0x113: {  	s10 =	spop (v2sf)  }
0x114: {  	s11 =	sadd.s32 s10, s3  }
0x115: {  	s12 =	sadd.s32 $0x7FFFFFFF, s11  }
0x116: {  	s13 =	sand.u32 $0x3, s9;
	p1 =	sgt.s32 s12, $0x0  }
0x117: {  	s25 =	sadd.s32 $0x1, s13;
	s13 =	smul.u32 $0x600, s13;
	s12 =	simm.s32 @!p1 $0x0  }
0x118: {  	_ =	swait.ge [sflag:s25], $0x180;
	s18 =	sand.u32 $0x7F, s10;
	s12 =	smin.u32 s12, $0x13FFD  }
0x119: {  	[sflag:s25] =	ssyncset.done $0x0;
	p2 =	seq.s32 s18, $0x7F;
	s11 =	ssub.s32 s11, s12  }
0x11a: {  	[sflag:s25] =	ssyncadd.s32 $0xFFFFFE80;
	s12 =	sshrl.u32 s13, $0x2;
	s11 =	sshll.u32 s11, $0x7  }
0x11b: {  	p1 =	seq.s32 s18, $0x0;
	[tilespmem:$0x3200] =	vst v4;
	s30 =	sadd.s32 $0x2C00, s12;
	s14 =	sadd.s32 $0xFFFFFF80, s11  }
0x11c: {  	[tilespmem:$0x3290] =	vst v4;
	s12 =	sadd.s32 $0x80, s11;
	s18 =	sadd.s32 s11, s30;
	s14 =	smov.u32 @p1 s11  }
0x11d: {  	s12 =	smov.u32 @p2 s11;
	v10 =	vld [tilespmem:s18+$0x0];
	s14 =	sadd.s32 s14, s30  }
0x11e: {  	s11 =	sadd.s32 s12, s30;
	v11 =	vld [tilespmem:s14+$0x0]  }
0x11f: {  	v12 =	vld [tilespmem:s11+$0x0];
	_ =	sdelay $0x3  }
0x120: {  	v11 =	vpsel p1, $0xBF800000, v11  }
0x121: {  	v12 =	vpsel p2, $0xBF800000, v12;
	v10 =	vmax.f32 v10, v11  }
0x122: {  	v10 =	vmax.f32 v10, v12  }
0x123: {  	[tilespmem:$0x3210] =	vst v10  }
0x124: {  	v10 =	vld [tilespmem:s18+$0x10]  }
0x125: {  	v11 =	vld [tilespmem:s14+$0x10]  }
0x126: {  	v12 =	vld [tilespmem:s11+$0x10];
	_ =	sdelay $0x3  }
0x127: {  	v11 =	vpsel p1, $0xBF800000, v11  }
0x128: {  	v12 =	vpsel p2, $0xBF800000, v12;
	v10 =	vmax.f32 v10, v11  }
0x129: {  	v10 =	vmax.f32 v10, v12  }
0x12a: {  	[tilespmem:$0x3220] =	vst v10  }
0x12b: {  	v10 =	vld [tilespmem:s18+$0x20]  }
0x12c: {  	v11 =	vld [tilespmem:s14+$0x20]  }
0x12d: {  	v12 =	vld [tilespmem:s11+$0x20];
	_ =	sdelay $0x3  }
0x12e: {  	v11 =	vpsel p1, $0xBF800000, v11  }
0x12f: {  	v12 =	vpsel p2, $0xBF800000, v12;
	v10 =	vmax.f32 v10, v11  }
0x130: {  	v10 =	vmax.f32 v10, v12  }
0x131: {  	[tilespmem:$0x3230] =	vst v10  }
0x132: {  	v10 =	vld [tilespmem:s18+$0x30]  }
0x133: {  	v11 =	vld [tilespmem:s14+$0x30]  }
0x134: {  	v12 =	vld [tilespmem:s11+$0x30];
	_ =	sdelay $0x3  }
0x135: {  	v11 =	vpsel p1, $0xBF800000, v11  }
0x136: {  	v12 =	vpsel p2, $0xBF800000, v12;
	v10 =	vmax.f32 v10, v11  }
0x137: {  	v10 =	vmax.f32 v10, v12  }
0x138: {  	[tilespmem:$0x3240] =	vst v10  }
0x139: {  	v10 =	vld [tilespmem:s18+$0x40]  }
0x13a: {  	v11 =	vld [tilespmem:s14+$0x40]  }
0x13b: {  	v12 =	vld [tilespmem:s11+$0x40];
	_ =	sdelay $0x3  }
0x13c: {  	v11 =	vpsel p1, $0xBF800000, v11  }
0x13d: {  	v12 =	vpsel p2, $0xBF800000, v12;
	v10 =	vmax.f32 v10, v11  }
0x13e: {  	v10 =	vmax.f32 v10, v12  }
0x13f: {  	[tilespmem:$0x3250] =	vst v10  }
0x140: {  	v10 =	vld [tilespmem:s18+$0x50]  }
0x141: {  	v11 =	vld [tilespmem:s14+$0x50]  }
0x142: {  	v12 =	vld [tilespmem:s11+$0x50];
	_ =	sdelay $0x3  }
0x143: {  	v11 =	vpsel p1, $0xBF800000, v11  }
0x144: {  	v12 =	vpsel p2, $0xBF800000, v12;
	v10 =	vmax.f32 v10, v11  }
0x145: {  	v10 =	vmax.f32 v10, v12  }
0x146: {  	[tilespmem:$0x3260] =	vst v10  }
0x147: {  	v10 =	vld [tilespmem:s18+$0x60]  }
0x148: {  	v11 =	vld [tilespmem:s14+$0x60]  }
0x149: {  	v12 =	vld [tilespmem:s11+$0x60];
	_ =	sdelay $0x3  }
0x14a: {  	v11 =	vpsel p1, $0xBF800000, v11  }
0x14b: {  	v12 =	vpsel p2, $0xBF800000, v12;
	v10 =	vmax.f32 v10, v11  }
0x14c: {  	v10 =	vmax.f32 v10, v12  }
0x14d: {  	[tilespmem:$0x3270] =	vst v10  }
0x14e: {  	s12 =	sadd.s32 s10, s23;
	v10 =	vld [tilespmem:s18+$0x70]  }
0x14f: {  	p3 =	sgt.s32 s12, $0x0;
	s18 =	sand.u32 $0x3, s8;
	v11 =	vld [tilespmem:s14+$0x70]  }
0x150: {  	s12 =	simm.s32 @!p3 $0x0;
	v12 =	vld [tilespmem:s11+$0x70];
	s13 =	smul.u32 $0x600, s18  }
0x151: {  	s12 =	smin.u32 s12, $0x13FFD;
	s14 =	sshll.u32 s10, $0x9  }
0x152: {  	s12 =	sshll.u32 s12, $0x9;
	s11 =	sadd.s32 s14, s13  }
0x153: {  	s11 =	ssub.s32 s11, s12  }
0x154: {  	v11 =	vpsel p1, $0xBF800000, v11;
	s11 =	sshra.s32 s11, $0x2  }
0x155: {  	v12 =	vpsel p2, $0xBF800000, v12;
	v10 =	vmax.f32 v10, v11;
	s11 =	sadd.s32 s11, s22  }
0x156: {  	v11 =	vmax.f32 v10, v12;
	v10 =	vmov s11  }
0x157: {  	s18 =	simm.s32 $0x0;
	[tilespmem:$0x3280] =	vst v11  }
0x158: {  	v11 =	vld [tilespmem:s18+$0x3210]  }
0x159: {  	v12 =	vld [tilespmem:s18+$0x320F]  }
0x15a: {  	v13 =	vld [tilespmem:s18+$0x3211]  }
0x15b: {  	v14 =	vld.idx.msk [tilespmem:v10+s18+$0x0 ss:$0x1], $0xffff;
	_ =	sdelay $0x2  }
0x15c: {  	v11 =	vmax.f32 v12, v11  }
0x15d: {  	v11 =	vmax.f32 v11, v13  }
0x15e: {  	vm3 =	veq.f32 v11, v14  }
0x15f: {  	v11 =	vnsel vm3, $0x0, v14  }
0x160: {  	v12 =	vsub.s32 $0x3F800000, v11  }
0x161: {  	v12 =	vcvt.s32.f32 v12;
	_ =	sdelay $0x1  }
0x162: {  	vm4 =	vgt.f32 v11, $0.0e+00;
	vm3 =	vgt.f32 v9, v12  }
0x163: {  	vm3 =	vmand vm4, vm3  }
0x164: {  	v12 =	vmpcnt.ones.xlane vm3;
	_ =	sdelay $0x1  }
0x165: {  	v12 =	vxor.u32 $0x80000000, v12  }
0x166: {  	(xrf0) =	vmax.scan.msk.u32 $0xffff, v12;
	_ =	sdelay $0x1  }
0x167: {  	s10 =	sshll.u32 s10, $0x7  }
0x168: {  	[tilespmem:s31+$0x3300] =	vst.msk vm3, v11;
	v11 =	vor.u32 s10, v3  }
0x169: {  	s12 =	simm.s32 $0x10;
	[tilespmem:s31+$0x3580] =	vst.msk vm3, v11  }
0x16a: {  	v11 =	vld.idx.msk [tilespmem:v10+s12+$0x0 ss:$0x1], $0xffff  }
0x16b: {  	s11 =	simm.s32 $0x80;
	v12 =	vld [tilespmem:s12+$0x3210];
	v13, _, _ =	vpop (xrf0)  }
.LBB2_14:
0x16c: {  	p1 =	sne.s32 s11, $0x1C0;
	v14 =	vld [tilespmem:s12+$0x320F];
	(v2sf) =	vpush v13, $0xF  }
0x16d: {  	v13 =	vld [tilespmem:s12+$0x3211];
	_ =	sdelay $0x3  }
0x16e: {  	v12 =	vmax.f32 v14, v12  }
0x16f: {  	v12 =	vmax.f32 v12, v13  }
0x170: {  	vm3 =	veq.f32 v12, v11  }
0x171: {  	v11 =	vnsel vm3, $0x0, v11  }
0x172: {  	v12 =	vsub.s32 $0x3F800000, v11  }
0x173: {  	v12 =	vcvt.s32.f32 v12;
	_ =	sdelay $0x1  }
0x174: {  	vm4 =	vgt.f32 v11, $0.0e+00;
	vm3 =	vgt.f32 v9, v12  }
0x175: {  	vm3 =	vmand vm4, vm3  }
0x176: {  	v12 =	vmpcnt.ones.xlane vm3  }
0x177: {  	s12 =	spop (v2sf)  }
0x178: {  	v12 =	vxor.u32 $0x80000000, v12;
	s12 =	sadd.s32 s12, s31  }
0x179: {  	(xrf0) =	vmax.scan.msk.u32 $0xffff, v12;
	s31 =	sadd.s32 $0x80000000, s12  }
0x17a: {  	p2 =	slt.s32 s31, $0x200  }
.Ltmp8:
0x17b: {  	s10 =	sadd.s32 $0x10, s10;
	s31 =	simm.s32 @!p2 $0x200;
	(pc) =	sbr.rel @p1 .LBB2_14-.Ltmp8, $4  }
0x17c: {  	[tilespmem:s31+$0x3300] =	vst.msk vm3, v11;
	v11 =	vor.u32 s10, v3  }
0x17d: {  	s12 =	sshra.s32 s11, $0x2;
	[tilespmem:s31+$0x3580] =	vst.msk vm3, v11  }
0x17e: {  	v11 =	vld.idx.msk [tilespmem:v10+s12+$0x0 ss:$0x1], $0xffff  }
0x17f: {  	s11 =	sadd.s32 $0x40, s11;
	v12 =	vld [tilespmem:s12+$0x3210];
	v13, _, _ =	vpop (xrf0)  }
0x180: {  	(v2sf) =	vpush v13, $0xF;
	_ =	sdelay $0x5  }
0x181: {  	v10 =	vld [tilespmem:s12+$0x320F]  }
0x182: {  	v63 =	vld [tilespmem:s12+$0x3211];
	_ =	sdelay $0x3  }
0x183: {  	v10 =	vmax.f32 v10, v12  }
0x184: {  	v10 =	vmax.f32 v10, v63  }
0x185: {  	vm3 =	veq.f32 v10, v11  }
0x186: {  	v10 =	vnsel vm3, $0x0, v11  }
0x187: {  	v11 =	vsub.s32 $0x3F800000, v10;
	s11 =	spop (v2sf)  }
0x188: {  	v11 =	vcvt.s32.f32 v11;
	s11 =	sadd.s32 s11, s31  }
0x189: {  	s12 =	sadd.s32 $0x4, s9;
	s11 =	sadd.s32 $0x80000000, s11  }
0x18a: {  	p1 =	sge.s32 s12, s7;
	vm4 =	vgt.f32 v10, $0.0e+00;
	vm3 =	vgt.f32 v9, v11;
	p2 =	slt.s32 s11, $0x200  }
0x18b: {  	s10 =	sadd.s32 $0x10, s10;
	s13 =	sshll.u32 @!p1 s12, $0x2;
	vm3 =	vmand vm4, vm3;
	s11 =	simm.s32 @!p2 $0x200  }
0x18c: {  	v11 =	vor.u32 s10, v3;
	s10 =	sshra.s32 @!p1 s13, $0x2;
	[tilespmem:s11+$0x3300] =	vst.msk vm3, v10  }
0x18d: {  	s10 =	sand.u32 @!p1 $0xFFFFFFF0, s10;
	[tilespmem:s11+$0x3580] =	vst.msk vm3, v11  }
0x18e: {  	v10 =	vld @!p1 [tilespmem:s10+$0x2A00];
	_ =	sdelay $0x2  }
0x18f: {  	v11 =	vmpcnt.ones.xlane vm3;
	s10 =	sand.u32 @!p1 $0xF, s12  }
0x190: {  	v13 =	vlaneseq.u32 @!p1;
	v12 =	vmov @!p1 s10  }
0x191: {  	v11 =	vxor.u32 $0x80000000, v11;
	vm3 =	veq.s32 @!p1 v12, v13;
	v10 =	vxor.u32 @!p1 $0x80000000, v10  }
0x192: {  	(xrf0) =	vmax.scan.msk.u32 $0xffff, v11;
	v10 =	vnsel @!p1 vm3, $0x80000000, v10  }
0x193: {  	(xrf0) =	vmax.scan.msk.u32 @!p1 $0xffff, v10;
	_ =	sdelay $0x4  }
0x194: {  	v10, _, _ =	vpop (xrf0)  }
0x195: {  	(v2sf) =	vpush v10, $0xF;
	v10, _, _ =	vpop @!p1 (xrf0)  }
0x196: {  	(v2sf) =	vpush @!p1 v10, $0xF;
	_ =	sdelay $0xd  }
0x197: {  	s18 =	spop (v2sf)  }
0x198: {  	s12 =	spop @!p1 (v2sf)  }
0x199: {  	s12 =	sadd.s32 @!p1 s12, s20  }
0x19a: {  	s12 =	sadd.s32 @!p1 $0x80000000, s12  }
0x19b: {  	p2 =	sgt.s32 @!p1 s12, $0x0  }
0x19c: {  	p2 =	por !p2, p1  }
0x19d: {  	s9 =	sadd.s32 $0x1, s9;
	s12 =	simm.s32 @p2 $0x0  }
0x19e: {  	p2 =	sne.s32 s9, s7;
	s12 =	smin.u32 @!p1 s12, $0x13FFD  }
.Ltmp9:
0x19f: {  	s10 =	sadd.s32 s18, s11;
	s12 =	sshll.u32 @!p1 s12, $0x4;
	(pc) =	sbr.rel @p2 .LBB2_13-.Ltmp9, $4  }
0x1a0: {  	s31 =	sadd.s32 $0x80000000, s10;
	s11 =	sadd.s32 @!p1 s1, s12;
	s12 =	simm.s32 @!p1 $0x0  }
0x1a1: {  	[tilespmem:s30], [sflag:s25] =	stream.linear.gather @!p1 [hbm4b:s11+s12], $0x180, $0x38;
	[tilespmem:$0x15300] =	vst v63  }
0x1a2: {  	p1 =	slt.s32 s31, $0x200  }
0x1a3: {  	s8 =	sadd.s32 $0x1, s8;
	s31 =	simm.s32 @!p1 $0x200  }
.LBB2_16:
0x1a4: {  	[spmem:s5] =	stream.strided.scatter [tilespmem:s16], [sflag:$0x5], $0x200, s29, s28, $0x38;
	[tilespmem:$0x15300] =	vst v63  }
0x1a5: {  	_ =	swait.ge [sflag:s24], $0x200  }
0x1a6: {  	[sflag:s24] =	ssyncset.done $0x0  }
0x1a7: {  	[sflag:s24] =	ssyncadd.s32 $0xFFFFFE00  }
0x1a8: {  	[spmem:s6] =	stream.strided.scatter [tilespmem:s17], [sflag:$0x5], $0x200, s29, s28, $0x38;
	[tilespmem:$0x15300] =	vst v63  }
.Ltmp10:
0x1a9: {  	_ =	swait.ge [sflag:s24], $0x200;
	(pc) =	sbr.rel @p0 .LBB2_26-.Ltmp10, $3  }
0x1aa: {  	[sflag:s24] =	ssyncset.done $0x0  }
0x1ab: {  	[sflag:s24] =	ssyncadd.s32 $0xFFFFFE00  }
0x1ac: {  	[bflag:$0x0] =	sbarrier.arrive $0xFFFF;
	_ =	sdelay $0x1  }
0x1ad: {  	s7 =	simm.s32 $0x3800;
	s8 =	rddreg [dreg:$0x9]  }
0x1ae: {  	[tilespmem:s7], [sflag:$0x5] =	stream.strided.gather [spmem:s8], $0x200, s29, s28, $0x38;
	[tilespmem:$0x15300] =	vst v63  }
0x1af: {  	_ =	swait.ge [sflag:s24], $0x200  }
0x1b0: {  	[sflag:s24] =	ssyncset.done $0x0  }
0x1b1: {  	s8 =	simm.s32 $0x4000;
	s9 =	rddreg [dreg:$0xa];
	[sflag:s24] =	ssyncadd.s32 $0xFFFFFE00  }
0x1b2: {  	[tilespmem:s8], [sflag:$0x5] =	stream.strided.gather [spmem:s9], $0x200, s29, s28, $0x38;
	[tilespmem:$0x15300] =	vst v63  }
0x1b3: {  	_ =	swait.ge [sflag:s24], $0x200  }
0x1b4: {  	[sflag:s24] =	ssyncset.done $0x0  }
0x1b5: {  	s10 =	simm.s32 $0x3A00;
	s25 =	rddreg [dreg:$0xb];
	[sflag:s24] =	ssyncadd.s32 $0xFFFFFE00  }
0x1b6: {  	[tilespmem:s10], [sflag:$0x5] =	stream.strided.gather [spmem:s25], $0x200, s29, s28, $0x38;
	[tilespmem:$0x15300] =	vst v63  }
0x1b7: {  	_ =	swait.ge [sflag:s24], $0x200  }
0x1b8: {  	[sflag:s24] =	ssyncset.done $0x0  }
0x1b9: {  	s31 =	simm.s32 $0x4200;
	s30 =	rddreg [dreg:$0xc];
	[sflag:s24] =	ssyncadd.s32 $0xFFFFFE00  }
0x1ba: {  	[tilespmem:s31], [sflag:$0x5] =	stream.strided.gather [spmem:s30], $0x200, s29, s28, $0x38;
	[tilespmem:$0x15300] =	vst v63  }
0x1bb: {  	_ =	swait.ge [sflag:s24], $0x200  }
0x1bc: {  	[sflag:s24] =	ssyncset.done $0x0  }
0x1bd: {  	s12 =	simm.s32 $0x3C00;
	s11 =	rddreg [dreg:$0xd];
	[sflag:s24] =	ssyncadd.s32 $0xFFFFFE00  }
0x1be: {  	[tilespmem:s12], [sflag:$0x5] =	stream.strided.gather [spmem:s11], $0x200, s29, s28, $0x38;
	[tilespmem:$0x15300] =	vst v63  }
0x1bf: {  	_ =	swait.ge [sflag:s24], $0x200  }
0x1c0: {  	[sflag:s24] =	ssyncset.done $0x0  }
0x1c1: {  	s14 =	simm.s32 $0x4400;
	s13 =	rddreg [dreg:$0xe];
	[sflag:s24] =	ssyncadd.s32 $0xFFFFFE00  }
0x1c2: {  	[tilespmem:s14], [sflag:$0x5] =	stream.strided.gather [spmem:s13], $0x200, s29, s28, $0x38;
	[tilespmem:$0x15300] =	vst v63  }
0x1c3: {  	_ =	swait.ge [sflag:s24], $0x200  }
0x1c4: {  	[sflag:s24] =	ssyncset.done $0x0  }
0x1c5: {  	s17 =	simm.s32 $0x3E00;
	s16 =	rddreg [dreg:$0xf];
	[sflag:s24] =	ssyncadd.s32 $0xFFFFFE00  }
0x1c6: {  	[tilespmem:s17], [sflag:$0x5] =	stream.strided.gather [spmem:s16], $0x200, s29, s28, $0x38;
	[tilespmem:$0x15300] =	vst v63  }
0x1c7: {  	_ =	swait.ge [sflag:s24], $0x200  }
0x1c8: {  	[sflag:s24] =	ssyncset.done $0x0  }
0x1c9: {  	s25 =	simm.s32 $0x4600;
	s18 =	rddreg [dreg:$0x10];
	[sflag:s24] =	ssyncadd.s32 $0xFFFFFE00  }
0x1ca: {  	[tilespmem:s25], [sflag:$0x5] =	stream.strided.gather [spmem:s18], $0x200, s29, s28, $0x38;
	[tilespmem:$0x15300] =	vst v63  }
0x1cb: {  	_ =	swait.ge [sflag:s24], $0x200  }
0x1cc: {  	[sflag:s24] =	ssyncset.done $0x0  }
0x1cd: {  	s9 =	simm.s32 $0x0;
	s30 =	rddreg [dreg:$0x11];
	[sflag:s24] =	ssyncadd.s32 $0xFFFFFE00  }
0x1ce: {  	[tilespmem:s2], [sflag:$0x5] =	stream.linear.gather [hbm4b:s30+s9], $0x8000, $0x38;
	[tilespmem:$0x15300] =	vst v63  }
0x1cf: {  	_ =	swait.ge [sflag:s24], $0x8000  }
0x1d0: {  	[sflag:s24] =	ssyncset.done $0x0  }
0x1d1: {  	s31 =	rddreg [dreg:$0x12];
	[sflag:s24] =	ssyncadd.s32 $0xFFFF8000  }
0x1d2: {  	[tilespmem:s0], [sflag:$0x5] =	stream.linear.gather [hbm4b:s31+s9], $0x8000, $0x38;
	[tilespmem:$0x15300] =	vst v63  }
0x1d3: {  	_ =	swait.ge [sflag:s24], $0x8000  }
0x1d4: {  	[sflag:s24] =	ssyncset.done $0x0  }
0x1d5: {  	[sflag:s24] =	ssyncadd.s32 $0xFFFF8000  }
.LBB2_18:
0x1d6: {  	v10 =	vld [tilespmem:s7+$0x0];
	_ =	sdelay $0x4  }
0x1d7: {  	(xrf0) =	vmax.scan.msk.f32 $0xffff, v10  }
0x1d8: {  	s10 =	sadd.s32 $0x10, s7  }
0x1d9: {  	v12 =	vld [tilespmem:s10+$0x0];
	_ =	sdelay $0x1  }
0x1da: {  	v11 =	vld [tilespmem:s8+$0x0];
	_ =	sdelay $0x1  }
0x1db: {  	v9, _, _ =	vpop (xrf0)  }
0x1dc: {  	(xrf0) =	vmax.scan.msk.f32 $0xffff, v12;
	v9 =	vbroadcast v9, $0xF  }
0x1dd: {  	s10 =	sadd.s32 $0x10, s10  }
0x1de: {  	v14 =	vld [tilespmem:s10+$0x0];
	vm3 =	veq.f32 v10, v9;
	v10 =	vxor.u32 $0x80000000, v11  }
0x1df: {  	s11 =	sadd.s32 $0x10, s8;
	v10 =	vnsel vm3, $0xFFFFFFFF, v10  }
0x1e0: {  	v13 =	vld [tilespmem:s11+$0x0];
	_ =	sdelay $0x1  }
0x1e1: {  	(xrf0) =	vmin.scan.msk.u32 $0xffff, v10;
	v10, _, _ =	vpop (xrf0)  }
0x1e2: {  	(xrf0) =	vmax.scan.msk.f32 $0xffff, v14;
	v11 =	vbroadcast v10, $0xF;
	_ =	sdelay $0x1  }
0x1e3: {  	v10 =	vxor.u32 $0x80000000, v13;
	vm3 =	veq.f32 v12, v11  }
0x1e4: {  	s11 =	sadd.s32 $0x10, s11;
	v10 =	vnsel vm3, $0xFFFFFFFF, v10  }
0x1e5: {  	s10 =	sadd.s32 $0x10, s10;
	v12 =	vld [tilespmem:s11+$0x0]  }
0x1e6: {  	v15 =	vld [tilespmem:s10+$0x0];
	v17, _, _ =	vpop (xrf0)  }
0x1e7: {  	(xrf0) =	vmin.scan.msk.u32 $0xffff, v10;
	v10, _, _ =	vpop (xrf0)  }
0x1e8: {  	v10 =	vbroadcast v10, $0xF;
	_ =	sdelay $0x1  }
0x1e9: {  	v12 =	vxor.u32 $0x80000000, v12;
	vm3 =	veq.f32 v14, v10  }
0x1ea: {  	(xrf0) =	vmax.scan.msk.f32 $0xffff, v15;
	v12 =	vnsel vm3, $0xFFFFFFFF, v12  }
0x1eb: {  	(xrf0) =	vmin.scan.msk.u32 $0xffff, v12;
	_ =	sdelay $0x3  }
0x1ec: {  	s10 =	sadd.s32 $0x10, s10;
	(v2sf) =	vpush v17, $0xF;
	v18, _, _ =	vpop (xrf0)  }
0x1ed: {  	v13 =	vld [tilespmem:s10+$0x0];
	v12, _, _ =	vpop (xrf0)  }
0x1ee: {  	(v2sf) =	vpush v18, $0xF;
	v19, _, _ =	vpop (xrf0)  }
0x1ef: {  	s12 =	sadd.s32 $0x10, s11;
	(v2sf) =	vpush v19, $0xF  }
0x1f0: {  	v14 =	vld [tilespmem:s12+$0x0];
	_ =	sdelay $0x1  }
0x1f1: {  	s16 =	sadd.s32 $0x10, s10;
	(xrf0) =	vmax.scan.msk.f32 $0xffff, v13  }
0x1f2: {  	v16 =	vld [tilespmem:s16+$0x0];
	v12 =	vbroadcast v12, $0xF;
	_ =	sdelay $0x1  }
0x1f3: {  	s13 =	sadd.s32 $0x10, s12;
	v14 =	vxor.u32 $0x80000000, v14;
	vm3 =	veq.f32 v15, v12  }
0x1f4: {  	s31 =	simm.s32 $0x2;
	s30 =	simm.s32 $0x3;
	v17 =	vld [tilespmem:s13+$0x0];
	v14 =	vnsel vm3, $0xFFFFFFFF, v14  }
0x1f5: {  	s25 =	simm.s32 $0x4;
	s14 =	simm.s32 $0x6;
	s16 =	sadd.s32 $0x10, s16;
	(xrf0) =	vmin.scan.msk.u32 $0xffff, v14  }
0x1f6: {  	s10 =	simm.s32 $0x5;
	s11 =	simm.s32 $0x1;
	s12 =	simm.s32 $0x0;
	v15 =	vimm.f32 $-3.000000000e+00;
	v14 =	vimm.s32 $0x7FFFFFFF;
	v18, _, _ =	vpop (xrf0);
	(xrf0) =	vmax.scan.msk.f32 $0xffff, v16  }
.LBB2_19:
0x1f7: {  	v19 =	vld [tilespmem:s16+$0x0];
	p1 =	sne.s32 s14, $0xF;
	v20 =	vmov v10;
	v10 =	vmov v12;
	v12 =	vbroadcast v18, $0xF;
	s17 =	smov.u32 s14;
	s14 =	sadd.s32 $0x1, s14  }
.Ltmp11:
0x1f8: {  	(pc) =	sbr.rel @p1 .LBB2_19-.Ltmp11, $4  }
0x1f9: {  	s13 =	sadd.s32 $0x10, s13;
	v21 =	vmov s12;
	s12 =	smov.u32 s11;
	vm3 =	veq.f32 v13, v12;
	v18 =	vxor.u32 $0x80000000, v17;
	s18 =	spop (v2sf);
	v13 =	vmovc v16  }
0x1fa: {  	s11 =	smov.u32 s31;
	s31 =	smov.u32 s30;
	v17 =	vld [tilespmem:s13+$0x0];
	v22 =	vnsel vm3, $0xFFFFFFFF, v18;
	s18 =	sxor.u32 $0x80000000, s18;
	vm3 =	veq.s32 v21, v3  }
0x1fb: {  	s30 =	smov.u32 s25;
	s25 =	smov.u32 s10;
	s10 =	smov.u32 s17;
	(xrf0) =	vmin.scan.msk.u32 $0xffff, v22;
	v16, _, _ =	vpop (xrf0);
	v15 =	vsel vm3, v9, v15;
	v14 =	vsel vm3, s18, v14;
	v9 =	vmov v11  }
0x1fc: {  	s16 =	sadd.s32 $0x10, s16;
	v11 =	vmov v20;
	(xrf0) =	vmax.scan.msk.f32 $0xffff, v19;
	v18, _, _ =	vpop (xrf0);
	(v2sf) =	vpush v16, $0xF;
	v16 =	vmov v19  }
0x1fd: {  	_ =	sdelay $0x1  }
0x1fe: {  	s13 =	sadd.s32 $0x10, s13  }
0x1ff: {  	v19 =	vld [tilespmem:s13+$0x0]  }
0x200: {  	v20, _, _ =	vpop (xrf0)  }
0x201: {  	v18 =	vbroadcast v18, $0xF;
	v21, _, _ =	vpop (xrf0)  }
0x202: {  	v21 =	vbroadcast v21, $0xF  }
0x203: {  	vm3 =	veq.f32 v13, v18;
	v56 =	vxor.u32 $0x80000000, v17  }
0x204: {  	v13 =	vnsel vm3, $0xFFFFFFFF, v56;
	v57 =	vxor.u32 $0x80000000, v19;
	vm4 =	veq.f32 v16, v21  }
0x205: {  	(xrf0) =	vmin.scan.msk.u32 $0xffff, v13;
	v58 =	vnsel vm4, $0xFFFFFFFF, v57  }
0x206: {  	(xrf0) =	vmin.scan.msk.u32 $0xffff, v58;
	_ =	sdelay $0x4  }
0x207: {  	(v2sf) =	vpush v20, $0xF;
	v59, _, _ =	vpop (xrf0)  }
0x208: {  	(v2sf) =	vpush v59, $0xF;
	v60, _, _ =	vpop (xrf0)  }
0x209: {  	(v2sf) =	vpush v60, $0xF;
	_ =	sdelay $0x7  }
0x20a: {  	v61 =	vmov s12  }
0x20b: {  	s17 =	spop (v2sf);
	v62 =	vmov s11;
	vm3 =	veq.s32 v61, v3  }
0x20c: {  	v63 =	vmov s31;
	s18 =	spop (v2sf);
	s12 =	sxor.u32 $0x80000000, s17;
	vm14 =	veq.s32 v62, v3;
	v9 =	vsel vm3, v9, v15  }
0x20d: {  	s11 =	sxor.u32 $0x80000000, s18;
	v14 =	vsel vm3, s12, v14;
	vm3 =	veq.s32 v63, v3;
	v9 =	vsel vm14, v11, v9;
	s31 =	spop (v2sf)  }
0x20e: {  	v11 =	vsel vm14, s11, v14;
	v9 =	vsel vm3, v10, v9;
	v10 =	vmov s30;
	s30 =	sshll.u32 s9, $0x4;
	s9 =	sadd.s32 $0x1, s9;
	s14 =	sxor.u32 $0x80000000, s31  }
0x20f: {  	p1 =	sne.s32 s9, $0x8;
	v11 =	vsel vm3, s14, v11;
	vm3 =	veq.s32 v10, v3;
	v10 =	vmov s25;
	s16 =	spop (v2sf)  }
.Ltmp12:
0x210: {  	v9 =	vsel vm3, v12, v9;
	vm15 =	veq.s32 v10, v3;
	v10 =	vmov s10;
	s11 =	sxor.u32 $0x80000000, s16;
	s17 =	spop (v2sf);
	(pc) =	sbr.rel @p1 .LBB2_18-.Ltmp12, $4  }
0x211: {  	v9 =	vsel vm15, v18, v9;
	v11 =	vsel vm3, s11, v11;
	vm3 =	veq.s32 v10, v3;
	s18 =	sxor.u32 $0x80000000, s17;
	s25 =	spop (v2sf)  }
0x212: {  	v9 =	vsel vm3, v21, v9;
	v10 =	vsel vm15, s18, v11;
	s31 =	sxor.u32 $0x80000000, s25  }
0x213: {  	[tilespmem:s30+$0x4800] =	vst v9;
	v10 =	vsel vm3, s31, v10  }
0x214: {  	s7 =	sadd.s32 $0x100, s7;
	s8 =	sadd.s32 $0x100, s8;
	[tilespmem:s30+$0x4880] =	vst v10  }
0x215: {  	v18 =	vld [tilespmem:$0x4800]  }
0x216: {  	v17 =	vld [tilespmem:$0x4810]  }
0x217: {  	v19 =	vld [tilespmem:$0x4820]  }
0x218: {  	v23 =	vld [tilespmem:$0x4830]  }
0x219: {  	v24 =	vld [tilespmem:$0x4840]  }
0x21a: {  	v20 =	vld [tilespmem:$0x4850]  }
0x21b: {  	v16 =	vld [tilespmem:$0x4860]  }
0x21c: {  	v21 =	vld [tilespmem:$0x4870]  }
0x21d: {  	v12 =	vld [tilespmem:$0x4880]  }
0x21e: {  	v14 =	vld [tilespmem:$0x4890]  }
0x21f: {  	v22 =	vld [tilespmem:$0x48A0]  }
0x220: {  	v13 =	vld [tilespmem:$0x48B0]  }
0x221: {  	v15 =	vld [tilespmem:$0x48C0]  }
0x222: {  	v11 =	vld [tilespmem:$0x48D0]  }
0x223: {  	v10 =	vld [tilespmem:$0x48E0];
	s25 =	simm.s32 $0x0;
	s30 =	simm.s32 $0x0;
	s7 =	simm.s32 $0x0  }
0x224: {  	v9 =	vld [tilespmem:$0x48F0];
	s31 =	simm.s32 $0x0;
	s16 =	simm.s32 $0x3300;
	s17 =	simm.s32 $0x3580  }
.LBB2_22:
0x225: {  	v25 =	vmax.f32 v18, v17  }
0x226: {  	v25 =	vmax.f32 v25, v19  }
0x227: {  	v25 =	vmax.f32 v25, v23  }
0x228: {  	v25 =	vmax.f32 v25, v24  }
0x229: {  	v25 =	vmax.f32 v25, v20  }
0x22a: {  	v25 =	vmax.f32 v25, v16  }
0x22b: {  	v25 =	vmax.f32 v25, v21  }
0x22c: {  	(xrf0) =	vmax.scan.msk.f32 $0xffff, v25;
	_ =	sdelay $0x5  }
0x22d: {  	v25, _, _ =	vpop (xrf0)  }
0x22e: {  	v30 =	vbroadcast v25, $0xF;
	_ =	sdelay $0x1  }
0x22f: {  	vm3 =	veq.f32 v17, v30  }
0x230: {  	v26 =	vnsel vm3, $0x7FFFFFFF, v14  }
0x231: {  	vm4 =	vlt.s32 v12, v26  }
0x232: {  	vm5 =	veq.f32 v18, v30;
	v27 =	vsel vm4, v12, v26  }
0x233: {  	v26 =	vsel vm5, v27, v26  }
0x234: {  	vm6 =	vlt.s32 v26, v22  }
0x235: {  	vm4 =	veq.f32 v19, v30;
	v27 =	vsel vm6, v26, v22  }
0x236: {  	v26 =	vsel vm4, v27, v26  }
0x237: {  	vm7 =	vlt.s32 v26, v13  }
0x238: {  	vm6 =	veq.f32 v23, v30;
	v27 =	vsel vm7, v26, v13  }
0x239: {  	v26 =	vsel vm6, v27, v26  }
0x23a: {  	vm8 =	vlt.s32 v26, v15  }
0x23b: {  	vm7 =	veq.f32 v24, v30;
	v27 =	vsel vm8, v26, v15  }
0x23c: {  	v26 =	vsel vm7, v27, v26  }
0x23d: {  	vm9 =	vlt.s32 v26, v11  }
0x23e: {  	vm8 =	veq.f32 v20, v30;
	v27 =	vsel vm9, v26, v11  }
0x23f: {  	v26 =	vsel vm8, v27, v26  }
0x240: {  	vm10 =	vlt.s32 v26, v10  }
0x241: {  	vm9 =	veq.f32 v16, v30;
	v27 =	vsel vm10, v26, v10  }
0x242: {  	v26 =	vsel vm9, v27, v26  }
0x243: {  	vm11 =	vlt.s32 v26, v9  }
0x244: {  	vm10 =	veq.f32 v21, v30;
	v27 =	vsel vm11, v26, v9  }
0x245: {  	v26 =	vsel vm10, v27, v26  }
0x246: {  	v26 =	vxor.u32 $0x80000000, v26  }
0x247: {  	(xrf0) =	vmin.scan.msk.u32 $0xffff, v26;
	_ =	sdelay $0x5  }
0x248: {  	(v2sf) =	vpush v25, $0xF;
	v25, _, _ =	vpop (xrf0)  }
0x249: {  	(v2sf) =	vpush v25, $0xF;
	_ =	sdelay $0xd  }
0x24a: {  	s9 =	spop (v2sf)  }
0x24b: {  	s8 =	spop (v2sf)  }
0x24c: {  	v27 =	vor.u32 $0x80000050, v3;
	s8 =	sxor.u32 $0x80000000, s8  }
0x24d: {  	v26 =	vor.u32 $0x80000030, v3;
	v25 =	vor.u32 $0x80000040, v3;
	vm11 =	veq.s32 v12, s8  }
0x24e: {  	vm12 =	veq.s32 v13, s8;
	vm5 =	vmand vm5, vm11;
	vm11 =	veq.s32 v14, s8  }
0x24f: {  	vm14 =	veq.s32 v22, s8;
	vm3 =	vmand vm3, vm11;
	v28 =	vnsel vm5, $0x80000080, v6  }
0x250: {  	vm13 =	veq.s32 v9, s8;
	vm4 =	vmand vm4, vm14;
	v28 =	vsel vm3, v7, v28  }
0x251: {  	vm5 =	veq.s32 v15, s8;
	vm3 =	vmand vm6, vm12;
	v28 =	vsel vm4, v8, v28  }
0x252: {  	vm4 =	vmand vm7, vm5;
	vm5 =	veq.s32 v11, s8;
	v28 =	vsel vm3, v26, v28  }
0x253: {  	vm3 =	vmand vm8, vm5;
	vm5 =	veq.s32 v10, s8;
	v29 =	vsel vm4, v25, v28  }
0x254: {  	v28 =	vor.u32 $0x80000060, v3;
	vm4 =	vmand vm9, vm5;
	v29 =	vsel vm3, v27, v29  }
0x255: {  	vm3 =	vmand vm10, vm13;
	v31 =	vsel vm4, v28, v29;
	v29 =	vor.u32 $0x80000070, v3  }
0x256: {  	v31 =	vsel vm3, v29, v31  }
0x257: {  	(xrf0) =	vmin.scan.msk.u32 $0xffff, v31;
	_ =	sdelay $0x5  }
0x258: {  	v31, _, _ =	vpop (xrf0)  }
0x259: {  	(v2sf) =	vpush v31, $0xF;
	_ =	sdelay $0xe  }
0x25a: {  	s11 =	spop (v2sf)  }
0x25b: {  	s10 =	sshll.u32 s11, $0x4  }
0x25c: {  	v31 =	vld [tilespmem:s10+$0x3800]  }
0x25d: {  	v32 =	vld [tilespmem:s10+$0x4000];
	_ =	sdelay $0x4  }
0x25e: {  	vm3 =	veq.f32 v31, v30;
	vm4 =	veq.s32 v32, s8  }
0x25f: {  	vm3 =	vmand vm3, vm4  }
0x260: {  	v30 =	vnsel vm3, $0x80000010, v6  }
0x261: {  	(xrf0) =	vmin.scan.msk.u32 $0xffff, v30;
	_ =	sdelay $0x5  }
0x262: {  	v30, _, _ =	vpop (xrf0)  }
0x263: {  	(v2sf) =	vpush v30, $0xF;
	_ =	sdelay $0xe  }
0x264: {  	s12 =	spop (v2sf)  }
0x265: {  	s12 =	sxor.u32 $0x80000000, s12  }
0x266: {  	v30 =	vmov s12  }
0x267: {  	vm3 =	veq.s32 v30, v3  }
0x268: {  	v31 =	vsel vm3, $0xC0000000, v31  }
0x269: {  	s14 =	sshra.s32 s11, $0x4;
	(xrf0) =	vmax.scan.msk.f32 $0xffff, v31  }
0x26a: {  	vm6 =	vmmov vm2;
	vm5 =	vmmov vm2;
	p1 =	seq.s32 s14, $0xF8000000  }
0x26b: {  	vm7 =	vmmov vm2;
	vm8 =	vmmov vm2;
	s11 =	sand.u32 $0xF, s11;
	vm5 =	vmneg @p1 vm5;
	p1 =	seq.s32 s14, $0xF8000003  }
0x26c: {  	vm9 =	vmmov vm2;
	p2 =	seq.s32 s14, $0xF8000001;
	vm8 =	vmneg @p1 vm8;
	p1 =	seq.s32 s14, $0xF8000005;
	v30 =	vmov s11  }
0x26d: {  	vm13 =	vmmov vm2;
	p3 =	seq.s32 s14, $0xF8000002;
	vm6 =	vmneg @p2 vm6;
	vm9 =	vmneg @p1 vm9;
	p1 =	seq.s32 s14, $0xF8000006  }
0x26e: {  	vm7 =	vmneg @p3 vm7;
	p2 =	seq.s32 s14, $0xF8000004;
	vm13 =	vmneg @p1 vm13;
	vm4 =	vmmov vm2  }
0x26f: {  	vm4 =	vmneg @p2 vm4;
	p2 =	seq.s32 s14, $0xF8000007;
	vm3 =	vmmov vm2;
	vm12 =	veq.s32 v30, v3;
	v30, _, _ =	vpop (xrf0)  }
0x270: {  	v32 =	vxor.u32 $0x80000000, v32;
	vm3 =	vmneg @p2 vm3;
	v30 =	vbroadcast v30, $0xF  }
0x271: {  	vm4 =	vmand vm4, vm12;
	vm10 =	vmand vm5, vm12;
	vm11 =	vmand vm6, vm12  }
0x272: {  	vm7 =	vmand vm7, vm12;
	v18 =	vsel vm10, v30, v18;
	v17 =	vsel vm11, v30, v17  }
0x273: {  	vm8 =	vmand vm8, vm12;
	v19 =	vsel vm7, v30, v19;
	v33 =	vmax.f32 v18, v17  }
0x274: {  	vm5 =	vmand vm9, vm12;
	v23 =	vsel vm8, v30, v23;
	v33 =	vmax.f32 v33, v19  }
0x275: {  	vm6 =	vmand vm13, vm12;
	v24 =	vsel vm4, v30, v24;
	v33 =	vmax.f32 v33, v23  }
0x276: {  	vm3 =	vmand vm3, vm12;
	v20 =	vsel vm5, v30, v20;
	v33 =	vmax.f32 v33, v24  }
0x277: {  	vm9 =	veq.f32 v31, v30;
	v16 =	vsel vm6, v30, v16;
	v33 =	vmax.f32 v33, v20  }
0x278: {  	v21 =	vsel vm3, v30, v21;
	v32 =	vnsel vm9, $0xFFFFFFFF, v32;
	v30 =	vmax.f32 v33, v16  }
0x279: {  	(xrf0) =	vmin.scan.msk.u32 $0xffff, v32;
	v30 =	vmax.f32 v30, v21  }
0x27a: {  	(xrf0) =	vmax.scan.msk.f32 $0xffff, v30;
	_ =	sdelay $0x3  }
0x27b: {  	s18 =	sadd.s32 $0x0, s30;
	p1 =	sgt.f32 s9, $0.0e+00  }
0x27c: {  	v61 =	vmov s25;
	s12 =	ssub.s32 s18, s7;
	s11 =	rddreg [dreg:$0x8];
	v30, _, _ =	vpop (xrf0)  }
0x27d: {  	v62 =	vimm.s32 $0x0;
	s12 =	smov.u32 @p1 s8;
	s11 =	simm.s32 @!p1 $0x0;
	vm9 =	veq.s32 v61, v3;
	(v2sf) =	vpush v30, $0xF;
	v63, _, _ =	vpop (xrf0)  }
0x27e: {  	s9 =	simm.s32 $0x2;
	s8 =	simm.s32 $0x1;
	s7 =	sadd.s32 s11, s7;
	[tilespmem:s10+$0x3800] =	vst v31;
	v30 =	vsel vm9, s12, v62;
	v31 =	vbroadcast v63, $0xF;
	(v2sf) =	vpush v63, $0xF  }
.LBB2_23:
0x27f: {  	_ =	sdelay $0xc  }
0x280: {  	s11 =	spop (v2sf)  }
0x281: {  	s11 =	sxor.u32 $0x80000000, s11  }
0x282: {  	vm9 =	veq.f32 v17, v31;
	v14 =	vsel vm11, s11, v14  }
0x283: {  	v12 =	vsel vm10, s11, v12;
	v32 =	vnsel vm9, $0x7FFFFFFF, v14  }
0x284: {  	v10 =	vsel vm6, s11, v10;
	vm6 =	vlt.s32 v12, v32  }
0x285: {  	vm12 =	veq.f32 v18, v31;
	v33 =	vsel vm6, v12, v32  }
0x286: {  	v22 =	vsel vm7, s11, v22;
	v32 =	vsel vm12, v33, v32  }
0x287: {  	v11 =	vsel vm5, s11, v11;
	vm5 =	vlt.s32 v32, v22  }
0x288: {  	v9 =	vsel vm3, s11, v9;
	vm3 =	veq.f32 v19, v31;
	v33 =	vsel vm5, v32, v22  }
0x289: {  	v13 =	vsel vm8, s11, v13;
	v32 =	vsel vm3, v33, v32  }
0x28a: {  	vm6 =	vlt.s32 v32, v13  }
0x28b: {  	v15 =	vsel vm4, s11, v15;
	vm4 =	veq.f32 v23, v31;
	v33 =	vsel vm6, v32, v13  }
0x28c: {  	v32 =	vsel vm4, v33, v32  }
0x28d: {  	vm7 =	vlt.s32 v32, v15  }
0x28e: {  	vm5 =	veq.f32 v24, v31;
	v33 =	vsel vm7, v32, v15  }
0x28f: {  	v32 =	vsel vm5, v33, v32  }
0x290: {  	vm8 =	vlt.s32 v32, v11  }
0x291: {  	vm6 =	veq.f32 v20, v31;
	v33 =	vsel vm8, v32, v11  }
0x292: {  	v32 =	vsel vm6, v33, v32  }
0x293: {  	vm10 =	vlt.s32 v32, v10  }
0x294: {  	vm7 =	veq.f32 v16, v31;
	v33 =	vsel vm10, v32, v10  }
0x295: {  	v32 =	vsel vm7, v33, v32  }
0x296: {  	vm10 =	vlt.s32 v32, v9  }
0x297: {  	vm8 =	veq.f32 v21, v31;
	v33 =	vsel vm10, v32, v9  }
0x298: {  	v32 =	vsel vm8, v33, v32  }
0x299: {  	v32 =	vxor.u32 $0x80000000, v32  }
0x29a: {  	(xrf0) =	vmin.scan.msk.u32 $0xffff, v32;
	_ =	sdelay $0x5  }
0x29b: {  	v32, _, _ =	vpop (xrf0)  }
0x29c: {  	s13 =	spop (v2sf);
	(v2sf) =	vpush v32, $0xF;
	_ =	sdelay $0xe  }
0x29d: {  	s10 =	smov.u32 s9;
	s18 =	spop (v2sf)  }
0x29e: {  	s14 =	sadd.s32 s8, s30;
	v56 =	vmov s8;
	s8 =	smov.u32 s10;
	s10 =	sxor.u32 $0x80000000, s18  }
0x29f: {  	vm11 =	veq.s32 v12, s10  }
0x2a0: {  	vm11 =	vmand vm12, vm11;
	vm12 =	veq.s32 v14, s10  }
0x2a1: {  	vm15 =	veq.s32 v22, s10;
	vm9 =	vmand vm9, vm12;
	v57 =	vnsel vm11, $0x80000080, v6  }
0x2a2: {  	vm13 =	veq.s32 v13, s10;
	vm3 =	vmand vm3, vm15;
	v32 =	vsel vm9, v7, v57  }
0x2a3: {  	vm4 =	vmand vm4, vm13;
	vm9 =	veq.s32 v15, s10;
	v32 =	vsel vm3, v8, v32  }
0x2a4: {  	vm3 =	vmand vm5, vm9;
	vm5 =	veq.s32 v11, s10;
	v32 =	vsel vm4, v26, v32  }
0x2a5: {  	vm4 =	vmand vm6, vm5;
	vm5 =	veq.s32 v10, s10;
	v32 =	vsel vm3, v25, v32  }
0x2a6: {  	vm14 =	veq.s32 v9, s10;
	vm3 =	vmand vm7, vm5;
	v32 =	vsel vm4, v27, v32  }
0x2a7: {  	vm5 =	vmand vm8, vm14;
	v32 =	vsel vm3, v28, v32  }
0x2a8: {  	v32 =	vsel vm5, v29, v32  }
0x2a9: {  	(xrf0) =	vmin.scan.msk.u32 $0xffff, v32;
	_ =	sdelay $0x5  }
0x2aa: {  	v32, _, _ =	vpop (xrf0)  }
0x2ab: {  	(v2sf) =	vpush v32, $0xF;
	_ =	sdelay $0xb  }
0x2ac: {  	p2 =	sgt.f32 s13, $0.0e+00  }
0x2ad: {  	s11 =	ssub.s32 s14, s7  }
0x2ae: {  	vm10 =	veq.s32 v56, v3;
	s11 =	smov.u32 @p2 s10  }
0x2af: {  	v30 =	vsel vm10, s11, v30;
	s11 =	spop (v2sf)  }
0x2b0: {  	s14 =	sshll.u32 s11, $0x4  }
0x2b1: {  	v58 =	vld [tilespmem:s14+$0x3800]  }
0x2b2: {  	v34 =	vld [tilespmem:s14+$0x4000];
	_ =	sdelay $0x4  }
0x2b3: {  	vm10 =	veq.f32 v58, v31;
	vm13 =	veq.s32 v34, s10  }
0x2b4: {  	vm10 =	vmand vm10, vm13  }
0x2b5: {  	v31 =	vnsel vm10, $0x80000010, v6  }
0x2b6: {  	(xrf0) =	vmin.scan.msk.u32 $0xffff, v31;
	_ =	sdelay $0x5  }
0x2b7: {  	v31, _, _ =	vpop (xrf0)  }
0x2b8: {  	(v2sf) =	vpush v31, $0xF;
	_ =	sdelay $0xe  }
0x2b9: {  	s18 =	spop (v2sf)  }
0x2ba: {  	s10 =	sxor.u32 $0x80000000, s18  }
0x2bb: {  	v31 =	vmov s10  }
0x2bc: {  	vm10 =	veq.s32 v31, v3  }
0x2bd: {  	s12 =	rddreg [dreg:$0x8];
	v31 =	vsel vm10, $0xC0000000, v58  }
0x2be: {  	s12 =	simm.s32 @!p2 $0x0;
	vm11 =	vmmov vm2;
	vm12 =	vmmov vm2;
	(xrf0) =	vmax.scan.msk.f32 $0xffff, v31  }
0x2bf: {  	s7 =	sadd.s32 s12, s7;
	vm9 =	vmmov vm2;
	vm6 =	vmmov vm2;
	vm8 =	vmmov vm2;
	s13 =	sshra.s32 s11, $0x4  }
0x2c0: {  	vm4 =	vmmov vm2;
	vm3 =	vmmov vm2;
	vm5 =	vmmov vm2;
	s12 =	sand.u32 $0xF, s11;
	p2 =	seq.s32 s13, $0xF8000000;
	p3 =	seq.s32 s13, $0xF8000001  }
0x2c1: {  	v59 =	vmov s12;
	vm9 =	vmneg @p2 vm9;
	vm11 =	vmneg @p3 vm11;
	p2 =	seq.s32 s13, $0xF8000002;
	p3 =	seq.s32 s13, $0xF8000003  }
0x2c2: {  	vm7 =	veq.s32 v59, v3;
	vm12 =	vmneg @p2 vm12;
	vm8 =	vmneg @p3 vm8;
	p2 =	seq.s32 s13, $0xF8000004;
	p3 =	seq.s32 s13, $0xF8000005  }
0x2c3: {  	vm11 =	vmand vm11, vm7;
	vm4 =	vmneg @p2 vm4;
	vm5 =	vmneg @p3 vm5;
	p2 =	seq.s32 s13, $0xF8000006;
	p3 =	seq.s32 s13, $0xF8000007  }
0x2c4: {  	vm8 =	vmand vm8, vm7;
	vm6 =	vmneg @p2 vm6;
	vm3 =	vmneg @p3 vm3;
	v60, _, _ =	vpop (xrf0)  }
0x2c5: {  	vm4 =	vmand vm4, vm7;
	vm5 =	vmand vm5, vm7;
	v32 =	vbroadcast v60, $0xF  }
0x2c6: {  	vm3 =	vmand vm3, vm7;
	vm6 =	vmand vm6, vm7;
	v61 =	vxor.u32 $0x80000000, v34  }
0x2c7: {  	vm10 =	vmand vm9, vm7;
	vm7 =	vmand vm12, vm7;
	vm9 =	veq.f32 v31, v32  }
0x2c8: {  	[tilespmem:s14+$0x3800] =	vst v31;
	v18 =	vsel vm10, v32, v18;
	v17 =	vsel vm11, v32, v17;
	v31 =	vnsel vm9, $0xFFFFFFFF, v61  }
0x2c9: {  	v19 =	vsel vm7, v32, v19;
	(xrf0) =	vmin.scan.msk.u32 $0xffff, v31;
	v31 =	vmax.f32 v18, v17  }
0x2ca: {  	v23 =	vsel vm8, v32, v23;
	v31 =	vmax.f32 v31, v19  }
0x2cb: {  	v24 =	vsel vm4, v32, v24;
	v31 =	vmax.f32 v31, v23  }
0x2cc: {  	v20 =	vsel vm5, v32, v20;
	v31 =	vmax.f32 v31, v24  }
0x2cd: {  	v16 =	vsel vm6, v32, v16;
	v31 =	vmax.f32 v31, v20  }
0x2ce: {  	v21 =	vsel vm3, v32, v21;
	v31 =	vmax.f32 v31, v16  }
0x2cf: {  	v31 =	vmax.f32 v31, v21  }
0x2d0: {  	v62, _, _ =	vpop (xrf0);
	(xrf0) =	vmax.scan.msk.f32 $0xffff, v31;
	_ =	sdelay $0x1  }
0x2d1: {  	p1 =	sne.s32 s9, $0xF  }
.Ltmp13:
0x2d2: {  	_ = 	snop;
	(pc) =	sbr.rel @p1 .LBB2_23-.Ltmp13, $3  }
0x2d3: {  	_ =	sdelay $0x1  }
0x2d4: {  	(v2sf) =	vpush v62, $0xF;
	v63, _, _ =	vpop (xrf0)  }
0x2d5: {  	s9 =	sadd.s32 $0x1, s9;
	v31 =	vbroadcast v63, $0xF;
	(v2sf) =	vpush v63, $0xF  }
0x2d6: {  	_ =	sdelay $0xc  }
0x2d7: {  	s9 =	spop (v2sf)  }
0x2d8: {  	s9 =	sxor.u32 $0x80000000, s9  }
0x2d9: {  	vm9 =	veq.f32 v17, v31;
	v14 =	vsel vm11, s9, v14  }
0x2da: {  	v12 =	vsel vm10, s9, v12;
	v32 =	vnsel vm9, $0x7FFFFFFF, v14  }
0x2db: {  	vm13 =	vlt.s32 v12, v32  }
0x2dc: {  	vm10 =	veq.f32 v18, v31;
	v33 =	vsel vm13, v12, v32  }
0x2dd: {  	v22 =	vsel vm7, s9, v22;
	v32 =	vsel vm10, v33, v32  }
0x2de: {  	vm14 =	vlt.s32 v32, v22  }
0x2df: {  	vm7 =	veq.f32 v19, v31;
	v33 =	vsel vm14, v32, v22  }
0x2e0: {  	v13 =	vsel vm8, s9, v13;
	v32 =	vsel vm7, v33, v32  }
0x2e1: {  	vm15 =	vlt.s32 v32, v13  }
0x2e2: {  	vm8 =	veq.f32 v23, v31;
	v33 =	vsel vm15, v32, v13  }
0x2e3: {  	v15 =	vsel vm4, s9, v15;
	v32 =	vsel vm8, v33, v32  }
0x2e4: {  	vm12 =	vlt.s32 v32, v15  }
0x2e5: {  	vm4 =	veq.f32 v24, v31;
	v33 =	vsel vm12, v32, v15  }
0x2e6: {  	v11 =	vsel vm5, s9, v11;
	v32 =	vsel vm4, v33, v32  }
0x2e7: {  	vm13 =	vlt.s32 v32, v11  }
0x2e8: {  	vm5 =	veq.f32 v20, v31;
	v33 =	vsel vm13, v32, v11  }
0x2e9: {  	v10 =	vsel vm6, s9, v10;
	v32 =	vsel vm5, v33, v32  }
0x2ea: {  	vm14 =	vlt.s32 v32, v10  }
0x2eb: {  	vm6 =	veq.f32 v16, v31;
	v33 =	vsel vm14, v32, v10  }
0x2ec: {  	v9 =	vsel vm3, s9, v9;
	v32 =	vsel vm6, v33, v32  }
0x2ed: {  	vm3 =	vlt.s32 v32, v9  }
0x2ee: {  	vm11 =	veq.f32 v21, v31;
	v33 =	vsel vm3, v32, v9  }
0x2ef: {  	v32 =	vsel vm11, v33, v32  }
0x2f0: {  	v32 =	vxor.u32 $0x80000000, v32  }
0x2f1: {  	(xrf0) =	vmin.scan.msk.u32 $0xffff, v32;
	_ =	sdelay $0x5  }
0x2f2: {  	v32, _, _ =	vpop (xrf0)  }
0x2f3: {  	(v2sf) =	vpush v32, $0xF;
	_ =	sdelay $0xd  }
0x2f4: {  	s14 =	spop (v2sf)  }
0x2f5: {  	s10 =	spop (v2sf)  }
0x2f6: {  	s10 =	sxor.u32 $0x80000000, s10  }
0x2f7: {  	vm3 =	veq.s32 v12, s10  }
0x2f8: {  	vm3 =	vmand vm10, vm3;
	vm10 =	veq.s32 v14, s10  }
0x2f9: {  	vm12 =	veq.s32 v22, s10;
	vm9 =	vmand vm9, vm10;
	v55 =	vnsel vm3, $0x80000080, v6  }
0x2fa: {  	vm7 =	vmand vm7, vm12;
	vm3 =	veq.s32 v13, s10;
	v32 =	vsel vm9, v7, v55  }
0x2fb: {  	vm15 =	veq.s32 v15, s10;
	vm3 =	vmand vm8, vm3;
	v32 =	vsel vm7, v8, v32  }
0x2fc: {  	vm4 =	vmand vm4, vm15;
	vm10 =	veq.s32 v11, s10;
	v26 =	vsel vm3, v26, v32  }
0x2fd: {  	vm12 =	veq.s32 v10, s10;
	vm3 =	vmand vm5, vm10;
	v25 =	vsel vm4, v25, v26  }
0x2fe: {  	vm13 =	veq.s32 v9, s10;
	vm5 =	vmand vm6, vm12;
	v25 =	vsel vm3, v27, v25  }
0x2ff: {  	vm3 =	vmand vm11, vm13;
	v25 =	vsel vm5, v28, v25  }
0x300: {  	v25 =	vsel vm3, v29, v25  }
0x301: {  	(xrf0) =	vmin.scan.msk.u32 $0xffff, v25;
	_ =	sdelay $0x5  }
0x302: {  	v25, _, _ =	vpop (xrf0)  }
0x303: {  	(v2sf) =	vpush v25, $0xF;
	_ =	sdelay $0xe  }
0x304: {  	s11 =	spop (v2sf)  }
0x305: {  	s12 =	sshll.u32 s11, $0x4  }
0x306: {  	v25 =	vld [tilespmem:s12+$0x3800]  }
0x307: {  	v26 =	vld [tilespmem:s12+$0x4000];
	_ =	sdelay $0x4  }
0x308: {  	vm3 =	veq.f32 v25, v31;
	vm14 =	veq.s32 v26, s10  }
0x309: {  	vm3 =	vmand vm3, vm14  }
0x30a: {  	v27 =	vnsel vm3, $0x80000010, v6  }
0x30b: {  	(xrf0) =	vmin.scan.msk.u32 $0xffff, v27;
	_ =	sdelay $0x5  }
0x30c: {  	v27, _, _ =	vpop (xrf0)  }
0x30d: {  	(v2sf) =	vpush v27, $0xF;
	_ =	sdelay $0xe  }
0x30e: {  	s13 =	spop (v2sf)  }
0x30f: {  	s13 =	sxor.u32 $0x80000000, s13  }
0x310: {  	v27 =	vmov s13  }
0x311: {  	vm3 =	veq.s32 v27, v3  }
0x312: {  	v25 =	vsel vm3, $0xC0000000, v25  }
0x313: {  	(xrf0) =	vmax.scan.msk.f32 $0xffff, v25;
	_ =	sdelay $0x5  }
0x314: {  	v27, _, _ =	vpop (xrf0)  }
0x315: {  	v27 =	vbroadcast v27, $0xF;
	_ =	sdelay $0x1  }
0x316: {  	v26 =	vxor.u32 $0x80000000, v26;
	vm3 =	veq.f32 v25, v27  }
0x317: {  	v26 =	vnsel vm3, $0xFFFFFFFF, v26  }
0x318: {  	(xrf0) =	vmin.scan.msk.u32 $0xffff, v26;
	_ =	sdelay $0x1  }
0x319: {  	s18 =	sadd.s32 s8, s30;
	p1 =	sgt.f32 s14, $0.0e+00  }
0x31a: {  	v26 =	vmov s8;
	s8 =	ssub.s32 s18, s7  }
0x31b: {  	vm3 =	veq.s32 v26, v3;
	s8 =	smov.u32 @p1 s10  }
0x31c: {  	v26 =	vsel vm3, s8, v30  }
0x31d: {  	vm9 =	vmmov vm2;
	v56 =	vand.u32 $0x3FFF, v26;
	v57, _, _ =	vpop (xrf0)  }
0x31e: {  	vm8 =	vmmov vm2;
	vm7 =	vmmov vm2;
	(v2sf) =	vpush v57, $0xF  }
0x31f: {  	vm10 =	vmmov vm2;
	vm6 =	vmmov vm2;
	s13 =	sand.u32 $0xF, s11;
	s10 =	sshra.s32 s11, $0x4;
	v58 =	vor.u32 $0x4000, v56  }
0x320: {  	vm4 =	vmmov vm2;
	vm5 =	vmmov vm2;
	v59 =	vmov s13;
	p2 =	seq.s32 s10, $0xF8000000  }
0x321: {  	vm15 =	veq.s32 v59, v3;
	[tilespmem:s12+$0x3800] =	vst v25;
	p3 =	seq.s32 s10, $0xF8000001;
	p4 =	seq.s32 s10, $0xF8000002;
	vm3 =	vmmov vm2;
	vm9 =	vmneg @p2 vm9  }
0x322: {  	vm8 =	vmneg @p3 vm8;
	p2 =	seq.s32 s10, $0xF8000003;
	vm7 =	vmneg @p4 vm7;
	p3 =	seq.s32 s10, $0xF8000004;
	v62 =	vand.u32 $0x7F, v26;
	v25 =	vld.idx.msk [tilespmem:v56+s0+$0x0], $0xffff  }
0x323: {  	v26 =	vshrl.u32 v26, $0x7;
	vm10 =	vmneg @p2 vm10;
	vm3 =	vmneg @p3 vm3;
	v28 =	vld.idx.msk [tilespmem:v56+s2+$0x0], $0xffff  }
0x324: {  	p2 =	seq.s32 s10, $0xF8000005;
	v30 =	vcvt.s32.f32 v62;
	v26 =	vand.u32 $0x7F, v26;
	vm9 =	vmand vm9, vm15;
	v60 =	vld.idx.msk [tilespmem:v58+s0+$0x0], $0xffff  }
0x325: {  	p3 =	seq.s32 s10, $0xF8000007;
	vm8 =	vmand vm8, vm15;
	vm7 =	vmand vm7, vm15;
	vm4 =	vmneg @p2 vm4;
	v61 =	vld.idx.msk [tilespmem:v58+s2+$0x0], $0xffff  }
0x326: {  	vm5 =	vmneg @p3 vm5;
	vm3 =	vmand vm3, vm15;
	vm10 =	vmand vm10, vm15  }
0x327: {  	v26 =	vcvt.s32.f32 v26;
	v18 =	vsel vm9, v27, v18;
	v17 =	vsel vm8, v27, v17  }
0x328: {  	p2 =	seq.s32 s10, $0xF8000006;
	v19 =	vsel vm7, v27, v19;
	v25 =	vadd.f32 v30, v25;
	v28 =	vmul.f32 $5.000000000e-01, v28  }
0x329: {  	vm6 =	vmneg @p2 vm6;
	vm5 =	vmand vm5, vm15;
	vm4 =	vmand vm4, vm15  }
0x32a: {  	v26 =	vadd.f32 v26, v60;
	v29 =	vmul.f32 $5.000000000e-01, v61;
	v30 =	vsub.f32 v25, v28  }
0x32b: {  	s14 =	sshll.u32 s31, $0x4;
	s9 =	rddreg [dreg:$0x8];
	s31 =	sadd.s32 $0x1, s31;
	v23 =	vsel vm10, v27, v23;
	v24 =	vsel vm3, v27, v24;
	v25 =	vadd.f32 v28, v25  }
0x32c: {  	s9 =	simm.s32 @!p1 $0x0;
	p1 =	sne.s32 s31, $0x13;
	s8 =	sand.u32 $0x3FFFFFF0, s14;
	vm6 =	vmand vm6, vm15;
	v31 =	vsub.f32 v26, v29;
	v30 =	vmul.f32 $4.000000000e+00, v30  }
.Ltmp14:
0x32d: {  	v20 =	vsel vm4, v27, v20;
	[tilespmem:s8+$0x14900] =	vst v0;
	v26 =	vadd.f32 v29, v26;
	v25 =	vmul.f32 $4.000000000e+00, v25;
	s18 =	spop (v2sf);
	(pc) =	sbr.rel @p1 .LBB2_22-.Ltmp14, $4  }
0x32e: {  	v21 =	vsel vm5, v27, v21;
	v16 =	vsel vm6, v27, v16;
	v63 =	vmul.f32 $4.000000000e+00, v31;
	[tilespmem:s8+$0x14A30] =	vst v30;
	s10 =	sxor.u32 $0x80000000, s18  }
0x32f: {  	v26 =	vmul.f32 $4.000000000e+00, v26;
	[tilespmem:s8+$0x14C90] =	vst v25;
	v12 =	vsel vm9, s10, v12;
	v14 =	vsel vm8, s10, v14  }
0x330: {  	[tilespmem:s8+$0x14B60] =	vst v63;
	v9 =	vsel vm5, s10, v9;
	v13 =	vsel vm10, s10, v13;
	v10 =	vsel vm6, s10, v10  }
0x331: {  	s30 =	sadd.s32 $0x10, s30;
	s7 =	sadd.s32 s9, s7;
	[tilespmem:s8+$0x14DC0] =	vst v26;
	v11 =	vsel vm4, s10, v11;
	v22 =	vsel vm7, s10, v22;
	v15 =	vsel vm3, s10, v15  }
.Ltmp15:
0x332: {  	s7 =	rddreg [dreg:$0x13];
	s8 =	simm.s32 $0x14900;
	(pc) =	sbr.rel .LBB2_26-.Ltmp15, $4  }
0x333: {  	[hbm4b:s7+s15] =	stream.linear.scatter [tilespmem:s8], [sflag:$0x5], $0x5F0, $0x38;
	[tilespmem:$0x15300] =	vst v63  }
0x334: {  	_ =	swait.ge [sflag:s24], $0x5F0  }
0x335: {  	[sflag:s24] =	ssyncset.done $0x0  }
0x336: {  	[sflag:s24] =	ssyncadd.s32 $0xFFFFFA10  }
.LBB2_27:
0x337: {  	_ =	sfence.sel $0x180000  }
0x338: {  	[bflag:$0x0] =	sbarrier.arrive $0xFFFF  }
0x339: {  	_ =	strace $0x90000047  }
0x33a: {  	s0 =	stileid.u32;
	[bflag:$0x2] =	sbarrier.arrive $0xFFFF  }
0x33b: {  	p0 =	sne.s32 s0, $0x0;
	s0 =	rddreg [dreg:$0x7]  }
0x33c: {  	s0 =	sadd.s32 @!p0 $0x100000, s0  }
0x33d: {  	[sflag:s0] =	ssyncadd.tile.s32 @!p0 $0x1;
	_ =	shalt  }
.Lfunc_end2:
_tile_overlayer_lowered:
.L_overlay_start_2:
0x33e: {  	(tag) =	ssettag $0x2  }
0x33f: {  	s0 =	rddreg [dreg:$0x0];
	s2 =	stileid.u32  }
0x340: {  	s1 =	rddreg [dreg:$0x1];
	p0 =	sne.s32 s2, $0x0  }
0x341: {  	s3 =	rddreg [dreg:$0x2];
	[bflag:$0x3] =	sbarrier.arrive $0xFFFF;
	s2 =	simm.s32 @!p0 $0x1C05  }
0x342: {  	[timem:s3], [sflag:s2] =	dma.local @!p0 [hbm:s0], s1  }
0x343: {  	s0 =	simm.s32 @!p0 $0x5  }
0x344: {  	_ =	swait.ge @!p0 [sflag:s0], s1  }
0x345: {  	s1 =	ssub.s32 @!p0 $0x0, s1;
	[sflag:s0] =	ssyncset.done @!p0 $0x0  }
0x346: {  	[sflag:s0] =	ssyncadd.s32 @!p0 s1  }
0x347: {  	[bflag:$0x3] =	sbarrier.arrive $0xFFFF  }
0x348: {  	_ =	shalt  }

</sc_bundles>
